<compile_context>
chip_gen: v7x
topology: tpu7x:2x2x1
jax: 0.10.2.dev20260603
libtpu: 0.0.44.dev20260713+nightly
codegen_flags: <defaults>
</compile_context>

<pallas_src>
import functools

import jax
import jax.numpy as jnp
from jax import lax
from jax.experimental import pallas as pl
from jax.experimental.pallas import tpu as pltpu
from jax.experimental.pallas import tpu_sc as plsc

_N = 10000
_E = 320000
_D = 128
_H = 128
_G = 8
_MID = 64

_HH = _H // 2
_ROWS = 512
_NPAD = 10240
_NBLK = _NPAD // _ROWS
_TILES = 16
_CORES = 2
_NW = _TILES * _CORES
_CHUNK = 128
_CPT = 80
_EPT = _CPT * _CHUNK
_EPAD = _NW * _EPT
_DEGW = 8
_RPT = _NPAD // _TILES
_GRP = 4
_NG = _CPT // _GRP


def _sc_mesh():
    return plsc.VectorSubcoreMesh(core_axis_name="c", subcore_axis_name="s")


def _sc_degree(dst_t, ones_hb, zeros_hb):

    @functools.partial(
        pl.kernel,
        out_type=jax.ShapeDtypeStruct((_CORES, _NPAD, _DEGW), jnp.float32),
        mesh=_sc_mesh(),
        compiler_params=pltpu.CompilerParams(use_tc_tiling_on_sc=False),
        scratch_types=[
            pltpu.VMEM((_CPT, _CHUNK), jnp.int32),
            pltpu.VMEM((_CHUNK, _DEGW), jnp.float32),
            pltpu.VMEM((_RPT, _DEGW), jnp.float32),
            pltpu.VMEM_SHARED((_NPAD, _DEGW), jnp.float32),
        ],
    )
    def deg_kernel(dst_hbm, ones_hbm, zeros_hbm, out_hbm, idx_v, ones_v, zero_v, acc_sh):
        cid = lax.axis_index("c")
        sid = lax.axis_index("s")
        wid = cid * _TILES + sid
        r0 = sid * _RPT
        pltpu.sync_copy(dst_hbm.at[wid], idx_v)
        pltpu.sync_copy(ones_hbm, ones_v)
        pltpu.sync_copy(zeros_hbm, zero_v)
        pltpu.sync_copy(zero_v, acc_sh.at[pl.ds(r0, _RPT)])
        plsc.subcore_barrier()

        def body(j, carry):
            pltpu.sync_copy(ones_v, acc_sh.at[idx_v.at[j]], add=True)
            return carry

        lax.fori_loop(0, _CPT, body, 0)
        plsc.subcore_barrier()
        pltpu.sync_copy(acc_sh.at[pl.ds(r0, _RPT)], out_hbm.at[cid, pl.ds(r0, _RPT)])

    return deg_kernel(dst_t, ones_hb, zeros_hb)


def _sc_scatter(xs2, src_t, dst_t):

    @functools.partial(
        pl.kernel,
        out_type=jax.ShapeDtypeStruct((_CORES, _NPAD, _HH), jnp.float32),
        mesh=_sc_mesh(),
        compiler_params=pltpu.CompilerParams(use_tc_tiling_on_sc=False),
        scratch_types=[
            pltpu.VMEM((_CPT, _CHUNK), jnp.int32),
            pltpu.VMEM((_CPT, _CHUNK), jnp.int32),
            pltpu.VMEM((2 * _GRP * _CHUNK, _HH), jnp.float32),
            pltpu.VMEM_SHARED((_NPAD, _HH), jnp.float32),
            pltpu.SemaphoreType.DMA,
            pltpu.SemaphoreType.DMA,
            pltpu.SemaphoreType.DMA,
            pltpu.SemaphoreType.DMA,
            pltpu.SemaphoreType.DMA,
        ],
    )
    def scat_kernel(xs_hbm, src_hbm, dst_hbm, out_hbm,
                    src_v, dst_v, rows_v, acc_sh,
                    sem_a, sem_b, sem_c, sem_sa, sem_sb):
        cid = lax.axis_index("c")
        sid = lax.axis_index("s")
        wid = cid * _TILES + sid
        r0 = sid * _RPT
        src_cp = pltpu.make_async_copy(src_hbm.at[wid], src_v, sem_a)
        src_cp.start()
        dst_cp = pltpu.make_async_copy(dst_hbm.at[wid], dst_v, sem_c)
        dst_cp.start()

        table = xs_hbm.at[cid]

        def fire(g, buf, sem):
            base = g * _GRP
            for b in range(_GRP):
                pltpu.make_async_copy(
                    table.at[src_v.at[base + b]],
                    rows_v.at[pl.ds((buf * _GRP + b) * _CHUNK, _CHUNK)],
                    sem).start()

        pre_cp = pltpu.make_async_copy(
            xs_hbm.at[cid, pl.ds(r0, _RPT)], acc_sh.at[pl.ds(r0, _RPT)], sem_c)
        pre_cp.start()

        src_cp.wait()
        fire(0, 0, sem_a)
        fire(1, 1, sem_b)
        dst_cp.wait()
        pre_cp.wait()
        plsc.subcore_barrier()

        def pair(gg, carry):
            ga = 2 * gg
            for b in range(_GRP):
                pltpu.make_async_copy(
                    table.at[src_v.at[ga * _GRP + b]],
                    rows_v.at[pl.ds(b * _CHUNK, _CHUNK)], sem_a).wait()
            cps_a = []
            for b in range(_GRP):
                cps_a.append(pltpu.async_copy(
                    rows_v.at[pl.ds(b * _CHUNK, _CHUNK)],
                    acc_sh.at[dst_v.at[ga * _GRP + b]], sem_sa, add=True))

            for b in range(_GRP):
                pltpu.make_async_copy(
                    table.at[src_v.at[(ga + 1) * _GRP + b]],
                    rows_v.at[pl.ds((_GRP + b) * _CHUNK, _CHUNK)], sem_b).wait()
            cps_b = []
            for b in range(_GRP):
                cps_b.append(pltpu.async_copy(
                    rows_v.at[pl.ds((_GRP + b) * _CHUNK, _CHUNK)],
                    acc_sh.at[dst_v.at[(ga + 1) * _GRP + b]], sem_sb, add=True))

            for cp in cps_a:
                cp.wait()

            @pl.when(ga + 2 < _NG)
            def _():
                fire(ga + 2, 0, sem_a)

            for cp in cps_b:
                cp.wait()

            @pl.when(ga + 3 < _NG)
            def _():
                fire(ga + 3, 1, sem_b)
            return carry

        lax.fori_loop(0, _NG // 2, pair, 0)

        plsc.subcore_barrier()
        pltpu.sync_copy(acc_sh.at[pl.ds(r0, _RPT)], out_hbm.at[cid, pl.ds(r0, _RPT)])

    return scat_kernel(xs2, src_t, dst_t)


def _dinv_block(dp0, dp1, block_idx):
    deg = dp0[:, 0:1] + dp1[:, 0:1] + 1.0
    dinv = lax.rsqrt(deg)
    rows = block_idx * _ROWS + lax.broadcasted_iota(jnp.int32, (_ROWS, 1), 0)
    return jnp.where(rows < _N, dinv, 0.0)


def _split_cols(y, o_ref):
    o_ref[0, :, :] = y[:, :_HH]
    o_ref[1, :, :] = y[:, _HH:]


_SPLIT_SPEC = pl.BlockSpec((2, _ROWS, _HH), lambda i: (0, i, 0))
_SPLIT_SHAPE = jax.ShapeDtypeStruct((2, _NPAD, _HH), jnp.float32)


def _tc_encode_mm(x_pad, W_enc, b_enc8, Wc0):

    def body(x_ref, we_ref, be_ref, wc_ref, o_ref):
        h = jnp.dot(x_ref[...], we_ref[...], preferred_element_type=jnp.float32)
        h = h + be_ref[0:1, :]
        o_ref[...] = jnp.dot(h, wc_ref[...], preferred_element_type=jnp.float32)

    return pl.pallas_call(
        body,
        grid=(_NBLK,),
        in_specs=[
            pl.BlockSpec((_ROWS, _D), lambda i: (i, 0)),
            pl.BlockSpec((_D, _H), lambda i: (0, 0)),
            pl.BlockSpec((8, _H), lambda i: (0, 0)),
            pl.BlockSpec((_H, _H), lambda i: (0, 0)),
        ],
        out_specs=pl.BlockSpec((_ROWS, _H), lambda i: (i, 0)),
        out_shape=jax.ShapeDtypeStruct((_NPAD, _H), jnp.float32),
    )(x_pad, W_enc, b_enc8, Wc0)


def _tc_scale_split(xh, dp):

    def body(xh_ref, dp_ref, o_ref):
        i = pl.program_id(0)
        _split_cols(xh_ref[...] * _dinv_block(dp_ref[0], dp_ref[1], i), o_ref)

    return pl.pallas_call(
        body,
        grid=(_NBLK,),
        in_specs=[
            pl.BlockSpec((_ROWS, _H), lambda i: (i, 0)),
            pl.BlockSpec((_CORES, _ROWS, _DEGW), lambda i: (0, i, 0)),
        ],
        out_specs=_SPLIT_SPEC,
        out_shape=_SPLIT_SHAPE,
    )(xh, dp)


def _tc_post(p, dp, bias8):

    def body(p_ref, dp_ref, b_ref, y_ref, st_ref):
        i = pl.program_id(0)
        agg = jnp.concatenate([p_ref[0], p_ref[1]], axis=1)
        dinv = _dinv_block(dp_ref[0], dp_ref[1], i)
        rows = i * _ROWS + lax.broadcasted_iota(jnp.int32, (_ROWS, 1), 0)
        y = jnp.where(rows < _N, agg * dinv + b_ref[0:1, :], 0.0)
        y_ref[...] = y
        ps = jnp.sum(jnp.reshape(y, (_ROWS // 8, 8, _H)), axis=0)
        pq = jnp.sum(jnp.reshape(y * y, (_ROWS // 8, 8, _H)), axis=0)

        @pl.when(i == 0)
        def _():
            st_ref[0, :, :] = ps
            st_ref[1, :, :] = pq

        @pl.when(i > 0)
        def _():
            st_ref[0, :, :] += ps
            st_ref[1, :, :] += pq

    return pl.pallas_call(
        body,
        grid=(_NBLK,),
        in_specs=[
            _SPLIT_SPEC,
            pl.BlockSpec((_CORES, _ROWS, _DEGW), lambda i: (0, i, 0)),
            pl.BlockSpec((8, _H), lambda i: (0, 0)),
        ],
        out_specs=[
            pl.BlockSpec((_ROWS, _H), lambda i: (i, 0)),
            pl.BlockSpec((2, 8, _H), lambda i: (0, 0, 0)),
        ],
        out_shape=[
            jax.ShapeDtypeStruct((_NPAD, _H), jnp.float32),
            jax.ShapeDtypeStruct((2, 8, _H), jnp.float32),
        ],
    )(p, dp, bias8)


def _bn_from_stats(st_ref):
    s = jnp.sum(st_ref[0], axis=0, keepdims=True)
    q = jnp.sum(st_ref[1], axis=0, keepdims=True)
    m = s / _N
    v = q / _N - m * m
    return m, lax.rsqrt(v + 1e-5)


def _tc_norm_mm(y, st, g8, be8, Wc, dp):

    def body(y_ref, st_ref, g_ref, be_ref, w_ref, dp_ref, o_ref):
        i = pl.program_id(0)
        m, rstd = _bn_from_stats(st_ref)
        h = jnp.maximum((y_ref[...] - m) * rstd * g_ref[0:1, :] + be_ref[0:1, :], 0.0)
        o = jnp.dot(h, w_ref[...], preferred_element_type=jnp.float32)
        _split_cols(o * _dinv_block(dp_ref[0], dp_ref[1], i), o_ref)

    return pl.pallas_call(
        body,
        grid=(_NBLK,),
        in_specs=[
            pl.BlockSpec((_ROWS, _H), lambda i: (i, 0)),
            pl.BlockSpec((2, 8, _H), lambda i: (0, 0, 0)),
            pl.BlockSpec((8, _H), lambda i: (0, 0)),
            pl.BlockSpec((8, _H), lambda i: (0, 0)),
            pl.BlockSpec((_H, _H), lambda i: (0, 0)),
            pl.BlockSpec((_CORES, _ROWS, _DEGW), lambda i: (0, i, 0)),
        ],
        out_specs=_SPLIT_SPEC,
        out_shape=_SPLIT_SHAPE,
    )(y, st, g8, be8, Wc, dp)


def _tc_norm_pool(y, st, g8, be8, batch_t):

    def body(y_ref, st_ref, g_ref, be_ref, b_ref, o_ref):
        i = pl.program_id(0)
        m, rstd = _bn_from_stats(st_ref)
        h = jnp.maximum((y_ref[...] - m) * rstd * g_ref[0:1, :] + be_ref[0:1, :], 0.0)
        bids = b_ref[0]
        gids = lax.broadcasted_iota(jnp.int32, (_G, _ROWS), 0)
        oh = jnp.equal(gids, bids).astype(jnp.float32)
        psum = jnp.dot(oh, h, preferred_element_type=jnp.float32)
        pcnt = jnp.sum(oh, axis=1, keepdims=True) + jnp.zeros((_G, _H), jnp.float32)

        @pl.when(i == 0)
        def _():
            o_ref[0, :, :] = psum
            o_ref[1, :, :] = pcnt

        @pl.when(i > 0)
        def _():
            o_ref[0, :, :] += psum
            o_ref[1, :, :] += pcnt

    return pl.pallas_call(
        body,
        grid=(_NBLK,),
        in_specs=[
            pl.BlockSpec((_ROWS, _H), lambda i: (i, 0)),
            pl.BlockSpec((2, 8, _H), lambda i: (0, 0, 0)),
            pl.BlockSpec((8, _H), lambda i: (0, 0)),
            pl.BlockSpec((8, _H), lambda i: (0, 0)),
            pl.BlockSpec((1, 1, _ROWS), lambda i: (i, 0, 0)),
        ],
        out_specs=pl.BlockSpec((2, _G, _H), lambda i: (0, 0, 0)),
        out_shape=jax.ShapeDtypeStruct((2, _G, _H), jnp.float32),
    )(y, st, g8, be8, batch_t)


def _tc_head(pool, W1p, b1p, W2p, b2p):

    def body(po_ref, w1_ref, b1_ref, w2_ref, b2_ref, o_ref):
        pooled = po_ref[0] / jnp.maximum(po_ref[1], 1.0)
        hid = jnp.maximum(
            jnp.dot(pooled, w1_ref[...], preferred_element_type=jnp.float32) + b1_ref[...], 0.0)
        logit = jnp.dot(hid, w2_ref[...], preferred_element_type=jnp.float32) + b2_ref[...]
        o_ref[...] = jax.nn.sigmoid(logit)

    return pl.pallas_call(
        body,
        out_shape=jax.ShapeDtypeStruct((_G, _H), jnp.float32),
    )(pool, W1p, b1p, W2p, b2p)


def kernel(x, edge_index, batch, W_enc, b_enc, Wc0, bc0, Wc1, bc1,
           g0, be0, g1, be1, Wl1, bl1, Wl2, bl2):
    x_pad = jnp.pad(x, ((0, _NPAD - _N), (0, 0)))
    pad_e = _EPAD - _E
    src_t = jnp.concatenate(
        [edge_index[0], jnp.full((pad_e,), _N, jnp.int32)]).reshape(_NW, _CPT, _CHUNK)
    dst_t = jnp.concatenate(
        [edge_index[1], jnp.full((pad_e,), _N, jnp.int32)]).reshape(_NW, _CPT, _CHUNK)
    batch_t = jnp.concatenate(
        [batch, jnp.full((_NPAD - _N,), _G, jnp.int32)]).reshape(_NBLK, 1, _ROWS)
    ones_deg = jnp.ones((_CHUNK, _DEGW), jnp.float32)
    zeros_deg = jnp.zeros((_RPT, _DEGW), jnp.float32)
    b_enc8 = jnp.broadcast_to(b_enc, (8, _H))
    bc0_8 = jnp.broadcast_to(bc0, (8, _H))
    bc1_8 = jnp.broadcast_to(bc1, (8, _H))
    g0_8 = jnp.broadcast_to(g0, (8, _H))
    be0_8 = jnp.broadcast_to(be0, (8, _H))
    g1_8 = jnp.broadcast_to(g1, (8, _H))
    be1_8 = jnp.broadcast_to(be1, (8, _H))
    W1p = jnp.pad(Wl1, ((0, 0), (0, _H - _MID)))
    b1p = jnp.pad(jnp.broadcast_to(bl1, (_G, _MID)), ((0, 0), (0, _H - _MID)))
    W2p = jnp.pad(Wl2, ((0, _H - _MID), (0, _H - 1)))
    b2p = jnp.broadcast_to(bl2, (_G, _H))

    xh = _tc_encode_mm(x_pad, W_enc, b_enc8, Wc0)
    dp = _sc_degree(dst_t, ones_deg, zeros_deg)
    xs0 = _tc_scale_split(xh, dp)
    p0 = _sc_scatter(xs0, src_t, dst_t)
    y0, st0 = _tc_post(p0, dp, bc0_8)
    xs1 = _tc_norm_mm(y0, st0, g0_8, be0_8, Wc1, dp)
    p1 = _sc_scatter(xs1, src_t, dst_t)
    y1, st1 = _tc_post(p1, dp, bc1_8)
    pool = _tc_norm_pool(y1, st1, g1_8, be1_8, batch_t)
    out = _tc_head(pool, W1p, b1p, W2p, b2p)
    return out[:, 0]

# --- scband reference (transcript-rebuilt; emitter-appended) ---
"""Pipeline reference for scband-gnn-gcn-86294482911408 (READ-ONLY COPY).

The authoritative reference and input builder live on the scoring server;
editing this copy changes nothing except your own understanding.
"""

import jax, jax.numpy as jnp
import numpy as np

N = 10000
E = 320000
D = 128
H = 128
G = 8
MID = 64


def setup_inputs(seed: int = 0) -> dict:
    key = jax.random.key(seed)
    ks = jax.random.split(key, 20)
    inp = {}
    inp['x'] = jax.random.normal(ks[0], (N, D), dtype=jnp.float32)
    inp['edge_index'] = jax.random.randint(ks[1], (2, E), 0, N, dtype=jnp.int32)
    inp['batch'] = jnp.sort(jax.random.randint(ks[2], (N,), 0, G, dtype=jnp.int32))
    def lin(k, fin, fout):
        s = 1.0 / np.sqrt(fin)
        k1, k2 = jax.random.split(k)
        W = jax.random.uniform(k1, (fin, fout), minval=-s, maxval=s, dtype=jnp.float32)
        b = jax.random.uniform(k2, (fout,), minval=-s, maxval=s, dtype=jnp.float32)
        return W, b
    inp['W_enc'], inp['b_enc'] = lin(ks[3], D, H)
    inp['Wc0'], inp['bc0'] = lin(ks[4], H, H)
    inp['Wc1'], inp['bc1'] = lin(ks[5], H, H)
    inp['g0'] = jnp.ones((H,), jnp.float32)
    inp['be0'] = jnp.zeros((H,), jnp.float32)
    inp['g1'] = jnp.ones((H,), jnp.float32)
    inp['be1'] = jnp.zeros((H,), jnp.float32)
    inp['Wl1'], inp['bl1'] = lin(ks[6], H, MID)
    inp['Wl2'], inp['bl2'] = lin(ks[7], MID, 1)
    return inp


def _gcn_conv(x, edge_index, W, b):
    # PyG GCNConv: linear transform, add self-loops, symmetric normalization, scatter-add
    x = x @ W
    loops = jnp.arange(N, dtype=edge_index.dtype)
    src = jnp.concatenate([edge_index[0], loops])
    dst = jnp.concatenate([edge_index[1], loops])
    deg = jnp.zeros((N,), x.dtype).at[dst].add(1.0)
    dinv = jnp.where(deg > 0, 1.0 / jnp.sqrt(deg), 0.0)
    norm = dinv[src] * dinv[dst]
    msg = x[src] * norm[:, None]
    out = jnp.zeros((N, x.shape[1]), x.dtype).at[dst].add(msg)
    return out + b


def _bn(x, g, b):
    m = jnp.mean(x, axis=0)
    v = jnp.var(x, axis=0)
    return (x - m) / jnp.sqrt(v + 1e-5) * g + b


def reference(x, edge_index, batch, W_enc, b_enc, Wc0, bc0, Wc1, bc1, g0, be0, g1, be1, Wl1, bl1, Wl2, bl2):
    h = x @ W_enc + b_enc
    h = jax.nn.relu(_bn(_gcn_conv(h, edge_index, Wc0, bc0), g0, be0))
    h = jax.nn.relu(_bn(_gcn_conv(h, edge_index, Wc1, bc1), g1, be1))
    # global mean pool over graphs in batch
    sums = jnp.zeros((G, H), h.dtype).at[batch].add(h)
    cnt = jnp.zeros((G,), h.dtype).at[batch].add(1.0)
    pooled = sums / jnp.clip(cnt, 1.0)[:, None]
    hid = jax.nn.relu(pooled @ Wl1 + bl1)
    out = jax.nn.sigmoid(hid @ Wl2 + bl2)
    return out.squeeze(-1)

if __name__ == "__main__":
    import jax
    _d = setup_inputs()
    print(jax.jit(kernel)(*tuple(_d.values())))

</pallas_src>

<mosaic_0001>
#map = affine_map<(d0, d1) -> (0, 0, 0)>
module attributes {stable_mosaic.version = 14 : i64} {
  func.func @scat_kernel(%arg0: i32, %arg1: i32, %arg2: memref<2x10240x64xf32, #tpu.memory_space<hbm>>, %arg3: memref<32x80x128xi32, #tpu.memory_space<hbm>>, %arg4: memref<32x80x128xi32, #tpu.memory_space<hbm>>, %arg5: memref<2x10240x64xf32, #tpu.memory_space<hbm>>, %arg6: memref<80x128xi32, #tpu.memory_space<vmem>>, %arg7: memref<80x128xi32, #tpu.memory_space<vmem>>, %arg8: memref<1024x64xf32, #tpu.memory_space<vmem>>, %arg9: memref<10240x64xf32, #tpu.memory_space<vmem_shared>>, %arg10: memref<!tpu.dma_semaphore, #tpu.memory_space<semaphore_mem>>, %arg11: memref<!tpu.dma_semaphore, #tpu.memory_space<semaphore_mem>>, %arg12: memref<!tpu.dma_semaphore, #tpu.memory_space<semaphore_mem>>, %arg13: memref<!tpu.dma_semaphore, #tpu.memory_space<semaphore_mem>>, %arg14: memref<!tpu.dma_semaphore, #tpu.memory_space<semaphore_mem>>) attributes {dimension_semantics = [#tpu.dimension_semantics<core_parallel>, #tpu.dimension_semantics<subcore_parallel>], iteration_bounds = array<i64: 2, 16>, scalar_prefetch = 0 : i64, scratch_operands = 9 : i64, tpu.core_type = #tpu.core_type<sc_vector_subcore>, window_params = [{transform_indices = #map}, {transform_indices = #map}, {transform_indices = #map}, {transform_indices = #map}]} {
    %mul3A = arith.constant 16 : i32
    %mul3A_0 = arith.muli %arg0, %mul3A : i32
    %add3A = arith.addi %mul3A_0, %arg1 : i32
    %mul3A_1 = arith.constant 640 : i32
    %mul3A_2 = arith.muli %arg1, %mul3A_1 : i32
    %dma_start3A = arith.constant 0 : i32
    %dma_start3A_3 = arith.constant 0 : i32
    %dma_start3A_4 = tpu.memref_slice %arg3[%add3A, %dma_start3A, %dma_start3A_3] : memref<32x80x128xi32, #tpu.memory_space<hbm>> -> memref<1x80x128xi32, #tpu.memory_space<hbm>>
    %dma_start3A_5 = tpu.memref_squeeze %dma_start3A_4 : memref<1x80x128xi32, #tpu.memory_space<hbm>> -> memref<80x128xi32, #tpu.memory_space<hbm>>
    %dma_start3A_6 = arith.constant 0 : i32
    %dma_start3A_7 = arith.constant 0 : i32
    %dma_start3A_8 = tpu.memref_slice %arg3[%add3A, %dma_start3A_6, %dma_start3A_7] : memref<32x80x128xi32, #tpu.memory_space<hbm>> -> memref<1x80x128xi32, #tpu.memory_space<hbm>>
    %dma_start3A_9 = tpu.memref_squeeze %dma_start3A_8 : memref<1x80x128xi32, #tpu.memory_space<hbm>> -> memref<80x128xi32, #tpu.memory_space<hbm>>
    tpu.enqueue_dma source(%dma_start3A_9 : memref<80x128xi32, #tpu.memory_space<hbm>>) target(%arg6 : memref<80x128xi32, #tpu.memory_space<vmem>>) target_semaphore(%arg10 : memref<!tpu.dma_semaphore, #tpu.memory_space<semaphore_mem>>)
    %dma_start3A_10 = arith.constant 0 : i32
    %dma_start3A_11 = arith.constant 0 : i32
    %dma_start3A_12 = tpu.memref_slice %arg4[%add3A, %dma_start3A_10, %dma_start3A_11] : memref<32x80x128xi32, #tpu.memory_space<hbm>> -> memref<1x80x128xi32, #tpu.memory_space<hbm>>
    %dma_start3A_13 = tpu.memref_squeeze %dma_start3A_12 : memref<1x80x128xi32, #tpu.memory_space<hbm>> -> memref<80x128xi32, #tpu.memory_space<hbm>>
    %dma_start3A_14 = arith.constant 0 : i32
    %dma_start3A_15 = arith.constant 0 : i32
    %dma_start3A_16 = tpu.memref_slice %arg4[%add3A, %dma_start3A_14, %dma_start3A_15] : memref<32x80x128xi32, #tpu.memory_space<hbm>> -> memref<1x80x128xi32, #tpu.memory_space<hbm>>
    %dma_start3A_17 = tpu.memref_squeeze %dma_start3A_16 : memref<1x80x128xi32, #tpu.memory_space<hbm>> -> memref<80x128xi32, #tpu.memory_space<hbm>>
    tpu.enqueue_dma source(%dma_start3A_17 : memref<80x128xi32, #tpu.memory_space<hbm>>) target(%arg7 : memref<80x128xi32, #tpu.memory_space<vmem>>) target_semaphore(%arg12 : memref<!tpu.dma_semaphore, #tpu.memory_space<semaphore_mem>>)
    %dma_start3A_18 = arith.constant 0 : i32
    %dma_start3A_19 = tpu.memref_slice %arg9[%mul3A_2, %dma_start3A_18] : memref<10240x64xf32, #tpu.memory_space<vmem_shared>> -> memref<640x64xf32, #tpu.memory_space<vmem_shared>>
    %dma_start3A_20 = arith.constant 0 : i32
    %dma_start3A_21 = tpu.memref_slice %arg2[%arg0, %mul3A_2, %dma_start3A_20] : memref<2x10240x64xf32, #tpu.memory_space<hbm>> -> memref<1x640x64xf32, #tpu.memory_space<hbm>>
    %dma_start3A_22 = tpu.memref_squeeze %dma_start3A_21 : memref<1x640x64xf32, #tpu.memory_space<hbm>> -> memref<640x64xf32, #tpu.memory_space<hbm>>
    tpu.enqueue_dma source(%dma_start3A_22 : memref<640x64xf32, #tpu.memory_space<hbm>>) target(%dma_start3A_19 : memref<640x64xf32, #tpu.memory_space<vmem_shared>>) target_semaphore(%arg12 : memref<!tpu.dma_semaphore, #tpu.memory_space<semaphore_mem>>)
    %dma_wait3A = arith.constant 0 : i32
    %dma_wait3A_23 = arith.constant 0 : i32
    %dma_wait3A_24 = tpu.memref_slice %arg3[%add3A, %dma_wait3A, %dma_wait3A_23] : memref<32x80x128xi32, #tpu.memory_space<hbm>> -> memref<1x80x128xi32, #tpu.memory_space<hbm>>
    %dma_wait3A_25 = tpu.memref_squeeze %dma_wait3A_24 : memref<1x80x128xi32, #tpu.memory_space<hbm>> -> memref<80x128xi32, #tpu.memory_space<hbm>>
    %dma_wait3A_26 = arith.constant 0 : i32
    %dma_wait3A_27 = arith.constant 0 : i32
    %dma_wait3A_28 = tpu.memref_slice %arg3[%add3A, %dma_wait3A_26, %dma_wait3A_27] : memref<32x80x128xi32, #tpu.memory_space<hbm>> -> memref<1x80x128xi32, #tpu.memory_space<hbm>>
    %dma_wait3A_29 = tpu.memref_squeeze %dma_wait3A_28 : memref<1x80x128xi32, #tpu.memory_space<hbm>> -> memref<80x128xi32, #tpu.memory_space<hbm>>
    tpu.wait_dma2 semaphore(%arg10 : memref<!tpu.dma_semaphore, #tpu.memory_space<semaphore_mem>>) src(%dma_wait3A_29 : memref<80x128xi32, #tpu.memory_space<hbm>>) dst(%arg6 : memref<80x128xi32, #tpu.memory_space<vmem>>)
    %dma_start3A_30 = arith.constant 0 : i32
    %dma_start3A_31 = arith.constant 0 : i32
    %dma_start3A_32 = arith.constant 0 : i32
    %dma_start3A_33 = tpu.memref_slice %arg8[%dma_start3A_31, %dma_start3A_32] : memref<1024x64xf32, #tpu.memory_space<vmem>> -> memref<128x64xf32, #tpu.memory_space<vmem>>
    %dma_start3A_34 = arith.constant 0 : i32
    %dma_start3A_35 = tpu.memref_slice %arg6[%dma_start3A_30, %dma_start3A_34] : memref<80x128xi32, #tpu.memory_space<vmem>> -> memref<1x128xi32, #tpu.memory_space<vmem>>
    %dma_start3A_36 = tpu.memref_squeeze %dma_start3A_35 : memref<1x128xi32, #tpu.memory_space<vmem>> -> memref<128xi32, #tpu.memory_space<vmem>>
    %dma_start3A_37 = arith.constant 0 : i32
    %dma_start3A_38 = arith.constant 0 : i32
    %dma_start3A_39 = tpu.memref_slice %arg2[%arg0, %dma_start3A_37, %dma_start3A_38] : memref<2x10240x64xf32, #tpu.memory_space<hbm>> -> memref<1x10240x64xf32, #tpu.memory_space<hbm>>
    %dma_start3A_40 = tpu.memref_squeeze %dma_start3A_39 : memref<1x10240x64xf32, #tpu.memory_space<hbm>> -> memref<10240x64xf32, #tpu.memory_space<hbm>>
    %dma_start3A_41 = arith.constant 0 : i32
    %dma_start3A_42 = arith.constant 0 : i32
    %dma_start3A_43 = tpu.memref_slice %dma_start3A_40[%dma_start3A_41, %dma_start3A_42] : memref<10240x64xf32, #tpu.memory_space<hbm>> -> memref<10240x64xf32, #tpu.memory_space<hbm>>
    tpu.enqueue_indirect_dma source(%dma_start3A_43 : memref<10240x64xf32, #tpu.memory_space<hbm>>) target(%dma_start3A_33 : memref<128x64xf32, #tpu.memory_space<vmem>>) offsets(%dma_start3A_36 : memref<128xi32, #tpu.memory_space<vmem>>) semaphore(%arg10 : memref<!tpu.dma_semaphore, #tpu.memory_space<semaphore_mem>>)
    %dma_start3A_44 = arith.constant 1 : i32
    %dma_start3A_45 = arith.constant 128 : i32
    %dma_start3A_46 = arith.constant 0 : i32
    %dma_start3A_47 = tpu.memref_slice %arg8[%dma_start3A_45, %dma_start3A_46] : memref<1024x64xf32, #tpu.memory_space<vmem>> -> memref<128x64xf32, #tpu.memory_space<vmem>>
    %dma_start3A_48 = arith.constant 0 : i32
    %dma_start3A_49 = tpu.memref_slice %arg6[%dma_start3A_44, %dma_start3A_48] : memref<80x128xi32, #tpu.memory_space<vmem>> -> memref<1x128xi32, #tpu.memory_space<vmem>>
    %dma_start3A_50 = tpu.memref_squeeze %dma_start3A_49 : memref<1x128xi32, #tpu.memory_space<vmem>> -> memref<128xi32, #tpu.memory_space<vmem>>
    %dma_start3A_51 = arith.constant 0 : i32
    %dma_start3A_52 = arith.constant 0 : i32
    %dma_start3A_53 = tpu.memref_slice %arg2[%arg0, %dma_start3A_51, %dma_start3A_52] : memref<2x10240x64xf32, #tpu.memory_space<hbm>> -> memref<1x10240x64xf32, #tpu.memory_space<hbm>>
    %dma_start3A_54 = tpu.memref_squeeze %dma_start3A_53 : memref<1x10240x64xf32, #tpu.memory_space<hbm>> -> memref<10240x64xf32, #tpu.memory_space<hbm>>
    %dma_start3A_55 = arith.constant 0 : i32
    %dma_start3A_56 = arith.constant 0 : i32
    %dma_start3A_57 = tpu.memref_slice %dma_start3A_54[%dma_start3A_55, %dma_start3A_56] : memref<10240x64xf32, #tpu.memory_space<hbm>> -> memref<10240x64xf32, #tpu.memory_space<hbm>>
    tpu.enqueue_indirect_dma source(%dma_start3A_57 : memref<10240x64xf32, #tpu.memory_space<hbm>>) target(%dma_start3A_47 : memref<128x64xf32, #tpu.memory_space<vmem>>) offsets(%dma_start3A_50 : memref<128xi32, #tpu.memory_space<vmem>>) semaphore(%arg10 : memref<!tpu.dma_semaphore, #tpu.memory_space<semaphore_mem>>)
    %dma_start3A_58 = arith.constant 2 : i32
    %dma_start3A_59 = arith.constant 256 : i32
    %dma_start3A_60 = arith.constant 0 : i32
    %dma_start3A_61 = tpu.memref_slice %arg8[%dma_start3A_59, %dma_start3A_60] : memref<1024x64xf32, #tpu.memory_space<vmem>> -> memref<128x64xf32, #tpu.memory_space<vmem>>
    %dma_start3A_62 = arith.constant 0 : i32
    %dma_start3A_63 = tpu.memref_slice %arg6[%dma_start3A_58, %dma_start3A_62] : memref<80x128xi32, #tpu.memory_space<vmem>> -> memref<1x128xi32, #tpu.memory_space<vmem>>
    %dma_start3A_64 = tpu.memref_squeeze %dma_start3A_63 : memref<1x128xi32, #tpu.memory_space<vmem>> -> memref<128xi32, #tpu.memory_space<vmem>>
    %dma_start3A_65 = arith.constant 0 : i32
    %dma_start3A_66 = arith.constant 0 : i32
    %dma_start3A_67 = tpu.memref_slice %arg2[%arg0, %dma_start3A_65, %dma_start3A_66] : memref<2x10240x64xf32, #tpu.memory_space<hbm>> -> memref<1x10240x64xf32, #tpu.memory_space<hbm>>
    %dma_start3A_68 = tpu.memref_squeeze %dma_start3A_67 : memref<1x10240x64xf32, #tpu.memory_space<hbm>> -> memref<10240x64xf32, #tpu.memory_space<hbm>>
    %dma_start3A_69 = arith.constant 0 : i32
    %dma_start3A_70 = arith.constant 0 : i32
    %dma_start3A_71 = tpu.memref_slice %dma_start3A_68[%dma_start3A_69, %dma_start3A_70] : memref<10240x64xf32, #tpu.memory_space<hbm>> -> memref<10240x64xf32, #tpu.memory_space<hbm>>
    tpu.enqueue_indirect_dma source(%dma_start3A_71 : memref<10240x64xf32, #tpu.memory_space<hbm>>) target(%dma_start3A_61 : memref<128x64xf32, #tpu.memory_space<vmem>>) offsets(%dma_start3A_64 : memref<128xi32, #tpu.memory_space<vmem>>) semaphore(%arg10 : memref<!tpu.dma_semaphore, #tpu.memory_space<semaphore_mem>>)
    %dma_start3A_72 = arith.constant 3 : i32
    %dma_start3A_73 = arith.constant 384 : i32
    %dma_start3A_74 = arith.constant 0 : i32
    %dma_start3A_75 = tpu.memref_slice %arg8[%dma_start3A_73, %dma_start3A_74] : memref<1024x64xf32, #tpu.memory_space<vmem>> -> memref<128x64xf32, #tpu.memory_space<vmem>>
    %dma_start3A_76 = arith.constant 0 : i32
    %dma_start3A_77 = tpu.memref_slice %arg6[%dma_start3A_72, %dma_start3A_76] : memref<80x128xi32, #tpu.memory_space<vmem>> -> memref<1x128xi32, #tpu.memory_space<vmem>>
    %dma_start3A_78 = tpu.memref_squeeze %dma_start3A_77 : memref<1x128xi32, #tpu.memory_space<vmem>> -> memref<128xi32, #tpu.memory_space<vmem>>
    %dma_start3A_79 = arith.constant 0 : i32
    %dma_start3A_80 = arith.constant 0 : i32
    %dma_start3A_81 = tpu.memref_slice %arg2[%arg0, %dma_start3A_79, %dma_start3A_80] : memref<2x10240x64xf32, #tpu.memory_space<hbm>> -> memref<1x10240x64xf32, #tpu.memory_space<hbm>>
    %dma_start3A_82 = tpu.memref_squeeze %dma_start3A_81 : memref<1x10240x64xf32, #tpu.memory_space<hbm>> -> memref<10240x64xf32, #tpu.memory_space<hbm>>
    %dma_start3A_83 = arith.constant 0 : i32
    %dma_start3A_84 = arith.constant 0 : i32
    %dma_start3A_85 = tpu.memref_slice %dma_start3A_82[%dma_start3A_83, %dma_start3A_84] : memref<10240x64xf32, #tpu.memory_space<hbm>> -> memref<10240x64xf32, #tpu.memory_space<hbm>>
    tpu.enqueue_indirect_dma source(%dma_start3A_85 : memref<10240x64xf32, #tpu.memory_space<hbm>>) target(%dma_start3A_75 : memref<128x64xf32, #tpu.memory_space<vmem>>) offsets(%dma_start3A_78 : memref<128xi32, #tpu.memory_space<vmem>>) semaphore(%arg10 : memref<!tpu.dma_semaphore, #tpu.memory_space<semaphore_mem>>)
    %dma_start3A_86 = arith.constant 4 : i32
    %dma_start3A_87 = arith.constant 512 : i32
    %dma_start3A_88 = arith.constant 0 : i32
    %dma_start3A_89 = tpu.memref_slice %arg8[%dma_start3A_87, %dma_start3A_88] : memref<1024x64xf32, #tpu.memory_space<vmem>> -> memref<128x64xf32, #tpu.memory_space<vmem>>
    %dma_start3A_90 = arith.constant 0 : i32
    %dma_start3A_91 = tpu.memref_slice %arg6[%dma_start3A_86, %dma_start3A_90] : memref<80x128xi32, #tpu.memory_space<vmem>> -> memref<1x128xi32, #tpu.memory_space<vmem>>
    %dma_start3A_92 = tpu.memref_squeeze %dma_start3A_91 : memref<1x128xi32, #tpu.memory_space<vmem>> -> memref<128xi32, #tpu.memory_space<vmem>>
    %dma_start3A_93 = arith.constant 0 : i32
    %dma_start3A_94 = arith.constant 0 : i32
    %dma_start3A_95 = tpu.memref_slice %arg2[%arg0, %dma_start3A_93, %dma_start3A_94] : memref<2x10240x64xf32, #tpu.memory_space<hbm>> -> memref<1x10240x64xf32, #tpu.memory_space<hbm>>
    %dma_start3A_96 = tpu.memref_squeeze %dma_start3A_95 : memref<1x10240x64xf32, #tpu.memory_space<hbm>> -> memref<10240x64xf32, #tpu.memory_space<hbm>>
    %dma_start3A_97 = arith.constant 0 : i32
    %dma_start3A_98 = arith.constant 0 : i32
    %dma_start3A_99 = tpu.memref_slice %dma_start3A_96[%dma_start3A_97, %dma_start3A_98] : memref<10240x64xf32, #tpu.memory_space<hbm>> -> memref<10240x64xf32, #tpu.memory_space<hbm>>
    tpu.enqueue_indirect_dma source(%dma_start3A_99 : memref<10240x64xf32, #tpu.memory_space<hbm>>) target(%dma_start3A_89 : memref<128x64xf32, #tpu.memory_space<vmem>>) offsets(%dma_start3A_92 : memref<128xi32, #tpu.memory_space<vmem>>) semaphore(%arg11 : memref<!tpu.dma_semaphore, #tpu.memory_space<semaphore_mem>>)
    %dma_start3A_100 = arith.constant 5 : i32
    %dma_start3A_101 = arith.constant 640 : i32
    %dma_start3A_102 = arith.constant 0 : i32
    %dma_start3A_103 = tpu.memref_slice %arg8[%dma_start3A_101, %dma_start3A_102] : memref<1024x64xf32, #tpu.memory_space<vmem>> -> memref<128x64xf32, #tpu.memory_space<vmem>>
    %dma_start3A_104 = arith.constant 0 : i32
    %dma_start3A_105 = tpu.memref_slice %arg6[%dma_start3A_100, %dma_start3A_104] : memref<80x128xi32, #tpu.memory_space<vmem>> -> memref<1x128xi32, #tpu.memory_space<vmem>>
    %dma_start3A_106 = tpu.memref_squeeze %dma_start3A_105 : memref<1x128xi32, #tpu.memory_space<vmem>> -> memref<128xi32, #tpu.memory_space<vmem>>
    %dma_start3A_107 = arith.constant 0 : i32
    %dma_start3A_108 = arith.constant 0 : i32
    %dma_start3A_109 = tpu.memref_slice %arg2[%arg0, %dma_start3A_107, %dma_start3A_108] : memref<2x10240x64xf32, #tpu.memory_space<hbm>> -> memref<1x10240x64xf32, #tpu.memory_space<hbm>>
    %dma_start3A_110 = tpu.memref_squeeze %dma_start3A_109 : memref<1x10240x64xf32, #tpu.memory_space<hbm>> -> memref<10240x64xf32, #tpu.memory_space<hbm>>
    %dma_start3A_111 = arith.constant 0 : i32
    %dma_start3A_112 = arith.constant 0 : i32
    %dma_start3A_113 = tpu.memref_slice %dma_start3A_110[%dma_start3A_111, %dma_start3A_112] : memref<10240x64xf32, #tpu.memory_space<hbm>> -> memref<10240x64xf32, #tpu.memory_space<hbm>>
    tpu.enqueue_indirect_dma source(%dma_start3A_113 : memref<10240x64xf32, #tpu.memory_space<hbm>>) target(%dma_start3A_103 : memref<128x64xf32, #tpu.memory_space<vmem>>) offsets(%dma_start3A_106 : memref<128xi32, #tpu.memory_space<vmem>>) semaphore(%arg11 : memref<!tpu.dma_semaphore, #tpu.memory_space<semaphore_mem>>)
    %dma_start3A_114 = arith.constant 6 : i32
    %dma_start3A_115 = arith.constant 768 : i32
    %dma_start3A_116 = arith.constant 0 : i32
    %dma_start3A_117 = tpu.memref_slice %arg8[%dma_start3A_115, %dma_start3A_116] : memref<1024x64xf32, #tpu.memory_space<vmem>> -> memref<128x64xf32, #tpu.memory_space<vmem>>
    %dma_start3A_118 = arith.constant 0 : i32
    %dma_start3A_119 = tpu.memref_slice %arg6[%dma_start3A_114, %dma_start3A_118] : memref<80x128xi32, #tpu.memory_space<vmem>> -> memref<1x128xi32, #tpu.memory_space<vmem>>
    %dma_start3A_120 = tpu.memref_squeeze %dma_start3A_119 : memref<1x128xi32, #tpu.memory_space<vmem>> -> memref<128xi32, #tpu.memory_space<vmem>>
    %dma_start3A_121 = arith.constant 0 : i32
    %dma_start3A_122 = arith.constant 0 : i32
    %dma_start3A_123 = tpu.memref_slice %arg2[%arg0, %dma_start3A_121, %dma_start3A_122] : memref<2x10240x64xf32, #tpu.memory_space<hbm>> -> memref<1x10240x64xf32, #tpu.memory_space<hbm>>
    %dma_start3A_124 = tpu.memref_squeeze %dma_start3A_123 : memref<1x10240x64xf32, #tpu.memory_space<hbm>> -> memref<10240x64xf32, #tpu.memory_space<hbm>>
    %dma_start3A_125 = arith.constant 0 : i32
    %dma_start3A_126 = arith.constant 0 : i32
    %dma_start3A_127 = tpu.memref_slice %dma_start3A_124[%dma_start3A_125, %dma_start3A_126] : memref<10240x64xf32, #tpu.memory_space<hbm>> -> memref<10240x64xf32, #tpu.memory_space<hbm>>
    tpu.enqueue_indirect_dma source(%dma_start3A_127 : memref<10240x64xf32, #tpu.memory_space<hbm>>) target(%dma_start3A_117 : memref<128x64xf32, #tpu.memory_space<vmem>>) offsets(%dma_start3A_120 : memref<128xi32, #tpu.memory_space<vmem>>) semaphore(%arg11 : memref<!tpu.dma_semaphore, #tpu.memory_space<semaphore_mem>>)
    %dma_start3A_128 = arith.constant 7 : i32
    %dma_start3A_129 = arith.constant 896 : i32
    %dma_start3A_130 = arith.constant 0 : i32
    %dma_start3A_131 = tpu.memref_slice %arg8[%dma_start3A_129, %dma_start3A_130] : memref<1024x64xf32, #tpu.memory_space<vmem>> -> memref<128x64xf32, #tpu.memory_space<vmem>>
    %dma_start3A_132 = arith.constant 0 : i32
    %dma_start3A_133 = tpu.memref_slice %arg6[%dma_start3A_128, %dma_start3A_132] : memref<80x128xi32, #tpu.memory_space<vmem>> -> memref<1x128xi32, #tpu.memory_space<vmem>>
    %dma_start3A_134 = tpu.memref_squeeze %dma_start3A_133 : memref<1x128xi32, #tpu.memory_space<vmem>> -> memref<128xi32, #tpu.memory_space<vmem>>
    %dma_start3A_135 = arith.constant 0 : i32
    %dma_start3A_136 = arith.constant 0 : i32
    %dma_start3A_137 = tpu.memref_slice %arg2[%arg0, %dma_start3A_135, %dma_start3A_136] : memref<2x10240x64xf32, #tpu.memory_space<hbm>> -> memref<1x10240x64xf32, #tpu.memory_space<hbm>>
    %dma_start3A_138 = tpu.memref_squeeze %dma_start3A_137 : memref<1x10240x64xf32, #tpu.memory_space<hbm>> -> memref<10240x64xf32, #tpu.memory_space<hbm>>
    %dma_start3A_139 = arith.constant 0 : i32
    %dma_start3A_140 = arith.constant 0 : i32
    %dma_start3A_141 = tpu.memref_slice %dma_start3A_138[%dma_start3A_139, %dma_start3A_140] : memref<10240x64xf32, #tpu.memory_space<hbm>> -> memref<10240x64xf32, #tpu.memory_space<hbm>>
    tpu.enqueue_indirect_dma source(%dma_start3A_141 : memref<10240x64xf32, #tpu.memory_space<hbm>>) target(%dma_start3A_131 : memref<128x64xf32, #tpu.memory_space<vmem>>) offsets(%dma_start3A_134 : memref<128xi32, #tpu.memory_space<vmem>>) semaphore(%arg11 : memref<!tpu.dma_semaphore, #tpu.memory_space<semaphore_mem>>)
    %dma_wait3A_142 = arith.constant 0 : i32
    %dma_wait3A_143 = arith.constant 0 : i32
    %dma_wait3A_144 = tpu.memref_slice %arg4[%add3A, %dma_wait3A_142, %dma_wait3A_143] : memref<32x80x128xi32, #tpu.memory_space<hbm>> -> memref<1x80x128xi32, #tpu.memory_space<hbm>>
    %dma_wait3A_145 = tpu.memref_squeeze %dma_wait3A_144 : memref<1x80x128xi32, #tpu.memory_space<hbm>> -> memref<80x128xi32, #tpu.memory_space<hbm>>
    %dma_wait3A_146 = arith.constant 0 : i32
    %dma_wait3A_147 = arith.constant 0 : i32
    %dma_wait3A_148 = tpu.memref_slice %arg4[%add3A, %dma_wait3A_146, %dma_wait3A_147] : memref<32x80x128xi32, #tpu.memory_space<hbm>> -> memref<1x80x128xi32, #tpu.memory_space<hbm>>
    %dma_wait3A_149 = tpu.memref_squeeze %dma_wait3A_148 : memref<1x80x128xi32, #tpu.memory_space<hbm>> -> memref<80x128xi32, #tpu.memory_space<hbm>>
    tpu.wait_dma2 semaphore(%arg12 : memref<!tpu.dma_semaphore, #tpu.memory_space<semaphore_mem>>) src(%dma_wait3A_149 : memref<80x128xi32, #tpu.memory_space<hbm>>) dst(%arg7 : memref<80x128xi32, #tpu.memory_space<vmem>>)
    %dma_wait3A_150 = arith.constant 0 : i32
    %dma_wait3A_151 = tpu.memref_slice %arg9[%mul3A_2, %dma_wait3A_150] : memref<10240x64xf32, #tpu.memory_space<vmem_shared>> -> memref<640x64xf32, #tpu.memory_space<vmem_shared>>
    %dma_wait3A_152 = arith.constant 0 : i32
    %dma_wait3A_153 = tpu.memref_slice %arg2[%arg0, %mul3A_2, %dma_wait3A_152] : memref<2x10240x64xf32, #tpu.memory_space<hbm>> -> memref<1x640x64xf32, #tpu.memory_space<hbm>>
    %dma_wait3A_154 = tpu.memref_squeeze %dma_wait3A_153 : memref<1x640x64xf32, #tpu.memory_space<hbm>> -> memref<640x64xf32, #tpu.memory_space<hbm>>
    tpu.wait_dma2 semaphore(%arg12 : memref<!tpu.dma_semaphore, #tpu.memory_space<semaphore_mem>>) src(%dma_wait3A_154 : memref<640x64xf32, #tpu.memory_space<hbm>>) dst(%dma_wait3A_151 : memref<640x64xf32, #tpu.memory_space<vmem_shared>>)
    %barrier3A = arith.constant 0 : index
    tpu.barrier barrier_id(%barrier3A)
    %scan3A = arith.constant 0 : i32
    %scan3A_155 = arith.constant 0 : i32
    %scan3A_156 = arith.constant 10 : i32
    %scan3A_157 = arith.addi %scan3A_155, %scan3A_156 : i32
    %scan3A_158 = arith.constant 1 : i32
    scf.for %scan3A_161 = %scan3A_155 to %scan3A_157 step %scan3A_158  : i32 {
      %mul3A_162 = arith.constant 2 : i32
      %mul3A_163 = arith.muli %mul3A_162, %scan3A_161 : i32
      %mul3A_164 = arith.constant 4 : i32
      %mul3A_165 = arith.muli %mul3A_163, %mul3A_164 : i32
      %add3A_166 = arith.constant 0 : i32
      %add3A_167 = arith.addi %mul3A_165, %add3A_166 : i32
      %dma_wait3A_168 = arith.constant 0 : i32
      %dma_wait3A_169 = arith.constant 0 : i32
      %dma_wait3A_170 = tpu.memref_slice %arg8[%dma_wait3A_168, %dma_wait3A_169] : memref<1024x64xf32, #tpu.memory_space<vmem>> -> memref<128x64xf32, #tpu.memory_space<vmem>>
      %dma_wait3A_171 = arith.constant 0 : i32
      %dma_wait3A_172 = tpu.memref_slice %arg6[%add3A_167, %dma_wait3A_171] : memref<80x128xi32, #tpu.memory_space<vmem>> -> memref<1x128xi32, #tpu.memory_space<vmem>>
      %dma_wait3A_173 = tpu.memref_squeeze %dma_wait3A_172 : memref<1x128xi32, #tpu.memory_space<vmem>> -> memref<128xi32, #tpu.memory_space<vmem>>
      %dma_wait3A_174 = arith.constant 0 : i32
      %dma_wait3A_175 = arith.constant 0 : i32
      %dma_wait3A_176 = tpu.memref_slice %arg2[%arg0, %dma_wait3A_174, %dma_wait3A_175] : memref<2x10240x64xf32, #tpu.memory_space<hbm>> -> memref<1x10240x64xf32, #tpu.memory_space<hbm>>
      %dma_wait3A_177 = tpu.memref_squeeze %dma_wait3A_176 : memref<1x10240x64xf32, #tpu.memory_space<hbm>> -> memref<10240x64xf32, #tpu.memory_space<hbm>>
      %dma_wait3A_178 = arith.constant 0 : i32
      %dma_wait3A_179 = arith.constant 0 : i32
      %dma_wait3A_180 = tpu.memref_slice %dma_wait3A_177[%dma_wait3A_178, %dma_wait3A_179] : memref<10240x64xf32, #tpu.memory_space<hbm>> -> memref<10240x64xf32, #tpu.memory_space<hbm>>
      tpu.wait_indirect_dma semaphore(%arg10 : memref<!tpu.dma_semaphore, #tpu.memory_space<semaphore_mem>>) src(%dma_wait3A_180 : memref<10240x64xf32, #tpu.memory_space<hbm>>) dst(%dma_wait3A_170 : memref<128x64xf32, #tpu.memory_space<vmem>>)
      %mul3A_181 = arith.constant 4 : i32
      %mul3A_182 = arith.muli %mul3A_163, %mul3A_181 : i32
      %add3A_183 = arith.constant 1 : i32
      %add3A_184 = arith.addi %mul3A_182, %add3A_183 : i32
      %dma_wait3A_185 = arith.constant 128 : i32
      %dma_wait3A_186 = arith.constant 0 : i32
      %dma_wait3A_187 = tpu.memref_slice %arg8[%dma_wait3A_185, %dma_wait3A_186] : memref<1024x64xf32, #tpu.memory_space<vmem>> -> memref<128x64xf32, #tpu.memory_space<vmem>>
      %dma_wait3A_188 = arith.constant 0 : i32
      %dma_wait3A_189 = tpu.memref_slice %arg6[%add3A_184, %dma_wait3A_188] : memref<80x128xi32, #tpu.memory_space<vmem>> -> memref<1x128xi32, #tpu.memory_space<vmem>>
      %dma_wait3A_190 = tpu.memref_squeeze %dma_wait3A_189 : memref<1x128xi32, #tpu.memory_space<vmem>> -> memref<128xi32, #tpu.memory_space<vmem>>
      %dma_wait3A_191 = arith.constant 0 : i32
      %dma_wait3A_192 = arith.constant 0 : i32
      %dma_wait3A_193 = tpu.memref_slice %arg2[%arg0, %dma_wait3A_191, %dma_wait3A_192] : memref<2x10240x64xf32, #tpu.memory_space<hbm>> -> memref<1x10240x64xf32, #tpu.memory_space<hbm>>
      %dma_wait3A_194 = tpu.memref_squeeze %dma_wait3A_193 : memref<1x10240x64xf32, #tpu.memory_space<hbm>> -> memref<10240x64xf32, #tpu.memory_space<hbm>>
      %dma_wait3A_195 = arith.constant 0 : i32
      %dma_wait3A_196 = arith.constant 0 : i32
      %dma_wait3A_197 = tpu.memref_slice %dma_wait3A_194[%dma_wait3A_195, %dma_wait3A_196] : memref<10240x64xf32, #tpu.memory_space<hbm>> -> memref<10240x64xf32, #tpu.memory_space<hbm>>
      tpu.wait_indirect_dma semaphore(%arg10 : memref<!tpu.dma_semaphore, #tpu.memory_space<semaphore_mem>>) src(%dma_wait3A_197 : memref<10240x64xf32, #tpu.memory_space<hbm>>) dst(%dma_wait3A_187 : memref<128x64xf32, #tpu.memory_space<vmem>>)
      %mul3A_198 = arith.constant 4 : i32
      %mul3A_199 = arith.muli %mul3A_163, %mul3A_198 : i32
      %add3A_200 = arith.constant 2 : i32
      %add3A_201 = arith.addi %mul3A_199, %add3A_200 : i32
      %dma_wait3A_202 = arith.constant 256 : i32
      %dma_wait3A_203 = arith.constant 0 : i32
      %dma_wait3A_204 = tpu.memref_slice %arg8[%dma_wait3A_202, %dma_wait3A_203] : memref<1024x64xf32, #tpu.memory_space<vmem>> -> memref<128x64xf32, #tpu.memory_space<vmem>>
      %dma_wait3A_205 = arith.constant 0 : i32
      %dma_wait3A_206 = tpu.memref_slice %arg6[%add3A_201, %dma_wait3A_205] : memref<80x128xi32, #tpu.memory_space<vmem>> -> memref<1x128xi32, #tpu.memory_space<vmem>>
      %dma_wait3A_207 = tpu.memref_squeeze %dma_wait3A_206 : memref<1x128xi32, #tpu.memory_space<vmem>> -> memref<128xi32, #tpu.memory_space<vmem>>
      %dma_wait3A_208 = arith.constant 0 : i32
      %dma_wait3A_209 = arith.constant 0 : i32
      %dma_wait3A_210 = tpu.memref_slice %arg2[%arg0, %dma_wait3A_208, %dma_wait3A_209] : memref<2x10240x64xf32, #tpu.memory_space<hbm>> -> memref<1x10240x64xf32, #tpu.memory_space<hbm>>
      %dma_wait3A_211 = tpu.memref_squeeze %dma_wait3A_210 : memref<1x10240x64xf32, #tpu.memory_space<hbm>> -> memref<10240x64xf32, #tpu.memory_space<hbm>>
      %dma_wait3A_212 = arith.constant 0 : i32
      %dma_wait3A_213 = arith.constant 0 : i32
      %dma_wait3A_214 = tpu.memref_slice %dma_wait3A_211[%dma_wait3A_212, %dma_wait3A_213] : memref<10240x64xf32, #tpu.memory_space<hbm>> -> memref<10240x64xf32, #tpu.memory_space<hbm>>
      tpu.wait_indirect_dma semaphore(%arg10 : memref<!tpu.dma_semaphore, #tpu.memory_space<semaphore_mem>>) src(%dma_wait3A_214 : memref<10240x64xf32, #tpu.memory_space<hbm>>) dst(%dma_wait3A_204 : memref<128x64xf32, #tpu.memory_space<vmem>>)
      %mul3A_215 = arith.constant 4 : i32
      %mul3A_216 = arith.muli %mul3A_163, %mul3A_215 : i32
      %add3A_217 = arith.constant 3 : i32
      %add3A_218 = arith.addi %mul3A_216, %add3A_217 : i32
      %dma_wait3A_219 = arith.constant 384 : i32
      %dma_wait3A_220 = arith.constant 0 : i32
      %dma_wait3A_221 = tpu.memref_slice %arg8[%dma_wait3A_219, %dma_wait3A_220] : memref<1024x64xf32, #tpu.memory_space<vmem>> -> memref<128x64xf32, #tpu.memory_space<vmem>>
      %dma_wait3A_222 = arith.constant 0 : i32
      %dma_wait3A_223 = tpu.memref_slice %arg6[%add3A_218, %dma_wait3A_222] : memref<80x128xi32, #tpu.memory_space<vmem>> -> memref<1x128xi32, #tpu.memory_space<vmem>>
      %dma_wait3A_224 = tpu.memref_squeeze %dma_wait3A_223 : memref<1x128xi32, #tpu.memory_space<vmem>> -> memref<128xi32, #tpu.memory_space<vmem>>
      %dma_wait3A_225 = arith.constant 0 : i32
      %dma_wait3A_226 = arith.constant 0 : i32
      %dma_wait3A_227 = tpu.memref_slice %arg2[%arg0, %dma_wait3A_225, %dma_wait3A_226] : memref<2x10240x64xf32, #tpu.memory_space<hbm>> -> memref<1x10240x64xf32, #tpu.memory_space<hbm>>
      %dma_wait3A_228 = tpu.memref_squeeze %dma_wait3A_227 : memref<1x10240x64xf32, #tpu.memory_space<hbm>> -> memref<10240x64xf32, #tpu.memory_space<hbm>>
      %dma_wait3A_229 = arith.constant 0 : i32
      %dma_wait3A_230 = arith.constant 0 : i32
      %dma_wait3A_231 = tpu.memref_slice %dma_wait3A_228[%dma_wait3A_229, %dma_wait3A_230] : memref<10240x64xf32, #tpu.memory_space<hbm>> -> memref<10240x64xf32, #tpu.memory_space<hbm>>
      tpu.wait_indirect_dma semaphore(%arg10 : memref<!tpu.dma_semaphore, #tpu.memory_space<semaphore_mem>>) src(%dma_wait3A_231 : memref<10240x64xf32, #tpu.memory_space<hbm>>) dst(%dma_wait3A_221 : memref<128x64xf32, #tpu.memory_space<vmem>>)
      %mul3A_232 = arith.constant 4 : i32
      %mul3A_233 = arith.muli %mul3A_163, %mul3A_232 : i32
      %add3A_234 = arith.constant 0 : i32
      %add3A_235 = arith.addi %mul3A_233, %add3A_234 : i32
      %dma_start3A_236 = arith.constant 0 : i32
      %dma_start3A_237 = arith.constant 0 : i32
      %dma_start3A_238 = tpu.memref_slice %arg8[%dma_start3A_236, %dma_start3A_237] : memref<1024x64xf32, #tpu.memory_space<vmem>> -> memref<128x64xf32, #tpu.memory_space<vmem>>
      %dma_start3A_239 = arith.constant 0 : i32
      %dma_start3A_240 = tpu.memref_slice %arg7[%add3A_235, %dma_start3A_239] : memref<80x128xi32, #tpu.memory_space<vmem>> -> memref<1x128xi32, #tpu.memory_space<vmem>>
      %dma_start3A_241 = tpu.memref_squeeze %dma_start3A_240 : memref<1x128xi32, #tpu.memory_space<vmem>> -> memref<128xi32, #tpu.memory_space<vmem>>
      %dma_start3A_242 = arith.constant 0 : i32
      %dma_start3A_243 = arith.constant 0 : i32
      %dma_start3A_244 = tpu.memref_slice %arg9[%dma_start3A_242, %dma_start3A_243] : memref<10240x64xf32, #tpu.memory_space<vmem_shared>> -> memref<10240x64xf32, #tpu.memory_space<vmem_shared>>
      tpu.enqueue_indirect_dma source(%dma_start3A_238 : memref<128x64xf32, #tpu.memory_space<vmem>>) target(%dma_start3A_244 : memref<10240x64xf32, #tpu.memory_space<vmem_shared>>) offsets(%dma_start3A_241 : memref<128xi32, #tpu.memory_space<vmem>>) semaphore(%arg13 : memref<!tpu.dma_semaphore, #tpu.memory_space<semaphore_mem>>) {add = true}
      %mul3A_245 = arith.constant 4 : i32
      %mul3A_246 = arith.muli %mul3A_163, %mul3A_245 : i32
      %add3A_247 = arith.constant 1 : i32
      %add3A_248 = arith.addi %mul3A_246, %add3A_247 : i32
      %dma_start3A_249 = arith.constant 128 : i32
      %dma_start3A_250 = arith.constant 0 : i32
      %dma_start3A_251 = tpu.memref_slice %arg8[%dma_start3A_249, %dma_start3A_250] : memref<1024x64xf32, #tpu.memory_space<vmem>> -> memref<128x64xf32, #tpu.memory_space<vmem>>
      %dma_start3A_252 = arith.constant 0 : i32
      %dma_start3A_253 = tpu.memref_slice %arg7[%add3A_248, %dma_start3A_252] : memref<80x128xi32, #tpu.memory_space<vmem>> -> memref<1x128xi32, #tpu.memory_space<vmem>>
      %dma_start3A_254 = tpu.memref_squeeze %dma_start3A_253 : memref<1x128xi32, #tpu.memory_space<vmem>> -> memref<128xi32, #tpu.memory_space<vmem>>
      %dma_start3A_255 = arith.constant 0 : i32
      %dma_start3A_256 = arith.constant 0 : i32
      %dma_start3A_257 = tpu.memref_slice %arg9[%dma_start3A_255, %dma_start3A_256] : memref<10240x64xf32, #tpu.memory_space<vmem_shared>> -> memref<10240x64xf32, #tpu.memory_space<vmem_shared>>
      tpu.enqueue_indirect_dma source(%dma_start3A_251 : memref<128x64xf32, #tpu.memory_space<vmem>>) target(%dma_start3A_257 : memref<10240x64xf32, #tpu.memory_space<vmem_shared>>) offsets(%dma_start3A_254 : memref<128xi32, #tpu.memory_space<vmem>>) semaphore(%arg13 : memref<!tpu.dma_semaphore, #tpu.memory_space<semaphore_mem>>) {add = true}
      %mul3A_258 = arith.constant 4 : i32
      %mul3A_259 = arith.muli %mul3A_163, %mul3A_258 : i32
      %add3A_260 = arith.constant 2 : i32
      %add3A_261 = arith.addi %mul3A_259, %add3A_260 : i32
      %dma_start3A_262 = arith.constant 256 : i32
      %dma_start3A_263 = arith.constant 0 : i32
      %dma_start3A_264 = tpu.memref_slice %arg8[%dma_start3A_262, %dma_start3A_263] : memref<1024x64xf32, #tpu.memory_space<vmem>> -> memref<128x64xf32, #tpu.memory_space<vmem>>
      %dma_start3A_265 = arith.constant 0 : i32
      %dma_start3A_266 = tpu.memref_slice %arg7[%add3A_261, %dma_start3A_265] : memref<80x128xi32, #tpu.memory_space<vmem>> -> memref<1x128xi32, #tpu.memory_space<vmem>>
      %dma_start3A_267 = tpu.memref_squeeze %dma_start3A_266 : memref<1x128xi32, #tpu.memory_space<vmem>> -> memref<128xi32, #tpu.memory_space<vmem>>
      %dma_start3A_268 = arith.constant 0 : i32
      %dma_start3A_269 = arith.constant 0 : i32
      %dma_start3A_270 = tpu.memref_slice %arg9[%dma_start3A_268, %dma_start3A_269] : memref<10240x64xf32, #tpu.memory_space<vmem_shared>> -> memref<10240x64xf32, #tpu.memory_space<vmem_shared>>
      tpu.enqueue_indirect_dma source(%dma_start3A_264 : memref<128x64xf32, #tpu.memory_space<vmem>>) target(%dma_start3A_270 : memref<10240x64xf32, #tpu.memory_space<vmem_shared>>) offsets(%dma_start3A_267 : memref<128xi32, #tpu.memory_space<vmem>>) semaphore(%arg13 : memref<!tpu.dma_semaphore, #tpu.memory_space<semaphore_mem>>) {add = true}
      %mul3A_271 = arith.constant 4 : i32
      %mul3A_272 = arith.muli %mul3A_163, %mul3A_271 : i32
      %add3A_273 = arith.constant 3 : i32
      %add3A_274 = arith.addi %mul3A_272, %add3A_273 : i32
      %dma_start3A_275 = arith.constant 384 : i32
      %dma_start3A_276 = arith.constant 0 : i32
      %dma_start3A_277 = tpu.memref_slice %arg8[%dma_start3A_275, %dma_start3A_276] : memref<1024x64xf32, #tpu.memory_space<vmem>> -> memref<128x64xf32, #tpu.memory_space<vmem>>
      %dma_start3A_278 = arith.constant 0 : i32
      %dma_start3A_279 = tpu.memref_slice %arg7[%add3A_274, %dma_start3A_278] : memref<80x128xi32, #tpu.memory_space<vmem>> -> memref<1x128xi32, #tpu.memory_space<vmem>>
      %dma_start3A_280 = tpu.memref_squeeze %dma_start3A_279 : memref<1x128xi32, #tpu.memory_space<vmem>> -> memref<128xi32, #tpu.memory_space<vmem>>
      %dma_start3A_281 = arith.constant 0 : i32
      %dma_start3A_282 = arith.constant 0 : i32
      %dma_start3A_283 = tpu.memref_slice %arg9[%dma_start3A_281, %dma_start3A_282] : memref<10240x64xf32, #tpu.memory_space<vmem_shared>> -> memref<10240x64xf32, #tpu.memory_space<vmem_shared>>
      tpu.enqueue_indirect_dma source(%dma_start3A_277 : memref<128x64xf32, #tpu.memory_space<vmem>>) target(%dma_start3A_283 : memref<10240x64xf32, #tpu.memory_space<vmem_shared>>) offsets(%dma_start3A_280 : memref<128xi32, #tpu.memory_space<vmem>>) semaphore(%arg13 : memref<!tpu.dma_semaphore, #tpu.memory_space<semaphore_mem>>) {add = true}
      %add3A_284 = arith.constant 1 : i32
      %add3A_285 = arith.addi %mul3A_163, %add3A_284 : i32
      %mul3A_286 = arith.constant 4 : i32
      %mul3A_287 = arith.muli %add3A_285, %mul3A_286 : i32
      %add3A_288 = arith.constant 0 : i32
      %add3A_289 = arith.addi %mul3A_287, %add3A_288 : i32
      %dma_wait3A_290 = arith.constant 512 : i32
      %dma_wait3A_291 = arith.constant 0 : i32
      %dma_wait3A_292 = tpu.memref_slice %arg8[%dma_wait3A_290, %dma_wait3A_291] : memref<1024x64xf32, #tpu.memory_space<vmem>> -> memref<128x64xf32, #tpu.memory_space<vmem>>
      %dma_wait3A_293 = arith.constant 0 : i32
      %dma_wait3A_294 = tpu.memref_slice %arg6[%add3A_289, %dma_wait3A_293] : memref<80x128xi32, #tpu.memory_space<vmem>> -> memref<1x128xi32, #tpu.memory_space<vmem>>
      %dma_wait3A_295 = tpu.memref_squeeze %dma_wait3A_294 : memref<1x128xi32, #tpu.memory_space<vmem>> -> memref<128xi32, #tpu.memory_space<vmem>>
      %dma_wait3A_296 = arith.constant 0 : i32
      %dma_wait3A_297 = arith.constant 0 : i32
      %dma_wait3A_298 = tpu.memref_slice %arg2[%arg0, %dma_wait3A_296, %dma_wait3A_297] : memref<2x10240x64xf32, #tpu.memory_space<hbm>> -> memref<1x10240x64xf32, #tpu.memory_space<hbm>>
      %dma_wait3A_299 = tpu.memref_squeeze %dma_wait3A_298 : memref<1x10240x64xf32, #tpu.memory_space<hbm>> -> memref<10240x64xf32, #tpu.memory_space<hbm>>
      %dma_wait3A_300 = arith.constant 0 : i32
      %dma_wait3A_301 = arith.constant 0 : i32
      %dma_wait3A_302 = tpu.memref_slice %dma_wait3A_299[%dma_wait3A_300, %dma_wait3A_301] : memref<10240x64xf32, #tpu.memory_space<hbm>> -> memref<10240x64xf32, #tpu.memory_space<hbm>>
      tpu.wait_indirect_dma semaphore(%arg11 : memref<!tpu.dma_semaphore, #tpu.memory_space<semaphore_mem>>) src(%dma_wait3A_302 : memref<10240x64xf32, #tpu.memory_space<hbm>>) dst(%dma_wait3A_292 : memref<128x64xf32, #tpu.memory_space<vmem>>)
      %add3A_303 = arith.constant 1 : i32
      %add3A_304 = arith.addi %mul3A_163, %add3A_303 : i32
      %mul3A_305 = arith.constant 4 : i32
      %mul3A_306 = arith.muli %add3A_304, %mul3A_305 : i32
      %add3A_307 = arith.constant 1 : i32
      %add3A_308 = arith.addi %mul3A_306, %add3A_307 : i32
      %dma_wait3A_309 = arith.constant 640 : i32
      %dma_wait3A_310 = arith.constant 0 : i32
      %dma_wait3A_311 = tpu.memref_slice %arg8[%dma_wait3A_309, %dma_wait3A_310] : memref<1024x64xf32, #tpu.memory_space<vmem>> -> memref<128x64xf32, #tpu.memory_space<vmem>>
      %dma_wait3A_312 = arith.constant 0 : i32
      %dma_wait3A_313 = tpu.memref_slice %arg6[%add3A_308, %dma_wait3A_312] : memref<80x128xi32, #tpu.memory_space<vmem>> -> memref<1x128xi32, #tpu.memory_space<vmem>>
      %dma_wait3A_314 = tpu.memref_squeeze %dma_wait3A_313 : memref<1x128xi32, #tpu.memory_space<vmem>> -> memref<128xi32, #tpu.memory_space<vmem>>
      %dma_wait3A_315 = arith.constant 0 : i32
      %dma_wait3A_316 = arith.constant 0 : i32
      %dma_wait3A_317 = tpu.memref_slice %arg2[%arg0, %dma_wait3A_315, %dma_wait3A_316] : memref<2x10240x64xf32, #tpu.memory_space<hbm>> -> memref<1x10240x64xf32, #tpu.memory_space<hbm>>
      %dma_wait3A_318 = tpu.memref_squeeze %dma_wait3A_317 : memref<1x10240x64xf32, #tpu.memory_space<hbm>> -> memref<10240x64xf32, #tpu.memory_space<hbm>>
      %dma_wait3A_319 = arith.constant 0 : i32
      %dma_wait3A_320 = arith.constant 0 : i32
      %dma_wait3A_321 = tpu.memref_slice %dma_wait3A_318[%dma_wait3A_319, %dma_wait3A_320] : memref<10240x64xf32, #tpu.memory_space<hbm>> -> memref<10240x64xf32, #tpu.memory_space<hbm>>
      tpu.wait_indirect_dma semaphore(%arg11 : memref<!tpu.dma_semaphore, #tpu.memory_space<semaphore_mem>>) src(%dma_wait3A_321 : memref<10240x64xf32, #tpu.memory_space<hbm>>) dst(%dma_wait3A_311 : memref<128x64xf32, #tpu.memory_space<vmem>>)
      %add3A_322 = arith.constant 1 : i32
      %add3A_323 = arith.addi %mul3A_163, %add3A_322 : i32
      %mul3A_324 = arith.constant 4 : i32
      %mul3A_325 = arith.muli %add3A_323, %mul3A_324 : i32
      %add3A_326 = arith.constant 2 : i32
      %add3A_327 = arith.addi %mul3A_325, %add3A_326 : i32
      %dma_wait3A_328 = arith.constant 768 : i32
      %dma_wait3A_329 = arith.constant 0 : i32
      %dma_wait3A_330 = tpu.memref_slice %arg8[%dma_wait3A_328, %dma_wait3A_329] : memref<1024x64xf32, #tpu.memory_space<vmem>> -> memref<128x64xf32, #tpu.memory_space<vmem>>
      %dma_wait3A_331 = arith.constant 0 : i32
      %dma_wait3A_332 = tpu.memref_slice %arg6[%add3A_327, %dma_wait3A_331] : memref<80x128xi32, #tpu.memory_space<vmem>> -> memref<1x128xi32, #tpu.memory_space<vmem>>
      %dma_wait3A_333 = tpu.memref_squeeze %dma_wait3A_332 : memref<1x128xi32, #tpu.memory_space<vmem>> -> memref<128xi32, #tpu.memory_space<vmem>>
      %dma_wait3A_334 = arith.constant 0 : i32
      %dma_wait3A_335 = arith.constant 0 : i32
      %dma_wait3A_336 = tpu.memref_slice %arg2[%arg0, %dma_wait3A_334, %dma_wait3A_335] : memref<2x10240x64xf32, #tpu.memory_space<hbm>> -> memref<1x10240x64xf32, #tpu.memory_space<hbm>>
      %dma_wait3A_337 = tpu.memref_squeeze %dma_wait3A_336 : memref<1x10240x64xf32, #tpu.memory_space<hbm>> -> memref<10240x64xf32, #tpu.memory_space<hbm>>
      %dma_wait3A_338 = arith.constant 0 : i32
      %dma_wait3A_339 = arith.constant 0 : i32
      %dma_wait3A_340 = tpu.memref_slice %dma_wait3A_337[%dma_wait3A_338, %dma_wait3A_339] : memref<10240x64xf32, #tpu.memory_space<hbm>> -> memref<10240x64xf32, #tpu.memory_space<hbm>>
      tpu.wait_indirect_dma semaphore(%arg11 : memref<!tpu.dma_semaphore, #tpu.memory_space<semaphore_mem>>) src(%dma_wait3A_340 : memref<10240x64xf32, #tpu.memory_space<hbm>>) dst(%dma_wait3A_330 : memref<128x64xf32, #tpu.memory_space<vmem>>)
      %add3A_341 = arith.constant 1 : i32
      %add3A_342 = arith.addi %mul3A_163, %add3A_341 : i32
      %mul3A_343 = arith.constant 4 : i32
      %mul3A_344 = arith.muli %add3A_342, %mul3A_343 : i32
      %add3A_345 = arith.constant 3 : i32
      %add3A_346 = arith.addi %mul3A_344, %add3A_345 : i32
      %dma_wait3A_347 = arith.constant 896 : i32
      %dma_wait3A_348 = arith.constant 0 : i32
      %dma_wait3A_349 = tpu.memref_slice %arg8[%dma_wait3A_347, %dma_wait3A_348] : memref<1024x64xf32, #tpu.memory_space<vmem>> -> memref<128x64xf32, #tpu.memory_space<vmem>>
      %dma_wait3A_350 = arith.constant 0 : i32
      %dma_wait3A_351 = tpu.memref_slice %arg6[%add3A_346, %dma_wait3A_350] : memref<80x128xi32, #tpu.memory_space<vmem>> -> memref<1x128xi32, #tpu.memory_space<vmem>>
      %dma_wait3A_352 = tpu.memref_squeeze %dma_wait3A_351 : memref<1x128xi32, #tpu.memory_space<vmem>> -> memref<128xi32, #tpu.memory_space<vmem>>
      %dma_wait3A_353 = arith.constant 0 : i32
      %dma_wait3A_354 = arith.constant 0 : i32
      %dma_wait3A_355 = tpu.memref_slice %arg2[%arg0, %dma_wait3A_353, %dma_wait3A_354] : memref<2x10240x64xf32, #tpu.memory_space<hbm>> -> memref<1x10240x64xf32, #tpu.memory_space<hbm>>
      %dma_wait3A_356 = tpu.memref_squeeze %dma_wait3A_355 : memref<1x10240x64xf32, #tpu.memory_space<hbm>> -> memref<10240x64xf32, #tpu.memory_space<hbm>>
      %dma_wait3A_357 = arith.constant 0 : i32
      %dma_wait3A_358 = arith.constant 0 : i32
      %dma_wait3A_359 = tpu.memref_slice %dma_wait3A_356[%dma_wait3A_357, %dma_wait3A_358] : memref<10240x64xf32, #tpu.memory_space<hbm>> -> memref<10240x64xf32, #tpu.memory_space<hbm>>
      tpu.wait_indirect_dma semaphore(%arg11 : memref<!tpu.dma_semaphore, #tpu.memory_space<semaphore_mem>>) src(%dma_wait3A_359 : memref<10240x64xf32, #tpu.memory_space<hbm>>) dst(%dma_wait3A_349 : memref<128x64xf32, #tpu.memory_space<vmem>>)
      %add3A_360 = arith.constant 1 : i32
      %add3A_361 = arith.addi %mul3A_163, %add3A_360 : i32
      %mul3A_362 = arith.constant 4 : i32
      %mul3A_363 = arith.muli %add3A_361, %mul3A_362 : i32
      %add3A_364 = arith.constant 0 : i32
      %add3A_365 = arith.addi %mul3A_363, %add3A_364 : i32
      %dma_start3A_366 = arith.constant 512 : i32
      %dma_start3A_367 = arith.constant 0 : i32
      %dma_start3A_368 = tpu.memref_slice %arg8[%dma_start3A_366, %dma_start3A_367] : memref<1024x64xf32, #tpu.memory_space<vmem>> -> memref<128x64xf32, #tpu.memory_space<vmem>>
      %dma_start3A_369 = arith.constant 0 : i32
      %dma_start3A_370 = tpu.memref_slice %arg7[%add3A_365, %dma_start3A_369] : memref<80x128xi32, #tpu.memory_space<vmem>> -> memref<1x128xi32, #tpu.memory_space<vmem>>
      %dma_start3A_371 = tpu.memref_squeeze %dma_start3A_370 : memref<1x128xi32, #tpu.memory_space<vmem>> -> memref<128xi32, #tpu.memory_space<vmem>>
      %dma_start3A_372 = arith.constant 0 : i32
      %dma_start3A_373 = arith.constant 0 : i32
      %dma_start3A_374 = tpu.memref_slice %arg9[%dma_start3A_372, %dma_start3A_373] : memref<10240x64xf32, #tpu.memory_space<vmem_shared>> -> memref<10240x64xf32, #tpu.memory_space<vmem_shared>>
      tpu.enqueue_indirect_dma source(%dma_start3A_368 : memref<128x64xf32, #tpu.memory_space<vmem>>) target(%dma_start3A_374 : memref<10240x64xf32, #tpu.memory_space<vmem_shared>>) offsets(%dma_start3A_371 : memref<128xi32, #tpu.memory_space<vmem>>) semaphore(%arg14 : memref<!tpu.dma_semaphore, #tpu.memory_space<semaphore_mem>>) {add = true}
      %add3A_375 = arith.constant 1 : i32
      %add3A_376 = arith.addi %mul3A_163, %add3A_375 : i32
      %mul3A_377 = arith.constant 4 : i32
      %mul3A_378 = arith.muli %add3A_376, %mul3A_377 : i32
      %add3A_379 = arith.constant 1 : i32
      %add3A_380 = arith.addi %mul3A_378, %add3A_379 : i32
      %dma_start3A_381 = arith.constant 640 : i32
      %dma_start3A_382 = arith.constant 0 : i32
      %dma_start3A_383 = tpu.memref_slice %arg8[%dma_start3A_381, %dma_start3A_382] : memref<1024x64xf32, #tpu.memory_space<vmem>> -> memref<128x64xf32, #tpu.memory_space<vmem>>
      %dma_start3A_384 = arith.constant 0 : i32
      %dma_start3A_385 = tpu.memref_slice %arg7[%add3A_380, %dma_start3A_384] : memref<80x128xi32, #tpu.memory_space<vmem>> -> memref<1x128xi32, #tpu.memory_space<vmem>>
      %dma_start3A_386 = tpu.memref_squeeze %dma_start3A_385 : memref<1x128xi32, #tpu.memory_space<vmem>> -> memref<128xi32, #tpu.memory_space<vmem>>
      %dma_start3A_387 = arith.constant 0 : i32
      %dma_start3A_388 = arith.constant 0 : i32
      %dma_start3A_389 = tpu.memref_slice %arg9[%dma_start3A_387, %dma_start3A_388] : memref<10240x64xf32, #tpu.memory_space<vmem_shared>> -> memref<10240x64xf32, #tpu.memory_space<vmem_shared>>
      tpu.enqueue_indirect_dma source(%dma_start3A_383 : memref<128x64xf32, #tpu.memory_space<vmem>>) target(%dma_start3A_389 : memref<10240x64xf32, #tpu.memory_space<vmem_shared>>) offsets(%dma_start3A_386 : memref<128xi32, #tpu.memory_space<vmem>>) semaphore(%arg14 : memref<!tpu.dma_semaphore, #tpu.memory_space<semaphore_mem>>) {add = true}
      %add3A_390 = arith.constant 1 : i32
      %add3A_391 = arith.addi %mul3A_163, %add3A_390 : i32
      %mul3A_392 = arith.constant 4 : i32
      %mul3A_393 = arith.muli %add3A_391, %mul3A_392 : i32
      %add3A_394 = arith.constant 2 : i32
      %add3A_395 = arith.addi %mul3A_393, %add3A_394 : i32
      %dma_start3A_396 = arith.constant 768 : i32
      %dma_start3A_397 = arith.constant 0 : i32
      %dma_start3A_398 = tpu.memref_slice %arg8[%dma_start3A_396, %dma_start3A_397] : memref<1024x64xf32, #tpu.memory_space<vmem>> -> memref<128x64xf32, #tpu.memory_space<vmem>>
      %dma_start3A_399 = arith.constant 0 : i32
      %dma_start3A_400 = tpu.memref_slice %arg7[%add3A_395, %dma_start3A_399] : memref<80x128xi32, #tpu.memory_space<vmem>> -> memref<1x128xi32, #tpu.memory_space<vmem>>
      %dma_start3A_401 = tpu.memref_squeeze %dma_start3A_400 : memref<1x128xi32, #tpu.memory_space<vmem>> -> memref<128xi32, #tpu.memory_space<vmem>>
      %dma_start3A_402 = arith.constant 0 : i32
      %dma_start3A_403 = arith.constant 0 : i32
      %dma_start3A_404 = tpu.memref_slice %arg9[%dma_start3A_402, %dma_start3A_403] : memref<10240x64xf32, #tpu.memory_space<vmem_shared>> -> memref<10240x64xf32, #tpu.memory_space<vmem_shared>>
      tpu.enqueue_indirect_dma source(%dma_start3A_398 : memref<128x64xf32, #tpu.memory_space<vmem>>) target(%dma_start3A_404 : memref<10240x64xf32, #tpu.memory_space<vmem_shared>>) offsets(%dma_start3A_401 : memref<128xi32, #tpu.memory_space<vmem>>) semaphore(%arg14 : memref<!tpu.dma_semaphore, #tpu.memory_space<semaphore_mem>>) {add = true}
      %add3A_405 = arith.constant 1 : i32
      %add3A_406 = arith.addi %mul3A_163, %add3A_405 : i32
      %mul3A_407 = arith.constant 4 : i32
      %mul3A_408 = arith.muli %add3A_406, %mul3A_407 : i32
      %add3A_409 = arith.constant 3 : i32
      %add3A_410 = arith.addi %mul3A_408, %add3A_409 : i32
      %dma_start3A_411 = arith.constant 896 : i32
      %dma_start3A_412 = arith.constant 0 : i32
      %dma_start3A_413 = tpu.memref_slice %arg8[%dma_start3A_411, %dma_start3A_412] : memref<1024x64xf32, #tpu.memory_space<vmem>> -> memref<128x64xf32, #tpu.memory_space<vmem>>
      %dma_start3A_414 = arith.constant 0 : i32
      %dma_start3A_415 = tpu.memref_slice %arg7[%add3A_410, %dma_start3A_414] : memref<80x128xi32, #tpu.memory_space<vmem>> -> memref<1x128xi32, #tpu.memory_space<vmem>>
      %dma_start3A_416 = tpu.memref_squeeze %dma_start3A_415 : memref<1x128xi32, #tpu.memory_space<vmem>> -> memref<128xi32, #tpu.memory_space<vmem>>
      %dma_start3A_417 = arith.constant 0 : i32
      %dma_start3A_418 = arith.constant 0 : i32
      %dma_start3A_419 = tpu.memref_slice %arg9[%dma_start3A_417, %dma_start3A_418] : memref<10240x64xf32, #tpu.memory_space<vmem_shared>> -> memref<10240x64xf32, #tpu.memory_space<vmem_shared>>
      tpu.enqueue_indirect_dma source(%dma_start3A_413 : memref<128x64xf32, #tpu.memory_space<vmem>>) target(%dma_start3A_419 : memref<10240x64xf32, #tpu.memory_space<vmem_shared>>) offsets(%dma_start3A_416 : memref<128xi32, #tpu.memory_space<vmem>>) semaphore(%arg14 : memref<!tpu.dma_semaphore, #tpu.memory_space<semaphore_mem>>) {add = true}
      %dma_wait3A_420 = arith.constant 0 : i32
      %dma_wait3A_421 = arith.constant 0 : i32
      %dma_wait3A_422 = tpu.memref_slice %arg8[%dma_wait3A_420, %dma_wait3A_421] : memref<1024x64xf32, #tpu.memory_space<vmem>> -> memref<128x64xf32, #tpu.memory_space<vmem>>
      %dma_wait3A_423 = arith.constant 0 : i32
      %dma_wait3A_424 = tpu.memref_slice %arg7[%add3A_235, %dma_wait3A_423] : memref<80x128xi32, #tpu.memory_space<vmem>> -> memref<1x128xi32, #tpu.memory_space<vmem>>
      %dma_wait3A_425 = tpu.memref_squeeze %dma_wait3A_424 : memref<1x128xi32, #tpu.memory_space<vmem>> -> memref<128xi32, #tpu.memory_space<vmem>>
      %dma_wait3A_426 = arith.constant 0 : i32
      %dma_wait3A_427 = arith.constant 0 : i32
      %dma_wait3A_428 = tpu.memref_slice %arg9[%dma_wait3A_426, %dma_wait3A_427] : memref<10240x64xf32, #tpu.memory_space<vmem_shared>> -> memref<10240x64xf32, #tpu.memory_space<vmem_shared>>
      tpu.wait_indirect_dma semaphore(%arg13 : memref<!tpu.dma_semaphore, #tpu.memory_space<semaphore_mem>>) src(%dma_wait3A_422 : memref<128x64xf32, #tpu.memory_space<vmem>>) dst(%dma_wait3A_428 : memref<10240x64xf32, #tpu.memory_space<vmem_shared>>)
      %dma_wait3A_429 = arith.constant 128 : i32
      %dma_wait3A_430 = arith.constant 0 : i32
      %dma_wait3A_431 = tpu.memref_slice %arg8[%dma_wait3A_429, %dma_wait3A_430] : memref<1024x64xf32, #tpu.memory_space<vmem>> -> memref<128x64xf32, #tpu.memory_space<vmem>>
      %dma_wait3A_432 = arith.constant 0 : i32
      %dma_wait3A_433 = tpu.memref_slice %arg7[%add3A_248, %dma_wait3A_432] : memref<80x128xi32, #tpu.memory_space<vmem>> -> memref<1x128xi32, #tpu.memory_space<vmem>>
      %dma_wait3A_434 = tpu.memref_squeeze %dma_wait3A_433 : memref<1x128xi32, #tpu.memory_space<vmem>> -> memref<128xi32, #tpu.memory_space<vmem>>
      %dma_wait3A_435 = arith.constant 0 : i32
      %dma_wait3A_436 = arith.constant 0 : i32
      %dma_wait3A_437 = tpu.memref_slice %arg9[%dma_wait3A_435, %dma_wait3A_436] : memref<10240x64xf32, #tpu.memory_space<vmem_shared>> -> memref<10240x64xf32, #tpu.memory_space<vmem_shared>>
      tpu.wait_indirect_dma semaphore(%arg13 : memref<!tpu.dma_semaphore, #tpu.memory_space<semaphore_mem>>) src(%dma_wait3A_431 : memref<128x64xf32, #tpu.memory_space<vmem>>) dst(%dma_wait3A_437 : memref<10240x64xf32, #tpu.memory_space<vmem_shared>>)
      %dma_wait3A_438 = arith.constant 256 : i32
      %dma_wait3A_439 = arith.constant 0 : i32
      %dma_wait3A_440 = tpu.memref_slice %arg8[%dma_wait3A_438, %dma_wait3A_439] : memref<1024x64xf32, #tpu.memory_space<vmem>> -> memref<128x64xf32, #tpu.memory_space<vmem>>
      %dma_wait3A_441 = arith.constant 0 : i32
      %dma_wait3A_442 = tpu.memref_slice %arg7[%add3A_261, %dma_wait3A_441] : memref<80x128xi32, #tpu.memory_space<vmem>> -> memref<1x128xi32, #tpu.memory_space<vmem>>
      %dma_wait3A_443 = tpu.memref_squeeze %dma_wait3A_442 : memref<1x128xi32, #tpu.memory_space<vmem>> -> memref<128xi32, #tpu.memory_space<vmem>>
      %dma_wait3A_444 = arith.constant 0 : i32
      %dma_wait3A_445 = arith.constant 0 : i32
      %dma_wait3A_446 = tpu.memref_slice %arg9[%dma_wait3A_444, %dma_wait3A_445] : memref<10240x64xf32, #tpu.memory_space<vmem_shared>> -> memref<10240x64xf32, #tpu.memory_space<vmem_shared>>
      tpu.wait_indirect_dma semaphore(%arg13 : memref<!tpu.dma_semaphore, #tpu.memory_space<semaphore_mem>>) src(%dma_wait3A_440 : memref<128x64xf32, #tpu.memory_space<vmem>>) dst(%dma_wait3A_446 : memref<10240x64xf32, #tpu.memory_space<vmem_shared>>)
      %dma_wait3A_447 = arith.constant 384 : i32
      %dma_wait3A_448 = arith.constant 0 : i32
      %dma_wait3A_449 = tpu.memref_slice %arg8[%dma_wait3A_447, %dma_wait3A_448] : memref<1024x64xf32, #tpu.memory_space<vmem>> -> memref<128x64xf32, #tpu.memory_space<vmem>>
      %dma_wait3A_450 = arith.constant 0 : i32
      %dma_wait3A_451 = tpu.memref_slice %arg7[%add3A_274, %dma_wait3A_450] : memref<80x128xi32, #tpu.memory_space<vmem>> -> memref<1x128xi32, #tpu.memory_space<vmem>>
      %dma_wait3A_452 = tpu.memref_squeeze %dma_wait3A_451 : memref<1x128xi32, #tpu.memory_space<vmem>> -> memref<128xi32, #tpu.memory_space<vmem>>
      %dma_wait3A_453 = arith.constant 0 : i32
      %dma_wait3A_454 = arith.constant 0 : i32
      %dma_wait3A_455 = tpu.memref_slice %arg9[%dma_wait3A_453, %dma_wait3A_454] : memref<10240x64xf32, #tpu.memory_space<vmem_shared>> -> memref<10240x64xf32, #tpu.memory_space<vmem_shared>>
      tpu.wait_indirect_dma semaphore(%arg13 : memref<!tpu.dma_semaphore, #tpu.memory_space<semaphore_mem>>) src(%dma_wait3A_449 : memref<128x64xf32, #tpu.memory_space<vmem>>) dst(%dma_wait3A_455 : memref<10240x64xf32, #tpu.memory_space<vmem_shared>>)
      %add3A_456 = arith.constant 2 : i32
      %add3A_457 = arith.addi %mul3A_163, %add3A_456 : i32
      %lt3A = arith.constant 20 : i32
      %lt3A_458 = arith.cmpi slt, %add3A_457, %lt3A : i32
      %convert_element_type3A = arith.extui %lt3A_458 : i1 to i32
      %cond3A = arith.constant 0 : i32
      %cond3A_459 = arith.cmpi ne, %convert_element_type3A, %cond3A : i32
      scf.if %cond3A_459 {
        %add3A_503 = arith.constant 2 : i32
        %add3A_504 = arith.addi %mul3A_163, %add3A_503 : i32
        %mul3A_505 = arith.constant 4 : i32
        %mul3A_506 = arith.muli %add3A_504, %mul3A_505 : i32
        %add3A_507 = arith.constant 0 : i32
        %add3A_508 = arith.addi %mul3A_506, %add3A_507 : i32
        %dma_start3A_509 = arith.constant 0 : i32
        %dma_start3A_510 = arith.constant 0 : i32
        %dma_start3A_511 = tpu.memref_slice %arg8[%dma_start3A_509, %dma_start3A_510] : memref<1024x64xf32, #tpu.memory_space<vmem>> -> memref<128x64xf32, #tpu.memory_space<vmem>>
        %dma_start3A_512 = arith.constant 0 : i32
        %dma_start3A_513 = tpu.memref_slice %arg6[%add3A_508, %dma_start3A_512] : memref<80x128xi32, #tpu.memory_space<vmem>> -> memref<1x128xi32, #tpu.memory_space<vmem>>
        %dma_start3A_514 = tpu.memref_squeeze %dma_start3A_513 : memref<1x128xi32, #tpu.memory_space<vmem>> -> memref<128xi32, #tpu.memory_space<vmem>>
        %dma_start3A_515 = arith.constant 0 : i32
        %dma_start3A_516 = arith.constant 0 : i32
        %dma_start3A_517 = tpu.memref_slice %arg2[%arg0, %dma_start3A_515, %dma_start3A_516] : memref<2x10240x64xf32, #tpu.memory_space<hbm>> -> memref<1x10240x64xf32, #tpu.memory_space<hbm>>
        %dma_start3A_518 = tpu.memref_squeeze %dma_start3A_517 : memref<1x10240x64xf32, #tpu.memory_space<hbm>> -> memref<10240x64xf32, #tpu.memory_space<hbm>>
        %dma_start3A_519 = arith.constant 0 : i32
        %dma_start3A_520 = arith.constant 0 : i32
        %dma_start3A_521 = tpu.memref_slice %dma_start3A_518[%dma_start3A_519, %dma_start3A_520] : memref<10240x64xf32, #tpu.memory_space<hbm>> -> memref<10240x64xf32, #tpu.memory_space<hbm>>
        tpu.enqueue_indirect_dma source(%dma_start3A_521 : memref<10240x64xf32, #tpu.memory_space<hbm>>) target(%dma_start3A_511 : memref<128x64xf32, #tpu.memory_space<vmem>>) offsets(%dma_start3A_514 : memref<128xi32, #tpu.memory_space<vmem>>) semaphore(%arg10 : memref<!tpu.dma_semaphore, #tpu.memory_space<semaphore_mem>>)
        %add3A_522 = arith.constant 1 : i32
        %add3A_523 = arith.addi %mul3A_506, %add3A_522 : i32
        %dma_start3A_524 = arith.constant 128 : i32
        %dma_start3A_525 = arith.constant 0 : i32
        %dma_start3A_526 = tpu.memref_slice %arg8[%dma_start3A_524, %dma_start3A_525] : memref<1024x64xf32, #tpu.memory_space<vmem>> -> memref<128x64xf32, #tpu.memory_space<vmem>>
        %dma_start3A_527 = arith.constant 0 : i32
        %dma_start3A_528 = tpu.memref_slice %arg6[%add3A_523, %dma_start3A_527] : memref<80x128xi32, #tpu.memory_space<vmem>> -> memref<1x128xi32, #tpu.memory_space<vmem>>
        %dma_start3A_529 = tpu.memref_squeeze %dma_start3A_528 : memref<1x128xi32, #tpu.memory_space<vmem>> -> memref<128xi32, #tpu.memory_space<vmem>>
        %dma_start3A_530 = arith.constant 0 : i32
        %dma_start3A_531 = arith.constant 0 : i32
        %dma_start3A_532 = tpu.memref_slice %arg2[%arg0, %dma_start3A_530, %dma_start3A_531] : memref<2x10240x64xf32, #tpu.memory_space<hbm>> -> memref<1x10240x64xf32, #tpu.memory_space<hbm>>
        %dma_start3A_533 = tpu.memref_squeeze %dma_start3A_532 : memref<1x10240x64xf32, #tpu.memory_space<hbm>> -> memref<10240x64xf32, #tpu.memory_space<hbm>>
        %dma_start3A_534 = arith.constant 0 : i32
        %dma_start3A_535 = arith.constant 0 : i32
        %dma_start3A_536 = tpu.memref_slice %dma_start3A_533[%dma_start3A_534, %dma_start3A_535] : memref<10240x64xf32, #tpu.memory_space<hbm>> -> memref<10240x64xf32, #tpu.memory_space<hbm>>
        tpu.enqueue_indirect_dma source(%dma_start3A_536 : memref<10240x64xf32, #tpu.memory_space<hbm>>) target(%dma_start3A_526 : memref<128x64xf32, #tpu.memory_space<vmem>>) offsets(%dma_start3A_529 : memref<128xi32, #tpu.memory_space<vmem>>) semaphore(%arg10 : memref<!tpu.dma_semaphore, #tpu.memory_space<semaphore_mem>>)
        %add3A_537 = arith.constant 2 : i32
        %add3A_538 = arith.addi %mul3A_506, %add3A_537 : i32
        %dma_start3A_539 = arith.constant 256 : i32
        %dma_start3A_540 = arith.constant 0 : i32
        %dma_start3A_541 = tpu.memref_slice %arg8[%dma_start3A_539, %dma_start3A_540] : memref<1024x64xf32, #tpu.memory_space<vmem>> -> memref<128x64xf32, #tpu.memory_space<vmem>>
        %dma_start3A_542 = arith.constant 0 : i32
        %dma_start3A_543 = tpu.memref_slice %arg6[%add3A_538, %dma_start3A_542] : memref<80x128xi32, #tpu.memory_space<vmem>> -> memref<1x128xi32, #tpu.memory_space<vmem>>
        %dma_start3A_544 = tpu.memref_squeeze %dma_start3A_543 : memref<1x128xi32, #tpu.memory_space<vmem>> -> memref<128xi32, #tpu.memory_space<vmem>>
        %dma_start3A_545 = arith.constant 0 : i32
        %dma_start3A_546 = arith.constant 0 : i32
        %dma_start3A_547 = tpu.memref_slice %arg2[%arg0, %dma_start3A_545, %dma_start3A_546] : memref<2x10240x64xf32, #tpu.memory_space<hbm>> -> memref<1x10240x64xf32, #tpu.memory_space<hbm>>
        %dma_start3A_548 = tpu.memref_squeeze %dma_start3A_547 : memref<1x10240x64xf32, #tpu.memory_space<hbm>> -> memref<10240x64xf32, #tpu.memory_space<hbm>>
        %dma_start3A_549 = arith.constant 0 : i32
        %dma_start3A_550 = arith.constant 0 : i32
        %dma_start3A_551 = tpu.memref_slice %dma_start3A_548[%dma_start3A_549, %dma_start3A_550] : memref<10240x64xf32, #tpu.memory_space<hbm>> -> memref<10240x64xf32, #tpu.memory_space<hbm>>
        tpu.enqueue_indirect_dma source(%dma_start3A_551 : memref<10240x64xf32, #tpu.memory_space<hbm>>) target(%dma_start3A_541 : memref<128x64xf32, #tpu.memory_space<vmem>>) offsets(%dma_start3A_544 : memref<128xi32, #tpu.memory_space<vmem>>) semaphore(%arg10 : memref<!tpu.dma_semaphore, #tpu.memory_space<semaphore_mem>>)
        %add3A_552 = arith.constant 3 : i32
        %add3A_553 = arith.addi %mul3A_506, %add3A_552 : i32
        %dma_start3A_554 = arith.constant 384 : i32
        %dma_start3A_555 = arith.constant 0 : i32
        %dma_start3A_556 = tpu.memref_slice %arg8[%dma_start3A_554, %dma_start3A_555] : memref<1024x64xf32, #tpu.memory_space<vmem>> -> memref<128x64xf32, #tpu.memory_space<vmem>>
        %dma_start3A_557 = arith.constant 0 : i32
        %dma_start3A_558 = tpu.memref_slice %arg6[%add3A_553, %dma_start3A_557] : memref<80x128xi32, #tpu.memory_space<vmem>> -> memref<1x128xi32, #tpu.memory_space<vmem>>
        %dma_start3A_559 = tpu.memref_squeeze %dma_start3A_558 : memref<1x128xi32, #tpu.memory_space<vmem>> -> memref<128xi32, #tpu.memory_space<vmem>>
        %dma_start3A_560 = arith.constant 0 : i32
        %dma_start3A_561 = arith.constant 0 : i32
        %dma_start3A_562 = tpu.memref_slice %arg2[%arg0, %dma_start3A_560, %dma_start3A_561] : memref<2x10240x64xf32, #tpu.memory_space<hbm>> -> memref<1x10240x64xf32, #tpu.memory_space<hbm>>
        %dma_start3A_563 = tpu.memref_squeeze %dma_start3A_562 : memref<1x10240x64xf32, #tpu.memory_space<hbm>> -> memref<10240x64xf32, #tpu.memory_space<hbm>>
        %dma_start3A_564 = arith.constant 0 : i32
        %dma_start3A_565 = arith.constant 0 : i32
        %dma_start3A_566 = tpu.memref_slice %dma_start3A_563[%dma_start3A_564, %dma_start3A_565] : memref<10240x64xf32, #tpu.memory_space<hbm>> -> memref<10240x64xf32, #tpu.memory_space<hbm>>
        tpu.enqueue_indirect_dma source(%dma_start3A_566 : memref<10240x64xf32, #tpu.memory_space<hbm>>) target(%dma_start3A_556 : memref<128x64xf32, #tpu.memory_space<vmem>>) offsets(%dma_start3A_559 : memref<128xi32, #tpu.memory_space<vmem>>) semaphore(%arg10 : memref<!tpu.dma_semaphore, #tpu.memory_space<semaphore_mem>>)
      } else {
      }
      %dma_wait3A_460 = arith.constant 512 : i32
      %dma_wait3A_461 = arith.constant 0 : i32
      %dma_wait3A_462 = tpu.memref_slice %arg8[%dma_wait3A_460, %dma_wait3A_461] : memref<1024x64xf32, #tpu.memory_space<vmem>> -> memref<128x64xf32, #tpu.memory_space<vmem>>
      %dma_wait3A_463 = arith.constant 0 : i32
      %dma_wait3A_464 = tpu.memref_slice %arg7[%add3A_365, %dma_wait3A_463] : memref<80x128xi32, #tpu.memory_space<vmem>> -> memref<1x128xi32, #tpu.memory_space<vmem>>
      %dma_wait3A_465 = tpu.memref_squeeze %dma_wait3A_464 : memref<1x128xi32, #tpu.memory_space<vmem>> -> memref<128xi32, #tpu.memory_space<vmem>>
      %dma_wait3A_466 = arith.constant 0 : i32
      %dma_wait3A_467 = arith.constant 0 : i32
      %dma_wait3A_468 = tpu.memref_slice %arg9[%dma_wait3A_466, %dma_wait3A_467] : memref<10240x64xf32, #tpu.memory_space<vmem_shared>> -> memref<10240x64xf32, #tpu.memory_space<vmem_shared>>
      tpu.wait_indirect_dma semaphore(%arg14 : memref<!tpu.dma_semaphore, #tpu.memory_space<semaphore_mem>>) src(%dma_wait3A_462 : memref<128x64xf32, #tpu.memory_space<vmem>>) dst(%dma_wait3A_468 : memref<10240x64xf32, #tpu.memory_space<vmem_shared>>)
      %dma_wait3A_469 = arith.constant 640 : i32
      %dma_wait3A_470 = arith.constant 0 : i32
      %dma_wait3A_471 = tpu.memref_slice %arg8[%dma_wait3A_469, %dma_wait3A_470] : memref<1024x64xf32, #tpu.memory_space<vmem>> -> memref<128x64xf32, #tpu.memory_space<vmem>>
      %dma_wait3A_472 = arith.constant 0 : i32
      %dma_wait3A_473 = tpu.memref_slice %arg7[%add3A_380, %dma_wait3A_472] : memref<80x128xi32, #tpu.memory_space<vmem>> -> memref<1x128xi32, #tpu.memory_space<vmem>>
      %dma_wait3A_474 = tpu.memref_squeeze %dma_wait3A_473 : memref<1x128xi32, #tpu.memory_space<vmem>> -> memref<128xi32, #tpu.memory_space<vmem>>
      %dma_wait3A_475 = arith.constant 0 : i32
      %dma_wait3A_476 = arith.constant 0 : i32
      %dma_wait3A_477 = tpu.memref_slice %arg9[%dma_wait3A_475, %dma_wait3A_476] : memref<10240x64xf32, #tpu.memory_space<vmem_shared>> -> memref<10240x64xf32, #tpu.memory_space<vmem_shared>>
      tpu.wait_indirect_dma semaphore(%arg14 : memref<!tpu.dma_semaphore, #tpu.memory_space<semaphore_mem>>) src(%dma_wait3A_471 : memref<128x64xf32, #tpu.memory_space<vmem>>) dst(%dma_wait3A_477 : memref<10240x64xf32, #tpu.memory_space<vmem_shared>>)
      %dma_wait3A_478 = arith.constant 768 : i32
      %dma_wait3A_479 = arith.constant 0 : i32
      %dma_wait3A_480 = tpu.memref_slice %arg8[%dma_wait3A_478, %dma_wait3A_479] : memref<1024x64xf32, #tpu.memory_space<vmem>> -> memref<128x64xf32, #tpu.memory_space<vmem>>
      %dma_wait3A_481 = arith.constant 0 : i32
      %dma_wait3A_482 = tpu.memref_slice %arg7[%add3A_395, %dma_wait3A_481] : memref<80x128xi32, #tpu.memory_space<vmem>> -> memref<1x128xi32, #tpu.memory_space<vmem>>
      %dma_wait3A_483 = tpu.memref_squeeze %dma_wait3A_482 : memref<1x128xi32, #tpu.memory_space<vmem>> -> memref<128xi32, #tpu.memory_space<vmem>>
      %dma_wait3A_484 = arith.constant 0 : i32
      %dma_wait3A_485 = arith.constant 0 : i32
      %dma_wait3A_486 = tpu.memref_slice %arg9[%dma_wait3A_484, %dma_wait3A_485] : memref<10240x64xf32, #tpu.memory_space<vmem_shared>> -> memref<10240x64xf32, #tpu.memory_space<vmem_shared>>
      tpu.wait_indirect_dma semaphore(%arg14 : memref<!tpu.dma_semaphore, #tpu.memory_space<semaphore_mem>>) src(%dma_wait3A_480 : memref<128x64xf32, #tpu.memory_space<vmem>>) dst(%dma_wait3A_486 : memref<10240x64xf32, #tpu.memory_space<vmem_shared>>)
      %dma_wait3A_487 = arith.constant 896 : i32
      %dma_wait3A_488 = arith.constant 0 : i32
      %dma_wait3A_489 = tpu.memref_slice %arg8[%dma_wait3A_487, %dma_wait3A_488] : memref<1024x64xf32, #tpu.memory_space<vmem>> -> memref<128x64xf32, #tpu.memory_space<vmem>>
      %dma_wait3A_490 = arith.constant 0 : i32
      %dma_wait3A_491 = tpu.memref_slice %arg7[%add3A_410, %dma_wait3A_490] : memref<80x128xi32, #tpu.memory_space<vmem>> -> memref<1x128xi32, #tpu.memory_space<vmem>>
      %dma_wait3A_492 = tpu.memref_squeeze %dma_wait3A_491 : memref<1x128xi32, #tpu.memory_space<vmem>> -> memref<128xi32, #tpu.memory_space<vmem>>
      %dma_wait3A_493 = arith.constant 0 : i32
      %dma_wait3A_494 = arith.constant 0 : i32
      %dma_wait3A_495 = tpu.memref_slice %arg9[%dma_wait3A_493, %dma_wait3A_494] : memref<10240x64xf32, #tpu.memory_space<vmem_shared>> -> memref<10240x64xf32, #tpu.memory_space<vmem_shared>>
      tpu.wait_indirect_dma semaphore(%arg14 : memref<!tpu.dma_semaphore, #tpu.memory_space<semaphore_mem>>) src(%dma_wait3A_489 : memref<128x64xf32, #tpu.memory_space<vmem>>) dst(%dma_wait3A_495 : memref<10240x64xf32, #tpu.memory_space<vmem_shared>>)
      %add3A_496 = arith.constant 3 : i32
      %add3A_497 = arith.addi %mul3A_163, %add3A_496 : i32
      %lt3A_498 = arith.constant 20 : i32
      %lt3A_499 = arith.cmpi slt, %add3A_497, %lt3A_498 : i32
      %convert_element_type3A_500 = arith.extui %lt3A_499 : i1 to i32
      %cond3A_501 = arith.constant 0 : i32
      %cond3A_502 = arith.cmpi ne, %convert_element_type3A_500, %cond3A_501 : i32
      scf.if %cond3A_502 {
        %add3A_503 = arith.constant 3 : i32
        %add3A_504 = arith.addi %mul3A_163, %add3A_503 : i32
        %mul3A_505 = arith.constant 4 : i32
        %mul3A_506 = arith.muli %add3A_504, %mul3A_505 : i32
        %add3A_507 = arith.constant 0 : i32
        %add3A_508 = arith.addi %mul3A_506, %add3A_507 : i32
        %dma_start3A_509 = arith.constant 512 : i32
        %dma_start3A_510 = arith.constant 0 : i32
        %dma_start3A_511 = tpu.memref_slice %arg8[%dma_start3A_509, %dma_start3A_510] : memref<1024x64xf32, #tpu.memory_space<vmem>> -> memref<128x64xf32, #tpu.memory_space<vmem>>
        %dma_start3A_512 = arith.constant 0 : i32
        %dma_start3A_513 = tpu.memref_slice %arg6[%add3A_508, %dma_start3A_512] : memref<80x128xi32, #tpu.memory_space<vmem>> -> memref<1x128xi32, #tpu.memory_space<vmem>>
        %dma_start3A_514 = tpu.memref_squeeze %dma_start3A_513 : memref<1x128xi32, #tpu.memory_space<vmem>> -> memref<128xi32, #tpu.memory_space<vmem>>
        %dma_start3A_515 = arith.constant 0 : i32
        %dma_start3A_516 = arith.constant 0 : i32
        %dma_start3A_517 = tpu.memref_slice %arg2[%arg0, %dma_start3A_515, %dma_start3A_516] : memref<2x10240x64xf32, #tpu.memory_space<hbm>> -> memref<1x10240x64xf32, #tpu.memory_space<hbm>>
        %dma_start3A_518 = tpu.memref_squeeze %dma_start3A_517 : memref<1x10240x64xf32, #tpu.memory_space<hbm>> -> memref<10240x64xf32, #tpu.memory_space<hbm>>
        %dma_start3A_519 = arith.constant 0 : i32
        %dma_start3A_520 = arith.constant 0 : i32
        %dma_start3A_521 = tpu.memref_slice %dma_start3A_518[%dma_start3A_519, %dma_start3A_520] : memref<10240x64xf32, #tpu.memory_space<hbm>> -> memref<10240x64xf32, #tpu.memory_space<hbm>>
        tpu.enqueue_indirect_dma source(%dma_start3A_521 : memref<10240x64xf32, #tpu.memory_space<hbm>>) target(%dma_start3A_511 : memref<128x64xf32, #tpu.memory_space<vmem>>) offsets(%dma_start3A_514 : memref<128xi32, #tpu.memory_space<vmem>>) semaphore(%arg11 : memref<!tpu.dma_semaphore, #tpu.memory_space<semaphore_mem>>)
        %add3A_522 = arith.constant 1 : i32
        %add3A_523 = arith.addi %mul3A_506, %add3A_522 : i32
        %dma_start3A_524 = arith.constant 640 : i32
        %dma_start3A_525 = arith.constant 0 : i32
        %dma_start3A_526 = tpu.memref_slice %arg8[%dma_start3A_524, %dma_start3A_525] : memref<1024x64xf32, #tpu.memory_space<vmem>> -> memref<128x64xf32, #tpu.memory_space<vmem>>
        %dma_start3A_527 = arith.constant 0 : i32
        %dma_start3A_528 = tpu.memref_slice %arg6[%add3A_523, %dma_start3A_527] : memref<80x128xi32, #tpu.memory_space<vmem>> -> memref<1x128xi32, #tpu.memory_space<vmem>>
        %dma_start3A_529 = tpu.memref_squeeze %dma_start3A_528 : memref<1x128xi32, #tpu.memory_space<vmem>> -> memref<128xi32, #tpu.memory_space<vmem>>
        %dma_start3A_530 = arith.constant 0 : i32
        %dma_start3A_531 = arith.constant 0 : i32
        %dma_start3A_532 = tpu.memref_slice %arg2[%arg0, %dma_start3A_530, %dma_start3A_531] : memref<2x10240x64xf32, #tpu.memory_space<hbm>> -> memref<1x10240x64xf32, #tpu.memory_space<hbm>>
        %dma_start3A_533 = tpu.memref_squeeze %dma_start3A_532 : memref<1x10240x64xf32, #tpu.memory_space<hbm>> -> memref<10240x64xf32, #tpu.memory_space<hbm>>
        %dma_start3A_534 = arith.constant 0 : i32
        %dma_start3A_535 = arith.constant 0 : i32
        %dma_start3A_536 = tpu.memref_slice %dma_start3A_533[%dma_start3A_534, %dma_start3A_535] : memref<10240x64xf32, #tpu.memory_space<hbm>> -> memref<10240x64xf32, #tpu.memory_space<hbm>>
        tpu.enqueue_indirect_dma source(%dma_start3A_536 : memref<10240x64xf32, #tpu.memory_space<hbm>>) target(%dma_start3A_526 : memref<128x64xf32, #tpu.memory_space<vmem>>) offsets(%dma_start3A_529 : memref<128xi32, #tpu.memory_space<vmem>>) semaphore(%arg11 : memref<!tpu.dma_semaphore, #tpu.memory_space<semaphore_mem>>)
        %add3A_537 = arith.constant 2 : i32
        %add3A_538 = arith.addi %mul3A_506, %add3A_537 : i32
        %dma_start3A_539 = arith.constant 768 : i32
        %dma_start3A_540 = arith.constant 0 : i32
        %dma_start3A_541 = tpu.memref_slice %arg8[%dma_start3A_539, %dma_start3A_540] : memref<1024x64xf32, #tpu.memory_space<vmem>> -> memref<128x64xf32, #tpu.memory_space<vmem>>
        %dma_start3A_542 = arith.constant 0 : i32
        %dma_start3A_543 = tpu.memref_slice %arg6[%add3A_538, %dma_start3A_542] : memref<80x128xi32, #tpu.memory_space<vmem>> -> memref<1x128xi32, #tpu.memory_space<vmem>>
        %dma_start3A_544 = tpu.memref_squeeze %dma_start3A_543 : memref<1x128xi32, #tpu.memory_space<vmem>> -> memref<128xi32, #tpu.memory_space<vmem>>
        %dma_start3A_545 = arith.constant 0 : i32
        %dma_start3A_546 = arith.constant 0 : i32
        %dma_start3A_547 = tpu.memref_slice %arg2[%arg0, %dma_start3A_545, %dma_start3A_546] : memref<2x10240x64xf32, #tpu.memory_space<hbm>> -> memref<1x10240x64xf32, #tpu.memory_space<hbm>>
        %dma_start3A_548 = tpu.memref_squeeze %dma_start3A_547 : memref<1x10240x64xf32, #tpu.memory_space<hbm>> -> memref<10240x64xf32, #tpu.memory_space<hbm>>
        %dma_start3A_549 = arith.constant 0 : i32
        %dma_start3A_550 = arith.constant 0 : i32
        %dma_start3A_551 = tpu.memref_slice %dma_start3A_548[%dma_start3A_549, %dma_start3A_550] : memref<10240x64xf32, #tpu.memory_space<hbm>> -> memref<10240x64xf32, #tpu.memory_space<hbm>>
        tpu.enqueue_indirect_dma source(%dma_start3A_551 : memref<10240x64xf32, #tpu.memory_space<hbm>>) target(%dma_start3A_541 : memref<128x64xf32, #tpu.memory_space<vmem>>) offsets(%dma_start3A_544 : memref<128xi32, #tpu.memory_space<vmem>>) semaphore(%arg11 : memref<!tpu.dma_semaphore, #tpu.memory_space<semaphore_mem>>)
        %add3A_552 = arith.constant 3 : i32
        %add3A_553 = arith.addi %mul3A_506, %add3A_552 : i32
        %dma_start3A_554 = arith.constant 896 : i32
        %dma_start3A_555 = arith.constant 0 : i32
        %dma_start3A_556 = tpu.memref_slice %arg8[%dma_start3A_554, %dma_start3A_555] : memref<1024x64xf32, #tpu.memory_space<vmem>> -> memref<128x64xf32, #tpu.memory_space<vmem>>
        %dma_start3A_557 = arith.constant 0 : i32
        %dma_start3A_558 = tpu.memref_slice %arg6[%add3A_553, %dma_start3A_557] : memref<80x128xi32, #tpu.memory_space<vmem>> -> memref<1x128xi32, #tpu.memory_space<vmem>>
        %dma_start3A_559 = tpu.memref_squeeze %dma_start3A_558 : memref<1x128xi32, #tpu.memory_space<vmem>> -> memref<128xi32, #tpu.memory_space<vmem>>
        %dma_start3A_560 = arith.constant 0 : i32
        %dma_start3A_561 = arith.constant 0 : i32
        %dma_start3A_562 = tpu.memref_slice %arg2[%arg0, %dma_start3A_560, %dma_start3A_561] : memref<2x10240x64xf32, #tpu.memory_space<hbm>> -> memref<1x10240x64xf32, #tpu.memory_space<hbm>>
        %dma_start3A_563 = tpu.memref_squeeze %dma_start3A_562 : memref<1x10240x64xf32, #tpu.memory_space<hbm>> -> memref<10240x64xf32, #tpu.memory_space<hbm>>
        %dma_start3A_564 = arith.constant 0 : i32
        %dma_start3A_565 = arith.constant 0 : i32
        %dma_start3A_566 = tpu.memref_slice %dma_start3A_563[%dma_start3A_564, %dma_start3A_565] : memref<10240x64xf32, #tpu.memory_space<hbm>> -> memref<10240x64xf32, #tpu.memory_space<hbm>>
        tpu.enqueue_indirect_dma source(%dma_start3A_566 : memref<10240x64xf32, #tpu.memory_space<hbm>>) target(%dma_start3A_556 : memref<128x64xf32, #tpu.memory_space<vmem>>) offsets(%dma_start3A_559 : memref<128xi32, #tpu.memory_space<vmem>>) semaphore(%arg11 : memref<!tpu.dma_semaphore, #tpu.memory_space<semaphore_mem>>)
      } else {
      }
    }
    %scan3A_159 = arith.constant 10 : i32
    %barrier3A_160 = arith.constant 0 : index
    tpu.barrier barrier_id(%barrier3A_160)
    "tpu.region"() ({
      %run_scoped3A = tpu.sem_alloc : memref<!tpu.dma_semaphore, #tpu.memory_space<semaphore_mem>>
      %dma_start3A_161 = arith.constant 0 : i32
      %dma_start3A_162 = tpu.memref_slice %arg5[%arg0, %mul3A_2, %dma_start3A_161] : memref<2x10240x64xf32, #tpu.memory_space<hbm>> -> memref<1x640x64xf32, #tpu.memory_space<hbm>>
      %dma_start3A_163 = tpu.memref_squeeze %dma_start3A_162 : memref<1x640x64xf32, #tpu.memory_space<hbm>> -> memref<640x64xf32, #tpu.memory_space<hbm>>
      %dma_start3A_164 = arith.constant 0 : i32
      %dma_start3A_165 = tpu.memref_slice %arg9[%mul3A_2, %dma_start3A_164] : memref<10240x64xf32, #tpu.memory_space<vmem_shared>> -> memref<640x64xf32, #tpu.memory_space<vmem_shared>>
      tpu.enqueue_dma source(%dma_start3A_165 : memref<640x64xf32, #tpu.memory_space<vmem_shared>>) target(%dma_start3A_163 : memref<640x64xf32, #tpu.memory_space<hbm>>) target_semaphore(%run_scoped3A : memref<!tpu.dma_semaphore, #tpu.memory_space<semaphore_mem>>)
      %dma_wait3A_166 = arith.constant 0 : i32
      %dma_wait3A_167 = tpu.memref_slice %arg5[%arg0, %mul3A_2, %dma_wait3A_166] : memref<2x10240x64xf32, #tpu.memory_space<hbm>> -> memref<1x640x64xf32, #tpu.memory_space<hbm>>
      %dma_wait3A_168 = tpu.memref_squeeze %dma_wait3A_167 : memref<1x640x64xf32, #tpu.memory_space<hbm>> -> memref<640x64xf32, #tpu.memory_space<hbm>>
      %dma_wait3A_169 = arith.constant 0 : i32
      %dma_wait3A_170 = tpu.memref_slice %arg9[%mul3A_2, %dma_wait3A_169] : memref<10240x64xf32, #tpu.memory_space<vmem_shared>> -> memref<640x64xf32, #tpu.memory_space<vmem_shared>>
      tpu.wait_dma2 semaphore(%run_scoped3A : memref<!tpu.dma_semaphore, #tpu.memory_space<semaphore_mem>>) src(%dma_wait3A_170 : memref<640x64xf32, #tpu.memory_space<vmem_shared>>) dst(%dma_wait3A_168 : memref<640x64xf32, #tpu.memory_space<hbm>>)
      tpu.yield
    }) : () -> ()
    return
  }
}

#map = affine_map<(d0, d1) -> (0, 0, 0)>
module attributes {stable_mosaic.version = 14 : i64} {
  func.func @scat_kernel(%arg0: i32, %arg1: i32, %arg2: memref<2x10240x64xf32, #tpu.memory_space<hbm>>, %arg3: memref<32x80x128xi32, #tpu.memory_space<hbm>>, %arg4: memref<32x80x128xi32, #tpu.memory_space<hbm>>, %arg5: memref<2x10240x64xf32, #tpu.memory_space<hbm>>, %arg6: memref<80x128xi32, #tpu.memory_space<vmem>>, %arg7: memref<80x128xi32, #tpu.memory_space<vmem>>, %arg8: memref<1024x64xf32, #tpu.memory_space<vmem>>, %arg9: memref<10240x64xf32, #tpu.memory_space<vmem_shared>>, %arg10: memref<!tpu.dma_semaphore, #tpu.memory_space<semaphore_mem>>, %arg11: memref<!tpu.dma_semaphore, #tpu.memory_space<semaphore_mem>>, %arg12: memref<!tpu.dma_semaphore, #tpu.memory_space<semaphore_mem>>, %arg13: memref<!tpu.dma_semaphore, #tpu.memory_space<semaphore_mem>>, %arg14: memref<!tpu.dma_semaphore, #tpu.memory_space<semaphore_mem>>) attributes {dimension_semantics = [#tpu.dimension_semantics<core_parallel>, #tpu.dimension_semantics<subcore_parallel>], iteration_bounds = array<i64: 2, 16>, scalar_prefetch = 0 : i64, scratch_operands = 9 : i64, tpu.core_type = #tpu.core_type<sc_vector_subcore>, window_params = [{transform_indices = #map}, {transform_indices = #map}, {transform_indices = #map}, {transform_indices = #map}]} {
    %mul3A = arith.constant 16 : i32
    %mul3A_0 = arith.muli %arg0, %mul3A : i32
    %add3A = arith.addi %mul3A_0, %arg1 : i32
    %mul3A_1 = arith.constant 640 : i32
    %mul3A_2 = arith.muli %arg1, %mul3A_1 : i32
    %dma_start3A = arith.constant 0 : i32
    %dma_start3A_3 = arith.constant 0 : i32
    %dma_start3A_4 = tpu.memref_slice %arg3[%add3A, %dma_start3A, %dma_start3A_3] : memref<32x80x128xi32, #tpu.memory_space<hbm>> -> memref<1x80x128xi32, #tpu.memory_space<hbm>>
    %dma_start3A_5 = tpu.memref_squeeze %dma_start3A_4 : memref<1x80x128xi32, #tpu.memory_space<hbm>> -> memref<80x128xi32, #tpu.memory_space<hbm>>
    %dma_start3A_6 = arith.constant 0 : i32
    %dma_start3A_7 = arith.constant 0 : i32
    %dma_start3A_8 = tpu.memref_slice %arg3[%add3A, %dma_start3A_6, %dma_start3A_7] : memref<32x80x128xi32, #tpu.memory_space<hbm>> -> memref<1x80x128xi32, #tpu.memory_space<hbm>>
    %dma_start3A_9 = tpu.memref_squeeze %dma_start3A_8 : memref<1x80x128xi32, #tpu.memory_space<hbm>> -> memref<80x128xi32, #tpu.memory_space<hbm>>
    tpu.enqueue_dma source(%dma_start3A_9 : memref<80x128xi32, #tpu.memory_space<hbm>>) target(%arg6 : memref<80x128xi32, #tpu.memory_space<vmem>>) target_semaphore(%arg10 : memref<!tpu.dma_semaphore, #tpu.memory_space<semaphore_mem>>)
    %dma_start3A_10 = arith.constant 0 : i32
    %dma_start3A_11 = arith.constant 0 : i32
    %dma_start3A_12 = tpu.memref_slice %arg4[%add3A, %dma_start3A_10, %dma_start3A_11] : memref<32x80x128xi32, #tpu.memory_space<hbm>> -> memref<1x80x128xi32, #tpu.memory_space<hbm>>
    %dma_start3A_13 = tpu.memref_squeeze %dma_start3A_12 : memref<1x80x128xi32, #tpu.memory_space<hbm>> -> memref<80x128xi32, #tpu.memory_space<hbm>>
    %dma_start3A_14 = arith.constant 0 : i32
    %dma_start3A_15 = arith.constant 0 : i32
    %dma_start3A_16 = tpu.memref_slice %arg4[%add3A, %dma_start3A_14, %dma_start3A_15] : memref<32x80x128xi32, #tpu.memory_space<hbm>> -> memref<1x80x128xi32, #tpu.memory_space<hbm>>
    %dma_start3A_17 = tpu.memref_squeeze %dma_start3A_16 : memref<1x80x128xi32, #tpu.memory_space<hbm>> -> memref<80x128xi32, #tpu.memory_space<hbm>>
    tpu.enqueue_dma source(%dma_start3A_17 : memref<80x128xi32, #tpu.memory_space<hbm>>) target(%arg7 : memref<80x128xi32, #tpu.memory_space<vmem>>) target_semaphore(%arg12 : memref<!tpu.dma_semaphore, #tpu.memory_space<semaphore_mem>>)
    %dma_start3A_18 = arith.constant 0 : i32
    %dma_start3A_19 = tpu.memref_slice %arg9[%mul3A_2, %dma_start3A_18] : memref<10240x64xf32, #tpu.memory_space<vmem_shared>> -> memref<640x64xf32, #tpu.memory_space<vmem_shared>>
    %dma_start3A_20 = arith.constant 0 : i32
    %dma_start3A_21 = tpu.memref_slice %arg2[%arg0, %mul3A_2, %dma_start3A_20] : memref<2x10240x64xf32, #tpu.memory_space<hbm>> -> memref<1x640x64xf32, #tpu.memory_space<hbm>>
    %dma_start3A_22 = tpu.memref_squeeze %dma_start3A_21 : memref<1x640x64xf32, #tpu.memory_space<hbm>> -> memref<640x64xf32, #tpu.memory_space<hbm>>
    tpu.enqueue_dma source(%dma_start3A_22 : memref<640x64xf32, #tpu.memory_space<hbm>>) target(%dma_start3A_19 : memref<640x64xf32, #tpu.memory_space<vmem_shared>>) target_semaphore(%arg12 : memref<!tpu.dma_semaphore, #tpu.memory_space<semaphore_mem>>)
    %dma_wait3A = arith.constant 0 : i32
    %dma_wait3A_23 = arith.constant 0 : i32
    %dma_wait3A_24 = tpu.memref_slice %arg3[%add3A, %dma_wait3A, %dma_wait3A_23] : memref<32x80x128xi32, #tpu.memory_space<hbm>> -> memref<1x80x128xi32, #tpu.memory_space<hbm>>
    %dma_wait3A_25 = tpu.memref_squeeze %dma_wait3A_24 : memref<1x80x128xi32, #tpu.memory_space<hbm>> -> memref<80x128xi32, #tpu.memory_space<hbm>>
    %dma_wait3A_26 = arith.constant 0 : i32
    %dma_wait3A_27 = arith.constant 0 : i32
    %dma_wait3A_28 = tpu.memref_slice %arg3[%add3A, %dma_wait3A_26, %dma_wait3A_27] : memref<32x80x128xi32, #tpu.memory_space<hbm>> -> memref<1x80x128xi32, #tpu.memory_space<hbm>>
    %dma_wait3A_29 = tpu.memref_squeeze %dma_wait3A_28 : memref<1x80x128xi32, #tpu.memory_space<hbm>> -> memref<80x128xi32, #tpu.memory_space<hbm>>
    tpu.wait_dma2 semaphore(%arg10 : memref<!tpu.dma_semaphore, #tpu.memory_space<semaphore_mem>>) src(%dma_wait3A_29 : memref<80x128xi32, #tpu.memory_space<hbm>>) dst(%arg6 : memref<80x128xi32, #tpu.memory_space<vmem>>)
    %dma_start3A_30 = arith.constant 0 : i32
    %dma_start3A_31 = arith.constant 0 : i32
    %dma_start3A_32 = arith.constant 0 : i32
    %dma_start3A_33 = tpu.memref_slice %arg8[%dma_start3A_31, %dma_start3A_32] : memref<1024x64xf32, #tpu.memory_space<vmem>> -> memref<128x64xf32, #tpu.memory_space<vmem>>
    %dma_start3A_34 = arith.constant 0 : i32
    %dma_start3A_35 = tpu.memref_slice %arg6[%dma_start3A_30, %dma_start3A_34] : memref<80x128xi32, #tpu.memory_space<vmem>> -> memref<1x128xi32, #tpu.memory_space<vmem>>
    %dma_start3A_36 = tpu.memref_squeeze %dma_start3A_35 : memref<1x128xi32, #tpu.memory_space<vmem>> -> memref<128xi32, #tpu.memory_space<vmem>>
    %dma_start3A_37 = arith.constant 0 : i32
    %dma_start3A_38 = arith.constant 0 : i32
    %dma_start3A_39 = tpu.memref_slice %arg2[%arg0, %dma_start3A_37, %dma_start3A_38] : memref<2x10240x64xf32, #tpu.memory_space<hbm>> -> memref<1x10240x64xf32, #tpu.memory_space<hbm>>
    %dma_start3A_40 = tpu.memref_squeeze %dma_start3A_39 : memref<1x10240x64xf32, #tpu.memory_space<hbm>> -> memref<10240x64xf32, #tpu.memory_space<hbm>>
    %dma_start3A_41 = arith.constant 0 : i32
    %dma_start3A_42 = arith.constant 0 : i32
    %dma_start3A_43 = tpu.memref_slice %dma_start3A_40[%dma_start3A_41, %dma_start3A_42] : memref<10240x64xf32, #tpu.memory_space<hbm>> -> memref<10240x64xf32, #tpu.memory_space<hbm>>
    tpu.enqueue_indirect_dma source(%dma_start3A_43 : memref<10240x64xf32, #tpu.memory_space<hbm>>) target(%dma_start3A_33 : memref<128x64xf32, #tpu.memory_space<vmem>>) offsets(%dma_start3A_36 : memref<128xi32, #tpu.memory_space<vmem>>) semaphore(%arg10 : memref<!tpu.dma_semaphore, #tpu.memory_space<semaphore_mem>>)
    %dma_start3A_44 = arith.constant 1 : i32
    %dma_start3A_45 = arith.constant 128 : i32
    %dma_start3A_46 = arith.constant 0 : i32
    %dma_start3A_47 = tpu.memref_slice %arg8[%dma_start3A_45, %dma_start3A_46] : memref<1024x64xf32, #tpu.memory_space<vmem>> -> memref<128x64xf32, #tpu.memory_space<vmem>>
    %dma_start3A_48 = arith.constant 0 : i32
    %dma_start3A_49 = tpu.memref_slice %arg6[%dma_start3A_44, %dma_start3A_48] : memref<80x128xi32, #tpu.memory_space<vmem>> -> memref<1x128xi32, #tpu.memory_space<vmem>>
    %dma_start3A_50 = tpu.memref_squeeze %dma_start3A_49 : memref<1x128xi32, #tpu.memory_space<vmem>> -> memref<128xi32, #tpu.memory_space<vmem>>
    %dma_start3A_51 = arith.constant 0 : i32
    %dma_start3A_52 = arith.constant 0 : i32
    %dma_start3A_53 = tpu.memref_slice %arg2[%arg0, %dma_start3A_51, %dma_start3A_52] : memref<2x10240x64xf32, #tpu.memory_space<hbm>> -> memref<1x10240x64xf32, #tpu.memory_space<hbm>>
    %dma_start3A_54 = tpu.memref_squeeze %dma_start3A_53 : memref<1x10240x64xf32, #tpu.memory_space<hbm>> -> memref<10240x64xf32, #tpu.memory_space<hbm>>
    %dma_start3A_55 = arith.constant 0 : i32
    %dma_start3A_56 = arith.constant 0 : i32
    %dma_start3A_57 = tpu.memref_slice %dma_start3A_54[%dma_start3A_55, %dma_start3A_56] : memref<10240x64xf32, #tpu.memory_space<hbm>> -> memref<10240x64xf32, #tpu.memory_space<hbm>>
    tpu.enqueue_indirect_dma source(%dma_start3A_57 : memref<10240x64xf32, #tpu.memory_space<hbm>>) target(%dma_start3A_47 : memref<128x64xf32, #tpu.memory_space<vmem>>) offsets(%dma_start3A_50 : memref<128xi32, #tpu.memory_space<vmem>>) semaphore(%arg10 : memref<!tpu.dma_semaphore, #tpu.memory_space<semaphore_mem>>)
    %dma_start3A_58 = arith.constant 2 : i32
    %dma_start3A_59 = arith.constant 256 : i32
    %dma_start3A_60 = arith.constant 0 : i32
    %dma_start3A_61 = tpu.memref_slice %arg8[%dma_start3A_59, %dma_start3A_60] : memref<1024x64xf32, #tpu.memory_space<vmem>> -> memref<128x64xf32, #tpu.memory_space<vmem>>
    %dma_start3A_62 = arith.constant 0 : i32
    %dma_start3A_63 = tpu.memref_slice %arg6[%dma_start3A_58, %dma_start3A_62] : memref<80x128xi32, #tpu.memory_space<vmem>> -> memref<1x128xi32, #tpu.memory_space<vmem>>
    %dma_start3A_64 = tpu.memref_squeeze %dma_start3A_63 : memref<1x128xi32, #tpu.memory_space<vmem>> -> memref<128xi32, #tpu.memory_space<vmem>>
    %dma_start3A_65 = arith.constant 0 : i32
    %dma_start3A_66 = arith.constant 0 : i32
    %dma_start3A_67 = tpu.memref_slice %arg2[%arg0, %dma_start3A_65, %dma_start3A_66] : memref<2x10240x64xf32, #tpu.memory_space<hbm>> -> memref<1x10240x64xf32, #tpu.memory_space<hbm>>
    %dma_start3A_68 = tpu.memref_squeeze %dma_start3A_67 : memref<1x10240x64xf32, #tpu.memory_space<hbm>> -> memref<10240x64xf32, #tpu.memory_space<hbm>>
    %dma_start3A_69 = arith.constant 0 : i32
    %dma_start3A_70 = arith.constant 0 : i32
    %dma_start3A_71 = tpu.memref_slice %dma_start3A_68[%dma_start3A_69, %dma_start3A_70] : memref<10240x64xf32, #tpu.memory_space<hbm>> -> memref<10240x64xf32, #tpu.memory_space<hbm>>
    tpu.enqueue_indirect_dma source(%dma_start3A_71 : memref<10240x64xf32, #tpu.memory_space<hbm>>) target(%dma_start3A_61 : memref<128x64xf32, #tpu.memory_space<vmem>>) offsets(%dma_start3A_64 : memref<128xi32, #tpu.memory_space<vmem>>) semaphore(%arg10 : memref<!tpu.dma_semaphore, #tpu.memory_space<semaphore_mem>>)
    %dma_start3A_72 = arith.constant 3 : i32
    %dma_start3A_73 = arith.constant 384 : i32
    %dma_start3A_74 = arith.constant 0 : i32
    %dma_start3A_75 = tpu.memref_slice %arg8[%dma_start3A_73, %dma_start3A_74] : memref<1024x64xf32, #tpu.memory_space<vmem>> -> memref<128x64xf32, #tpu.memory_space<vmem>>
    %dma_start3A_76 = arith.constant 0 : i32
    %dma_start3A_77 = tpu.memref_slice %arg6[%dma_start3A_72, %dma_start3A_76] : memref<80x128xi32, #tpu.memory_space<vmem>> -> memref<1x128xi32, #tpu.memory_space<vmem>>
    %dma_start3A_78 = tpu.memref_squeeze %dma_start3A_77 : memref<1x128xi32, #tpu.memory_space<vmem>> -> memref<128xi32, #tpu.memory_space<vmem>>
    %dma_start3A_79 = arith.constant 0 : i32
    %dma_start3A_80 = arith.constant 0 : i32
    %dma_start3A_81 = tpu.memref_slice %arg2[%arg0, %dma_start3A_79, %dma_start3A_80] : memref<2x10240x64xf32, #tpu.memory_space<hbm>> -> memref<1x10240x64xf32, #tpu.memory_space<hbm>>
    %dma_start3A_82 = tpu.memref_squeeze %dma_start3A_81 : memref<1x10240x64xf32, #tpu.memory_space<hbm>> -> memref<10240x64xf32, #tpu.memory_space<hbm>>
    %dma_start3A_83 = arith.constant 0 : i32
    %dma_start3A_84 = arith.constant 0 : i32
    %dma_start3A_85 = tpu.memref_slice %dma_start3A_82[%dma_start3A_83, %dma_start3A_84] : memref<10240x64xf32, #tpu.memory_space<hbm>> -> memref<10240x64xf32, #tpu.memory_space<hbm>>
    tpu.enqueue_indirect_dma source(%dma_start3A_85 : memref<10240x64xf32, #tpu.memory_space<hbm>>) target(%dma_start3A_75 : memref<128x64xf32, #tpu.memory_space<vmem>>) offsets(%dma_start3A_78 : memref<128xi32, #tpu.memory_space<vmem>>) semaphore(%arg10 : memref<!tpu.dma_semaphore, #tpu.memory_space<semaphore_mem>>)
    %dma_start3A_86 = arith.constant 4 : i32
    %dma_start3A_87 = arith.constant 512 : i32
    %dma_start3A_88 = arith.constant 0 : i32
    %dma_start3A_89 = tpu.memref_slice %arg8[%dma_start3A_87, %dma_start3A_88] : memref<1024x64xf32, #tpu.memory_space<vmem>> -> memref<128x64xf32, #tpu.memory_space<vmem>>
    %dma_start3A_90 = arith.constant 0 : i32
    %dma_start3A_91 = tpu.memref_slice %arg6[%dma_start3A_86, %dma_start3A_90] : memref<80x128xi32, #tpu.memory_space<vmem>> -> memref<1x128xi32, #tpu.memory_space<vmem>>
    %dma_start3A_92 = tpu.memref_squeeze %dma_start3A_91 : memref<1x128xi32, #tpu.memory_space<vmem>> -> memref<128xi32, #tpu.memory_space<vmem>>
    %dma_start3A_93 = arith.constant 0 : i32
    %dma_start3A_94 = arith.constant 0 : i32
    %dma_start3A_95 = tpu.memref_slice %arg2[%arg0, %dma_start3A_93, %dma_start3A_94] : memref<2x10240x64xf32, #tpu.memory_space<hbm>> -> memref<1x10240x64xf32, #tpu.memory_space<hbm>>
    %dma_start3A_96 = tpu.memref_squeeze %dma_start3A_95 : memref<1x10240x64xf32, #tpu.memory_space<hbm>> -> memref<10240x64xf32, #tpu.memory_space<hbm>>
    %dma_start3A_97 = arith.constant 0 : i32
    %dma_start3A_98 = arith.constant 0 : i32
    %dma_start3A_99 = tpu.memref_slice %dma_start3A_96[%dma_start3A_97, %dma_start3A_98] : memref<10240x64xf32, #tpu.memory_space<hbm>> -> memref<10240x64xf32, #tpu.memory_space<hbm>>
    tpu.enqueue_indirect_dma source(%dma_start3A_99 : memref<10240x64xf32, #tpu.memory_space<hbm>>) target(%dma_start3A_89 : memref<128x64xf32, #tpu.memory_space<vmem>>) offsets(%dma_start3A_92 : memref<128xi32, #tpu.memory_space<vmem>>) semaphore(%arg11 : memref<!tpu.dma_semaphore, #tpu.memory_space<semaphore_mem>>)
    %dma_start3A_100 = arith.constant 5 : i32
    %dma_start3A_101 = arith.constant 640 : i32
    %dma_start3A_102 = arith.constant 0 : i32
    %dma_start3A_103 = tpu.memref_slice %arg8[%dma_start3A_101, %dma_start3A_102] : memref<1024x64xf32, #tpu.memory_space<vmem>> -> memref<128x64xf32, #tpu.memory_space<vmem>>
    %dma_start3A_104 = arith.constant 0 : i32
    %dma_start3A_105 = tpu.memref_slice %arg6[%dma_start3A_100, %dma_start3A_104] : memref<80x128xi32, #tpu.memory_space<vmem>> -> memref<1x128xi32, #tpu.memory_space<vmem>>
    %dma_start3A_106 = tpu.memref_squeeze %dma_start3A_105 : memref<1x128xi32, #tpu.memory_space<vmem>> -> memref<128xi32, #tpu.memory_space<vmem>>
    %dma_start3A_107 = arith.constant 0 : i32
    %dma_start3A_108 = arith.constant 0 : i32
    %dma_start3A_109 = tpu.memref_slice %arg2[%arg0, %dma_start3A_107, %dma_start3A_108] : memref<2x10240x64xf32, #tpu.memory_space<hbm>> -> memref<1x10240x64xf32, #tpu.memory_space<hbm>>
    %dma_start3A_110 = tpu.memref_squeeze %dma_start3A_109 : memref<1x10240x64xf32, #tpu.memory_space<hbm>> -> memref<10240x64xf32, #tpu.memory_space<hbm>>
    %dma_start3A_111 = arith.constant 0 : i32
    %dma_start3A_112 = arith.constant 0 : i32
    %dma_start3A_113 = tpu.memref_slice %dma_start3A_110[%dma_start3A_111, %dma_start3A_112] : memref<10240x64xf32, #tpu.memory_space<hbm>> -> memref<10240x64xf32, #tpu.memory_space<hbm>>
    tpu.enqueue_indirect_dma source(%dma_start3A_113 : memref<10240x64xf32, #tpu.memory_space<hbm>>) target(%dma_start3A_103 : memref<128x64xf32, #tpu.memory_space<vmem>>) offsets(%dma_start3A_106 : memref<128xi32, #tpu.memory_space<vmem>>) semaphore(%arg11 : memref<!tpu.dma_semaphore, #tpu.memory_space<semaphore_mem>>)
    %dma_start3A_114 = arith.constant 6 : i32
    %dma_start3A_115 = arith.constant 768 : i32
    %dma_start3A_116 = arith.constant 0 : i32
    %dma_start3A_117 = tpu.memref_slice %arg8[%dma_start3A_115, %dma_start3A_116] : memref<1024x64xf32, #tpu.memory_space<vmem>> -> memref<128x64xf32, #tpu.memory_space<vmem>>
    %dma_start3A_118 = arith.constant 0 : i32
    %dma_start3A_119 = tpu.memref_slice %arg6[%dma_start3A_114, %dma_start3A_118] : memref<80x128xi32, #tpu.memory_space<vmem>> -> memref<1x128xi32, #tpu.memory_space<vmem>>
    %dma_start3A_120 = tpu.memref_squeeze %dma_start3A_119 : memref<1x128xi32, #tpu.memory_space<vmem>> -> memref<128xi32, #tpu.memory_space<vmem>>
    %dma_start3A_121 = arith.constant 0 : i32
    %dma_start3A_122 = arith.constant 0 : i32
    %dma_start3A_123 = tpu.memref_slice %arg2[%arg0, %dma_start3A_121, %dma_start3A_122] : memref<2x10240x64xf32, #tpu.memory_space<hbm>> -> memref<1x10240x64xf32, #tpu.memory_space<hbm>>
    %dma_start3A_124 = tpu.memref_squeeze %dma_start3A_123 : memref<1x10240x64xf32, #tpu.memory_space<hbm>> -> memref<10240x64xf32, #tpu.memory_space<hbm>>
    %dma_start3A_125 = arith.constant 0 : i32
    %dma_start3A_126 = arith.constant 0 : i32
    %dma_start3A_127 = tpu.memref_slice %dma_start3A_124[%dma_start3A_125, %dma_start3A_126] : memref<10240x64xf32, #tpu.memory_space<hbm>> -> memref<10240x64xf32, #tpu.memory_space<hbm>>
    tpu.enqueue_indirect_dma source(%dma_start3A_127 : memref<10240x64xf32, #tpu.memory_space<hbm>>) target(%dma_start3A_117 : memref<128x64xf32, #tpu.memory_space<vmem>>) offsets(%dma_start3A_120 : memref<128xi32, #tpu.memory_space<vmem>>) semaphore(%arg11 : memref<!tpu.dma_semaphore, #tpu.memory_space<semaphore_mem>>)
    %dma_start3A_128 = arith.constant 7 : i32
    %dma_start3A_129 = arith.constant 896 : i32
    %dma_start3A_130 = arith.constant 0 : i32
    %dma_start3A_131 = tpu.memref_slice %arg8[%dma_start3A_129, %dma_start3A_130] : memref<1024x64xf32, #tpu.memory_space<vmem>> -> memref<128x64xf32, #tpu.memory_space<vmem>>
    %dma_start3A_132 = arith.constant 0 : i32
    %dma_start3A_133 = tpu.memref_slice %arg6[%dma_start3A_128, %dma_start3A_132] : memref<80x128xi32, #tpu.memory_space<vmem>> -> memref<1x128xi32, #tpu.memory_space<vmem>>
    %dma_start3A_134 = tpu.memref_squeeze %dma_start3A_133 : memref<1x128xi32, #tpu.memory_space<vmem>> -> memref<128xi32, #tpu.memory_space<vmem>>
    %dma_start3A_135 = arith.constant 0 : i32
    %dma_start3A_136 = arith.constant 0 : i32
    %dma_start3A_137 = tpu.memref_slice %arg2[%arg0, %dma_start3A_135, %dma_start3A_136] : memref<2x10240x64xf32, #tpu.memory_space<hbm>> -> memref<1x10240x64xf32, #tpu.memory_space<hbm>>
    %dma_start3A_138 = tpu.memref_squeeze %dma_start3A_137 : memref<1x10240x64xf32, #tpu.memory_space<hbm>> -> memref<10240x64xf32, #tpu.memory_space<hbm>>
    %dma_start3A_139 = arith.constant 0 : i32
    %dma_start3A_140 = arith.constant 0 : i32
    %dma_start3A_141 = tpu.memref_slice %dma_start3A_138[%dma_start3A_139, %dma_start3A_140] : memref<10240x64xf32, #tpu.memory_space<hbm>> -> memref<10240x64xf32, #tpu.memory_space<hbm>>
    tpu.enqueue_indirect_dma source(%dma_start3A_141 : memref<10240x64xf32, #tpu.memory_space<hbm>>) target(%dma_start3A_131 : memref<128x64xf32, #tpu.memory_space<vmem>>) offsets(%dma_start3A_134 : memref<128xi32, #tpu.memory_space<vmem>>) semaphore(%arg11 : memref<!tpu.dma_semaphore, #tpu.memory_space<semaphore_mem>>)
    %dma_wait3A_142 = arith.constant 0 : i32
    %dma_wait3A_143 = arith.constant 0 : i32
    %dma_wait3A_144 = tpu.memref_slice %arg4[%add3A, %dma_wait3A_142, %dma_wait3A_143] : memref<32x80x128xi32, #tpu.memory_space<hbm>> -> memref<1x80x128xi32, #tpu.memory_space<hbm>>
    %dma_wait3A_145 = tpu.memref_squeeze %dma_wait3A_144 : memref<1x80x128xi32, #tpu.memory_space<hbm>> -> memref<80x128xi32, #tpu.memory_space<hbm>>
    %dma_wait3A_146 = arith.constant 0 : i32
    %dma_wait3A_147 = arith.constant 0 : i32
    %dma_wait3A_148 = tpu.memref_slice %arg4[%add3A, %dma_wait3A_146, %dma_wait3A_147] : memref<32x80x128xi32, #tpu.memory_space<hbm>> -> memref<1x80x128xi32, #tpu.memory_space<hbm>>
    %dma_wait3A_149 = tpu.memref_squeeze %dma_wait3A_148 : memref<1x80x128xi32, #tpu.memory_space<hbm>> -> memref<80x128xi32, #tpu.memory_space<hbm>>
    tpu.wait_dma2 semaphore(%arg12 : memref<!tpu.dma_semaphore, #tpu.memory_space<semaphore_mem>>) src(%dma_wait3A_149 : memref<80x128xi32, #tpu.memory_space<hbm>>) dst(%arg7 : memref<80x128xi32, #tpu.memory_space<vmem>>)
    %dma_wait3A_150 = arith.constant 0 : i32
    %dma_wait3A_151 = tpu.memref_slice %arg9[%mul3A_2, %dma_wait3A_150] : memref<10240x64xf32, #tpu.memory_space<vmem_shared>> -> memref<640x64xf32, #tpu.memory_space<vmem_shared>>
    %dma_wait3A_152 = arith.constant 0 : i32
    %dma_wait3A_153 = tpu.memref_slice %arg2[%arg0, %mul3A_2, %dma_wait3A_152] : memref<2x10240x64xf32, #tpu.memory_space<hbm>> -> memref<1x640x64xf32, #tpu.memory_space<hbm>>
    %dma_wait3A_154 = tpu.memref_squeeze %dma_wait3A_153 : memref<1x640x64xf32, #tpu.memory_space<hbm>> -> memref<640x64xf32, #tpu.memory_space<hbm>>
    tpu.wait_dma2 semaphore(%arg12 : memref<!tpu.dma_semaphore, #tpu.memory_space<semaphore_mem>>) src(%dma_wait3A_154 : memref<640x64xf32, #tpu.memory_space<hbm>>) dst(%dma_wait3A_151 : memref<640x64xf32, #tpu.memory_space<vmem_shared>>)
    %barrier3A = arith.constant 0 : index
    tpu.barrier barrier_id(%barrier3A)
    %scan3A = arith.constant 0 : i32
    %scan3A_155 = arith.constant 0 : i32
    %scan3A_156 = arith.constant 10 : i32
    %scan3A_157 = arith.addi %scan3A_155, %scan3A_156 : i32
    %scan3A_158 = arith.constant 1 : i32
    scf.for %scan3A_161 = %scan3A_155 to %scan3A_157 step %scan3A_158  : i32 {
      %mul3A_162 = arith.constant 2 : i32
      %mul3A_163 = arith.muli %mul3A_162, %scan3A_161 : i32
      %mul3A_164 = arith.constant 4 : i32
      %mul3A_165 = arith.muli %mul3A_163, %mul3A_164 : i32
      %add3A_166 = arith.constant 0 : i32
      %add3A_167 = arith.addi %mul3A_165, %add3A_166 : i32
      %dma_wait3A_168 = arith.constant 0 : i32
      %dma_wait3A_169 = arith.constant 0 : i32
      %dma_wait3A_170 = tpu.memref_slice %arg8[%dma_wait3A_168, %dma_wait3A_169] : memref<1024x64xf32, #tpu.memory_space<vmem>> -> memref<128x64xf32, #tpu.memory_space<vmem>>
      %dma_wait3A_171 = arith.constant 0 : i32
      %dma_wait3A_172 = tpu.memref_slice %arg6[%add3A_167, %dma_wait3A_171] : memref<80x128xi32, #tpu.memory_space<vmem>> -> memref<1x128xi32, #tpu.memory_space<vmem>>
      %dma_wait3A_173 = tpu.memref_squeeze %dma_wait3A_172 : memref<1x128xi32, #tpu.memory_space<vmem>> -> memref<128xi32, #tpu.memory_space<vmem>>
      %dma_wait3A_174 = arith.constant 0 : i32
      %dma_wait3A_175 = arith.constant 0 : i32
      %dma_wait3A_176 = tpu.memref_slice %arg2[%arg0, %dma_wait3A_174, %dma_wait3A_175] : memref<2x10240x64xf32, #tpu.memory_space<hbm>> -> memref<1x10240x64xf32, #tpu.memory_space<hbm>>
      %dma_wait3A_177 = tpu.memref_squeeze %dma_wait3A_176 : memref<1x10240x64xf32, #tpu.memory_space<hbm>> -> memref<10240x64xf32, #tpu.memory_space<hbm>>
      %dma_wait3A_178 = arith.constant 0 : i32
      %dma_wait3A_179 = arith.constant 0 : i32
      %dma_wait3A_180 = tpu.memref_slice %dma_wait3A_177[%dma_wait3A_178, %dma_wait3A_179] : memref<10240x64xf32, #tpu.memory_space<hbm>> -> memref<10240x64xf32, #tpu.memory_space<hbm>>
      tpu.wait_indirect_dma semaphore(%arg10 : memref<!tpu.dma_semaphore, #tpu.memory_space<semaphore_mem>>) src(%dma_wait3A_180 : memref<10240x64xf32, #tpu.memory_space<hbm>>) dst(%dma_wait3A_170 : memref<128x64xf32, #tpu.memory_space<vmem>>)
      %mul3A_181 = arith.constant 4 : i32
      %mul3A_182 = arith.muli %mul3A_163, %mul3A_181 : i32
      %add3A_183 = arith.constant 1 : i32
      %add3A_184 = arith.addi %mul3A_182, %add3A_183 : i32
      %dma_wait3A_185 = arith.constant 128 : i32
      %dma_wait3A_186 = arith.constant 0 : i32
      %dma_wait3A_187 = tpu.memref_slice %arg8[%dma_wait3A_185, %dma_wait3A_186] : memref<1024x64xf32, #tpu.memory_space<vmem>> -> memref<128x64xf32, #tpu.memory_space<vmem>>
      %dma_wait3A_188 = arith.constant 0 : i32
      %dma_wait3A_189 = tpu.memref_slice %arg6[%add3A_184, %dma_wait3A_188] : memref<80x128xi32, #tpu.memory_space<vmem>> -> memref<1x128xi32, #tpu.memory_space<vmem>>
      %dma_wait3A_190 = tpu.memref_squeeze %dma_wait3A_189 : memref<1x128xi32, #tpu.memory_space<vmem>> -> memref<128xi32, #tpu.memory_space<vmem>>
      %dma_wait3A_191 = arith.constant 0 : i32
      %dma_wait3A_192 = arith.constant 0 : i32
      %dma_wait3A_193 = tpu.memref_slice %arg2[%arg0, %dma_wait3A_191, %dma_wait3A_192] : memref<2x10240x64xf32, #tpu.memory_space<hbm>> -> memref<1x10240x64xf32, #tpu.memory_space<hbm>>
      %dma_wait3A_194 = tpu.memref_squeeze %dma_wait3A_193 : memref<1x10240x64xf32, #tpu.memory_space<hbm>> -> memref<10240x64xf32, #tpu.memory_space<hbm>>
      %dma_wait3A_195 = arith.constant 0 : i32
      %dma_wait3A_196 = arith.constant 0 : i32
      %dma_wait3A_197 = tpu.memref_slice %dma_wait3A_194[%dma_wait3A_195, %dma_wait3A_196] : memref<10240x64xf32, #tpu.memory_space<hbm>> -> memref<10240x64xf32, #tpu.memory_space<hbm>>
      tpu.wait_indirect_dma semaphore(%arg10 : memref<!tpu.dma_semaphore, #tpu.memory_space<semaphore_mem>>) src(%dma_wait3A_197 : memref<10240x64xf32, #tpu.memory_space<hbm>>) dst(%dma_wait3A_187 : memref<128x64xf32, #tpu.memory_space<vmem>>)
      %mul3A_198 = arith.constant 4 : i32
      %mul3A_199 = arith.muli %mul3A_163, %mul3A_198 : i32
      %add3A_200 = arith.constant 2 : i32
      %add3A_201 = arith.addi %mul3A_199, %add3A_200 : i32
      %dma_wait3A_202 = arith.constant 256 : i32
      %dma_wait3A_203 = arith.constant 0 : i32
      %dma_wait3A_204 = tpu.memref_slice %arg8[%dma_wait3A_202, %dma_wait3A_203] : memref<1024x64xf32, #tpu.memory_space<vmem>> -> memref<128x64xf32, #tpu.memory_space<vmem>>
      %dma_wait3A_205 = arith.constant 0 : i32
      %dma_wait3A_206 = tpu.memref_slice %arg6[%add3A_201, %dma_wait3A_205] : memref<80x128xi32, #tpu.memory_space<vmem>> -> memref<1x128xi32, #tpu.memory_space<vmem>>
      %dma_wait3A_207 = tpu.memref_squeeze %dma_wait3A_206 : memref<1x128xi32, #tpu.memory_space<vmem>> -> memref<128xi32, #tpu.memory_space<vmem>>
      %dma_wait3A_208 = arith.constant 0 : i32
      %dma_wait3A_209 = arith.constant 0 : i32
      %dma_wait3A_210 = tpu.memref_slice %arg2[%arg0, %dma_wait3A_208, %dma_wait3A_209] : memref<2x10240x64xf32, #tpu.memory_space<hbm>> -> memref<1x10240x64xf32, #tpu.memory_space<hbm>>
      %dma_wait3A_211 = tpu.memref_squeeze %dma_wait3A_210 : memref<1x10240x64xf32, #tpu.memory_space<hbm>> -> memref<10240x64xf32, #tpu.memory_space<hbm>>
      %dma_wait3A_212 = arith.constant 0 : i32
      %dma_wait3A_213 = arith.constant 0 : i32
      %dma_wait3A_214 = tpu.memref_slice %dma_wait3A_211[%dma_wait3A_212, %dma_wait3A_213] : memref<10240x64xf32, #tpu.memory_space<hbm>> -> memref<10240x64xf32, #tpu.memory_space<hbm>>
      tpu.wait_indirect_dma semaphore(%arg10 : memref<!tpu.dma_semaphore, #tpu.memory_space<semaphore_mem>>) src(%dma_wait3A_214 : memref<10240x64xf32, #tpu.memory_space<hbm>>) dst(%dma_wait3A_204 : memref<128x64xf32, #tpu.memory_space<vmem>>)
      %mul3A_215 = arith.constant 4 : i32
      %mul3A_216 = arith.muli %mul3A_163, %mul3A_215 : i32
      %add3A_217 = arith.constant 3 : i32
      %add3A_218 = arith.addi %mul3A_216, %add3A_217 : i32
      %dma_wait3A_219 = arith.constant 384 : i32
      %dma_wait3A_220 = arith.constant 0 : i32
      %dma_wait3A_221 = tpu.memref_slice %arg8[%dma_wait3A_219, %dma_wait3A_220] : memref<1024x64xf32, #tpu.memory_space<vmem>> -> memref<128x64xf32, #tpu.memory_space<vmem>>
      %dma_wait3A_222 = arith.constant 0 : i32
      %dma_wait3A_223 = tpu.memref_slice %arg6[%add3A_218, %dma_wait3A_222] : memref<80x128xi32, #tpu.memory_space<vmem>> -> memref<1x128xi32, #tpu.memory_space<vmem>>
      %dma_wait3A_224 = tpu.memref_squeeze %dma_wait3A_223 : memref<1x128xi32, #tpu.memory_space<vmem>> -> memref<128xi32, #tpu.memory_space<vmem>>
      %dma_wait3A_225 = arith.constant 0 : i32
      %dma_wait3A_226 = arith.constant 0 : i32
      %dma_wait3A_227 = tpu.memref_slice %arg2[%arg0, %dma_wait3A_225, %dma_wait3A_226] : memref<2x10240x64xf32, #tpu.memory_space<hbm>> -> memref<1x10240x64xf32, #tpu.memory_space<hbm>>
      %dma_wait3A_228 = tpu.memref_squeeze %dma_wait3A_227 : memref<1x10240x64xf32, #tpu.memory_space<hbm>> -> memref<10240x64xf32, #tpu.memory_space<hbm>>
      %dma_wait3A_229 = arith.constant 0 : i32
      %dma_wait3A_230 = arith.constant 0 : i32
      %dma_wait3A_231 = tpu.memref_slice %dma_wait3A_228[%dma_wait3A_229, %dma_wait3A_230] : memref<10240x64xf32, #tpu.memory_space<hbm>> -> memref<10240x64xf32, #tpu.memory_space<hbm>>
      tpu.wait_indirect_dma semaphore(%arg10 : memref<!tpu.dma_semaphore, #tpu.memory_space<semaphore_mem>>) src(%dma_wait3A_231 : memref<10240x64xf32, #tpu.memory_space<hbm>>) dst(%dma_wait3A_221 : memref<128x64xf32, #tpu.memory_space<vmem>>)
      %mul3A_232 = arith.constant 4 : i32
      %mul3A_233 = arith.muli %mul3A_163, %mul3A_232 : i32
      %add3A_234 = arith.constant 0 : i32
      %add3A_235 = arith.addi %mul3A_233, %add3A_234 : i32
      %dma_start3A_236 = arith.constant 0 : i32
      %dma_start3A_237 = arith.constant 0 : i32
      %dma_start3A_238 = tpu.memref_slice %arg8[%dma_start3A_236, %dma_start3A_237] : memref<1024x64xf32, #tpu.memory_space<vmem>> -> memref<128x64xf32, #tpu.memory_space<vmem>>
      %dma_start3A_239 = arith.constant 0 : i32
      %dma_start3A_240 = tpu.memref_slice %arg7[%add3A_235, %dma_start3A_239] : memref<80x128xi32, #tpu.memory_space<vmem>> -> memref<1x128xi32, #tpu.memory_space<vmem>>
      %dma_start3A_241 = tpu.memref_squeeze %dma_start3A_240 : memref<1x128xi32, #tpu.memory_space<vmem>> -> memref<128xi32, #tpu.memory_space<vmem>>
      %dma_start3A_242 = arith.constant 0 : i32
      %dma_start3A_243 = arith.constant 0 : i32
      %dma_start3A_244 = tpu.memref_slice %arg9[%dma_start3A_242, %dma_start3A_243] : memref<10240x64xf32, #tpu.memory_space<vmem_shared>> -> memref<10240x64xf32, #tpu.memory_space<vmem_shared>>
      tpu.enqueue_indirect_dma source(%dma_start3A_238 : memref<128x64xf32, #tpu.memory_space<vmem>>) target(%dma_start3A_244 : memref<10240x64xf32, #tpu.memory_space<vmem_shared>>) offsets(%dma_start3A_241 : memref<128xi32, #tpu.memory_space<vmem>>) semaphore(%arg13 : memref<!tpu.dma_semaphore, #tpu.memory_space<semaphore_mem>>) {add = true}
      %mul3A_245 = arith.constant 4 : i32
      %mul3A_246 = arith.muli %mul3A_163, %mul3A_245 : i32
      %add3A_247 = arith.constant 1 : i32
      %add3A_248 = arith.addi %mul3A_246, %add3A_247 : i32
      %dma_start3A_249 = arith.constant 128 : i32
      %dma_start3A_250 = arith.constant 0 : i32
      %dma_start3A_251 = tpu.memref_slice %arg8[%dma_start3A_249, %dma_start3A_250] : memref<1024x64xf32, #tpu.memory_space<vmem>> -> memref<128x64xf32, #tpu.memory_space<vmem>>
      %dma_start3A_252 = arith.constant 0 : i32
      %dma_start3A_253 = tpu.memref_slice %arg7[%add3A_248, %dma_start3A_252] : memref<80x128xi32, #tpu.memory_space<vmem>> -> memref<1x128xi32, #tpu.memory_space<vmem>>
      %dma_start3A_254 = tpu.memref_squeeze %dma_start3A_253 : memref<1x128xi32, #tpu.memory_space<vmem>> -> memref<128xi32, #tpu.memory_space<vmem>>
      %dma_start3A_255 = arith.constant 0 : i32
      %dma_start3A_256 = arith.constant 0 : i32
      %dma_start3A_257 = tpu.memref_slice %arg9[%dma_start3A_255, %dma_start3A_256] : memref<10240x64xf32, #tpu.memory_space<vmem_shared>> -> memref<10240x64xf32, #tpu.memory_space<vmem_shared>>
      tpu.enqueue_indirect_dma source(%dma_start3A_251 : memref<128x64xf32, #tpu.memory_space<vmem>>) target(%dma_start3A_257 : memref<10240x64xf32, #tpu.memory_space<vmem_shared>>) offsets(%dma_start3A_254 : memref<128xi32, #tpu.memory_space<vmem>>) semaphore(%arg13 : memref<!tpu.dma_semaphore, #tpu.memory_space<semaphore_mem>>) {add = true}
      %mul3A_258 = arith.constant 4 : i32
      %mul3A_259 = arith.muli %mul3A_163, %mul3A_258 : i32
      %add3A_260 = arith.constant 2 : i32
      %add3A_261 = arith.addi %mul3A_259, %add3A_260 : i32
      %dma_start3A_262 = arith.constant 256 : i32
      %dma_start3A_263 = arith.constant 0 : i32
      %dma_start3A_264 = tpu.memref_slice %arg8[%dma_start3A_262, %dma_start3A_263] : memref<1024x64xf32, #tpu.memory_space<vmem>> -> memref<128x64xf32, #tpu.memory_space<vmem>>
      %dma_start3A_265 = arith.constant 0 : i32
      %dma_start3A_266 = tpu.memref_slice %arg7[%add3A_261, %dma_start3A_265] : memref<80x128xi32, #tpu.memory_space<vmem>> -> memref<1x128xi32, #tpu.memory_space<vmem>>
      %dma_start3A_267 = tpu.memref_squeeze %dma_start3A_266 : memref<1x128xi32, #tpu.memory_space<vmem>> -> memref<128xi32, #tpu.memory_space<vmem>>
      %dma_start3A_268 = arith.constant 0 : i32
      %dma_start3A_269 = arith.constant 0 : i32
      %dma_start3A_270 = tpu.memref_slice %arg9[%dma_start3A_268, %dma_start3A_269] : memref<10240x64xf32, #tpu.memory_space<vmem_shared>> -> memref<10240x64xf32, #tpu.memory_space<vmem_shared>>
      tpu.enqueue_indirect_dma source(%dma_start3A_264 : memref<128x64xf32, #tpu.memory_space<vmem>>) target(%dma_start3A_270 : memref<10240x64xf32, #tpu.memory_space<vmem_shared>>) offsets(%dma_start3A_267 : memref<128xi32, #tpu.memory_space<vmem>>) semaphore(%arg13 : memref<!tpu.dma_semaphore, #tpu.memory_space<semaphore_mem>>) {add = true}
      %mul3A_271 = arith.constant 4 : i32
      %mul3A_272 = arith.muli %mul3A_163, %mul3A_271 : i32
      %add3A_273 = arith.constant 3 : i32
      %add3A_274 = arith.addi %mul3A_272, %add3A_273 : i32
      %dma_start3A_275 = arith.constant 384 : i32
      %dma_start3A_276 = arith.constant 0 : i32
      %dma_start3A_277 = tpu.memref_slice %arg8[%dma_start3A_275, %dma_start3A_276] : memref<1024x64xf32, #tpu.memory_space<vmem>> -> memref<128x64xf32, #tpu.memory_space<vmem>>
      %dma_start3A_278 = arith.constant 0 : i32
      %dma_start3A_279 = tpu.memref_slice %arg7[%add3A_274, %dma_start3A_278] : memref<80x128xi32, #tpu.memory_space<vmem>> -> memref<1x128xi32, #tpu.memory_space<vmem>>
      %dma_start3A_280 = tpu.memref_squeeze %dma_start3A_279 : memref<1x128xi32, #tpu.memory_space<vmem>> -> memref<128xi32, #tpu.memory_space<vmem>>
      %dma_start3A_281 = arith.constant 0 : i32
      %dma_start3A_282 = arith.constant 0 : i32
      %dma_start3A_283 = tpu.memref_slice %arg9[%dma_start3A_281, %dma_start3A_282] : memref<10240x64xf32, #tpu.memory_space<vmem_shared>> -> memref<10240x64xf32, #tpu.memory_space<vmem_shared>>
      tpu.enqueue_indirect_dma source(%dma_start3A_277 : memref<128x64xf32, #tpu.memory_space<vmem>>) target(%dma_start3A_283 : memref<10240x64xf32, #tpu.memory_space<vmem_shared>>) offsets(%dma_start3A_280 : memref<128xi32, #tpu.memory_space<vmem>>) semaphore(%arg13 : memref<!tpu.dma_semaphore, #tpu.memory_space<semaphore_mem>>) {add = true}
      %add3A_284 = arith.constant 1 : i32
      %add3A_285 = arith.addi %mul3A_163, %add3A_284 : i32
      %mul3A_286 = arith.constant 4 : i32
      %mul3A_287 = arith.muli %add3A_285, %mul3A_286 : i32
      %add3A_288 = arith.constant 0 : i32
      %add3A_289 = arith.addi %mul3A_287, %add3A_288 : i32
      %dma_wait3A_290 = arith.constant 512 : i32
      %dma_wait3A_291 = arith.constant 0 : i32
      %dma_wait3A_292 = tpu.memref_slice %arg8[%dma_wait3A_290, %dma_wait3A_291] : memref<1024x64xf32, #tpu.memory_space<vmem>> -> memref<128x64xf32, #tpu.memory_space<vmem>>
      %dma_wait3A_293 = arith.constant 0 : i32
      %dma_wait3A_294 = tpu.memref_slice %arg6[%add3A_289, %dma_wait3A_293] : memref<80x128xi32, #tpu.memory_space<vmem>> -> memref<1x128xi32, #tpu.memory_space<vmem>>
      %dma_wait3A_295 = tpu.memref_squeeze %dma_wait3A_294 : memref<1x128xi32, #tpu.memory_space<vmem>> -> memref<128xi32, #tpu.memory_space<vmem>>
      %dma_wait3A_296 = arith.constant 0 : i32
      %dma_wait3A_297 = arith.constant 0 : i32
      %dma_wait3A_298 = tpu.memref_slice %arg2[%arg0, %dma_wait3A_296, %dma_wait3A_297] : memref<2x10240x64xf32, #tpu.memory_space<hbm>> -> memref<1x10240x64xf32, #tpu.memory_space<hbm>>
      %dma_wait3A_299 = tpu.memref_squeeze %dma_wait3A_298 : memref<1x10240x64xf32, #tpu.memory_space<hbm>> -> memref<10240x64xf32, #tpu.memory_space<hbm>>
      %dma_wait3A_300 = arith.constant 0 : i32
      %dma_wait3A_301 = arith.constant 0 : i32
      %dma_wait3A_302 = tpu.memref_slice %dma_wait3A_299[%dma_wait3A_300, %dma_wait3A_301] : memref<10240x64xf32, #tpu.memory_space<hbm>> -> memref<10240x64xf32, #tpu.memory_space<hbm>>
      tpu.wait_indirect_dma semaphore(%arg11 : memref<!tpu.dma_semaphore, #tpu.memory_space<semaphore_mem>>) src(%dma_wait3A_302 : memref<10240x64xf32, #tpu.memory_space<hbm>>) dst(%dma_wait3A_292 : memref<128x64xf32, #tpu.memory_space<vmem>>)
      %add3A_303 = arith.constant 1 : i32
      %add3A_304 = arith.addi %mul3A_163, %add3A_303 : i32
      %mul3A_305 = arith.constant 4 : i32
      %mul3A_306 = arith.muli %add3A_304, %mul3A_305 : i32
      %add3A_307 = arith.constant 1 : i32
      %add3A_308 = arith.addi %mul3A_306, %add3A_307 : i32
      %dma_wait3A_309 = arith.constant 640 : i32
      %dma_wait3A_310 = arith.constant 0 : i32
      %dma_wait3A_311 = tpu.memref_slice %arg8[%dma_wait3A_309, %dma_wait3A_310] : memref<1024x64xf32, #tpu.memory_space<vmem>> -> memref<128x64xf32, #tpu.memory_space<vmem>>
      %dma_wait3A_312 = arith.constant 0 : i32
      %dma_wait3A_313 = tpu.memref_slice %arg6[%add3A_308, %dma_wait3A_312] : memref<80x128xi32, #tpu.memory_space<vmem>> -> memref<1x128xi32, #tpu.memory_space<vmem>>
      %dma_wait3A_314 = tpu.memref_squeeze %dma_wait3A_313 : memref<1x128xi32, #tpu.memory_space<vmem>> -> memref<128xi32, #tpu.memory_space<vmem>>
      %dma_wait3A_315 = arith.constant 0 : i32
      %dma_wait3A_316 = arith.constant 0 : i32
      %dma_wait3A_317 = tpu.memref_slice %arg2[%arg0, %dma_wait3A_315, %dma_wait3A_316] : memref<2x10240x64xf32, #tpu.memory_space<hbm>> -> memref<1x10240x64xf32, #tpu.memory_space<hbm>>
      %dma_wait3A_318 = tpu.memref_squeeze %dma_wait3A_317 : memref<1x10240x64xf32, #tpu.memory_space<hbm>> -> memref<10240x64xf32, #tpu.memory_space<hbm>>
      %dma_wait3A_319 = arith.constant 0 : i32
      %dma_wait3A_320 = arith.constant 0 : i32
      %dma_wait3A_321 = tpu.memref_slice %dma_wait3A_318[%dma_wait3A_319, %dma_wait3A_320] : memref<10240x64xf32, #tpu.memory_space<hbm>> -> memref<10240x64xf32, #tpu.memory_space<hbm>>
      tpu.wait_indirect_dma semaphore(%arg11 : memref<!tpu.dma_semaphore, #tpu.memory_space<semaphore_mem>>) src(%dma_wait3A_321 : memref<10240x64xf32, #tpu.memory_space<hbm>>) dst(%dma_wait3A_311 : memref<128x64xf32, #tpu.memory_space<vmem>>)
      %add3A_322 = arith.constant 1 : i32
      %add3A_323 = arith.addi %mul3A_163, %add3A_322 : i32
      %mul3A_324 = arith.constant 4 : i32
      %mul3A_325 = arith.muli %add3A_323, %mul3A_324 : i32
      %add3A_326 = arith.constant 2 : i32
      %add3A_327 = arith.addi %mul3A_325, %add3A_326 : i32
      %dma_wait3A_328 = arith.constant 768 : i32
      %dma_wait3A_329 = arith.constant 0 : i32
      %dma_wait3A_330 = tpu.memref_slice %arg8[%dma_wait3A_328, %dma_wait3A_329] : memref<1024x64xf32, #tpu.memory_space<vmem>> -> memref<128x64xf32, #tpu.memory_space<vmem>>
      %dma_wait3A_331 = arith.constant 0 : i32
      %dma_wait3A_332 = tpu.memref_slice %arg6[%add3A_327, %dma_wait3A_331] : memref<80x128xi32, #tpu.memory_space<vmem>> -> memref<1x128xi32, #tpu.memory_space<vmem>>
      %dma_wait3A_333 = tpu.memref_squeeze %dma_wait3A_332 : memref<1x128xi32, #tpu.memory_space<vmem>> -> memref<128xi32, #tpu.memory_space<vmem>>
      %dma_wait3A_334 = arith.constant 0 : i32
      %dma_wait3A_335 = arith.constant 0 : i32
      %dma_wait3A_336 = tpu.memref_slice %arg2[%arg0, %dma_wait3A_334, %dma_wait3A_335] : memref<2x10240x64xf32, #tpu.memory_space<hbm>> -> memref<1x10240x64xf32, #tpu.memory_space<hbm>>
      %dma_wait3A_337 = tpu.memref_squeeze %dma_wait3A_336 : memref<1x10240x64xf32, #tpu.memory_space<hbm>> -> memref<10240x64xf32, #tpu.memory_space<hbm>>
      %dma_wait3A_338 = arith.constant 0 : i32
      %dma_wait3A_339 = arith.constant 0 : i32
      %dma_wait3A_340 = tpu.memref_slice %dma_wait3A_337[%dma_wait3A_338, %dma_wait3A_339] : memref<10240x64xf32, #tpu.memory_space<hbm>> -> memref<10240x64xf32, #tpu.memory_space<hbm>>
      tpu.wait_indirect_dma semaphore(%arg11 : memref<!tpu.dma_semaphore, #tpu.memory_space<semaphore_mem>>) src(%dma_wait3A_340 : memref<10240x64xf32, #tpu.memory_space<hbm>>) dst(%dma_wait3A_330 : memref<128x64xf32, #tpu.memory_space<vmem>>)
      %add3A_341 = arith.constant 1 : i32
      %add3A_342 = arith.addi %mul3A_163, %add3A_341 : i32
      %mul3A_343 = arith.constant 4 : i32
      %mul3A_344 = arith.muli %add3A_342, %mul3A_343 : i32
      %add3A_345 = arith.constant 3 : i32
      %add3A_346 = arith.addi %mul3A_344, %add3A_345 : i32
      %dma_wait3A_347 = arith.constant 896 : i32
      %dma_wait3A_348 = arith.constant 0 : i32
      %dma_wait3A_349 = tpu.memref_slice %arg8[%dma_wait3A_347, %dma_wait3A_348] : memref<1024x64xf32, #tpu.memory_space<vmem>> -> memref<128x64xf32, #tpu.memory_space<vmem>>
      %dma_wait3A_350 = arith.constant 0 : i32
      %dma_wait3A_351 = tpu.memref_slice %arg6[%add3A_346, %dma_wait3A_350] : memref<80x128xi32, #tpu.memory_space<vmem>> -> memref<1x128xi32, #tpu.memory_space<vmem>>
      %dma_wait3A_352 = tpu.memref_squeeze %dma_wait3A_351 : memref<1x128xi32, #tpu.memory_space<vmem>> -> memref<128xi32, #tpu.memory_space<vmem>>
      %dma_wait3A_353 = arith.constant 0 : i32
      %dma_wait3A_354 = arith.constant 0 : i32
      %dma_wait3A_355 = tpu.memref_slice %arg2[%arg0, %dma_wait3A_353, %dma_wait3A_354] : memref<2x10240x64xf32, #tpu.memory_space<hbm>> -> memref<1x10240x64xf32, #tpu.memory_space<hbm>>
      %dma_wait3A_356 = tpu.memref_squeeze %dma_wait3A_355 : memref<1x10240x64xf32, #tpu.memory_space<hbm>> -> memref<10240x64xf32, #tpu.memory_space<hbm>>
      %dma_wait3A_357 = arith.constant 0 : i32
      %dma_wait3A_358 = arith.constant 0 : i32
      %dma_wait3A_359 = tpu.memref_slice %dma_wait3A_356[%dma_wait3A_357, %dma_wait3A_358] : memref<10240x64xf32, #tpu.memory_space<hbm>> -> memref<10240x64xf32, #tpu.memory_space<hbm>>
      tpu.wait_indirect_dma semaphore(%arg11 : memref<!tpu.dma_semaphore, #tpu.memory_space<semaphore_mem>>) src(%dma_wait3A_359 : memref<10240x64xf32, #tpu.memory_space<hbm>>) dst(%dma_wait3A_349 : memref<128x64xf32, #tpu.memory_space<vmem>>)
      %add3A_360 = arith.constant 1 : i32
      %add3A_361 = arith.addi %mul3A_163, %add3A_360 : i32
      %mul3A_362 = arith.constant 4 : i32
      %mul3A_363 = arith.muli %add3A_361, %mul3A_362 : i32
      %add3A_364 = arith.constant 0 : i32
      %add3A_365 = arith.addi %mul3A_363, %add3A_364 : i32
      %dma_start3A_366 = arith.constant 512 : i32
      %dma_start3A_367 = arith.constant 0 : i32
      %dma_start3A_368 = tpu.memref_slice %arg8[%dma_start3A_366, %dma_start3A_367] : memref<1024x64xf32, #tpu.memory_space<vmem>> -> memref<128x64xf32, #tpu.memory_space<vmem>>
      %dma_start3A_369 = arith.constant 0 : i32
      %dma_start3A_370 = tpu.memref_slice %arg7[%add3A_365, %dma_start3A_369] : memref<80x128xi32, #tpu.memory_space<vmem>> -> memref<1x128xi32, #tpu.memory_space<vmem>>
      %dma_start3A_371 = tpu.memref_squeeze %dma_start3A_370 : memref<1x128xi32, #tpu.memory_space<vmem>> -> memref<128xi32, #tpu.memory_space<vmem>>
      %dma_start3A_372 = arith.constant 0 : i32
      %dma_start3A_373 = arith.constant 0 : i32
      %dma_start3A_374 = tpu.memref_slice %arg9[%dma_start3A_372, %dma_start3A_373] : memref<10240x64xf32, #tpu.memory_space<vmem_shared>> -> memref<10240x64xf32, #tpu.memory_space<vmem_shared>>
      tpu.enqueue_indirect_dma source(%dma_start3A_368 : memref<128x64xf32, #tpu.memory_space<vmem>>) target(%dma_start3A_374 : memref<10240x64xf32, #tpu.memory_space<vmem_shared>>) offsets(%dma_start3A_371 : memref<128xi32, #tpu.memory_space<vmem>>) semaphore(%arg14 : memref<!tpu.dma_semaphore, #tpu.memory_space<semaphore_mem>>) {add = true}
      %add3A_375 = arith.constant 1 : i32
      %add3A_376 = arith.addi %mul3A_163, %add3A_375 : i32
      %mul3A_377 = arith.constant 4 : i32
      %mul3A_378 = arith.muli %add3A_376, %mul3A_377 : i32
      %add3A_379 = arith.constant 1 : i32
      %add3A_380 = arith.addi %mul3A_378, %add3A_379 : i32
      %dma_start3A_381 = arith.constant 640 : i32
      %dma_start3A_382 = arith.constant 0 : i32
      %dma_start3A_383 = tpu.memref_slice %arg8[%dma_start3A_381, %dma_start3A_382] : memref<1024x64xf32, #tpu.memory_space<vmem>> -> memref<128x64xf32, #tpu.memory_space<vmem>>
      %dma_start3A_384 = arith.constant 0 : i32
      %dma_start3A_385 = tpu.memref_slice %arg7[%add3A_380, %dma_start3A_384] : memref<80x128xi32, #tpu.memory_space<vmem>> -> memref<1x128xi32, #tpu.memory_space<vmem>>
      %dma_start3A_386 = tpu.memref_squeeze %dma_start3A_385 : memref<1x128xi32, #tpu.memory_space<vmem>> -> memref<128xi32, #tpu.memory_space<vmem>>
      %dma_start3A_387 = arith.constant 0 : i32
      %dma_start3A_388 = arith.constant 0 : i32
      %dma_start3A_389 = tpu.memref_slice %arg9[%dma_start3A_387, %dma_start3A_388] : memref<10240x64xf32, #tpu.memory_space<vmem_shared>> -> memref<10240x64xf32, #tpu.memory_space<vmem_shared>>
      tpu.enqueue_indirect_dma source(%dma_start3A_383 : memref<128x64xf32, #tpu.memory_space<vmem>>) target(%dma_start3A_389 : memref<10240x64xf32, #tpu.memory_space<vmem_shared>>) offsets(%dma_start3A_386 : memref<128xi32, #tpu.memory_space<vmem>>) semaphore(%arg14 : memref<!tpu.dma_semaphore, #tpu.memory_space<semaphore_mem>>) {add = true}
      %add3A_390 = arith.constant 1 : i32
      %add3A_391 = arith.addi %mul3A_163, %add3A_390 : i32
      %mul3A_392 = arith.constant 4 : i32
      %mul3A_393 = arith.muli %add3A_391, %mul3A_392 : i32
      %add3A_394 = arith.constant 2 : i32
      %add3A_395 = arith.addi %mul3A_393, %add3A_394 : i32
      %dma_start3A_396 = arith.constant 768 : i32
      %dma_start3A_397 = arith.constant 0 : i32
      %dma_start3A_398 = tpu.memref_slice %arg8[%dma_start3A_396, %dma_start3A_397] : memref<1024x64xf32, #tpu.memory_space<vmem>> -> memref<128x64xf32, #tpu.memory_space<vmem>>
      %dma_start3A_399 = arith.constant 0 : i32
      %dma_start3A_400 = tpu.memref_slice %arg7[%add3A_395, %dma_start3A_399] : memref<80x128xi32, #tpu.memory_space<vmem>> -> memref<1x128xi32, #tpu.memory_space<vmem>>
      %dma_start3A_401 = tpu.memref_squeeze %dma_start3A_400 : memref<1x128xi32, #tpu.memory_space<vmem>> -> memref<128xi32, #tpu.memory_space<vmem>>
      %dma_start3A_402 = arith.constant 0 : i32
      %dma_start3A_403 = arith.constant 0 : i32
      %dma_start3A_404 = tpu.memref_slice %arg9[%dma_start3A_402, %dma_start3A_403] : memref<10240x64xf32, #tpu.memory_space<vmem_shared>> -> memref<10240x64xf32, #tpu.memory_space<vmem_shared>>
      tpu.enqueue_indirect_dma source(%dma_start3A_398 : memref<128x64xf32, #tpu.memory_space<vmem>>) target(%dma_start3A_404 : memref<10240x64xf32, #tpu.memory_space<vmem_shared>>) offsets(%dma_start3A_401 : memref<128xi32, #tpu.memory_space<vmem>>) semaphore(%arg14 : memref<!tpu.dma_semaphore, #tpu.memory_space<semaphore_mem>>) {add = true}
      %add3A_405 = arith.constant 1 : i32
      %add3A_406 = arith.addi %mul3A_163, %add3A_405 : i32
      %mul3A_407 = arith.constant 4 : i32
      %mul3A_408 = arith.muli %add3A_406, %mul3A_407 : i32
      %add3A_409 = arith.constant 3 : i32
      %add3A_410 = arith.addi %mul3A_408, %add3A_409 : i32
      %dma_start3A_411 = arith.constant 896 : i32
      %dma_start3A_412 = arith.constant 0 : i32
      %dma_start3A_413 = tpu.memref_slice %arg8[%dma_start3A_411, %dma_start3A_412] : memref<1024x64xf32, #tpu.memory_space<vmem>> -> memref<128x64xf32, #tpu.memory_space<vmem>>
      %dma_start3A_414 = arith.constant 0 : i32
      %dma_start3A_415 = tpu.memref_slice %arg7[%add3A_410, %dma_start3A_414] : memref<80x128xi32, #tpu.memory_space<vmem>> -> memref<1x128xi32, #tpu.memory_space<vmem>>
      %dma_start3A_416 = tpu.memref_squeeze %dma_start3A_415 : memref<1x128xi32, #tpu.memory_space<vmem>> -> memref<128xi32, #tpu.memory_space<vmem>>
      %dma_start3A_417 = arith.constant 0 : i32
      %dma_start3A_418 = arith.constant 0 : i32
      %dma_start3A_419 = tpu.memref_slice %arg9[%dma_start3A_417, %dma_start3A_418] : memref<10240x64xf32, #tpu.memory_space<vmem_shared>> -> memref<10240x64xf32, #tpu.memory_space<vmem_shared>>
      tpu.enqueue_indirect_dma source(%dma_start3A_413 : memref<128x64xf32, #tpu.memory_space<vmem>>) target(%dma_start3A_419 : memref<10240x64xf32, #tpu.memory_space<vmem_shared>>) offsets(%dma_start3A_416 : memref<128xi32, #tpu.memory_space<vmem>>) semaphore(%arg14 : memref<!tpu.dma_semaphore, #tpu.memory_space<semaphore_mem>>) {add = true}
      %dma_wait3A_420 = arith.constant 0 : i32
      %dma_wait3A_421 = arith.constant 0 : i32
      %dma_wait3A_422 = tpu.memref_slice %arg8[%dma_wait3A_420, %dma_wait3A_421] : memref<1024x64xf32, #tpu.memory_space<vmem>> -> memref<128x64xf32, #tpu.memory_space<vmem>>
      %dma_wait3A_423 = arith.constant 0 : i32
      %dma_wait3A_424 = tpu.memref_slice %arg7[%add3A_235, %dma_wait3A_423] : memref<80x128xi32, #tpu.memory_space<vmem>> -> memref<1x128xi32, #tpu.memory_space<vmem>>
      %dma_wait3A_425 = tpu.memref_squeeze %dma_wait3A_424 : memref<1x128xi32, #tpu.memory_space<vmem>> -> memref<128xi32, #tpu.memory_space<vmem>>
      %dma_wait3A_426 = arith.constant 0 : i32
      %dma_wait3A_427 = arith.constant 0 : i32
      %dma_wait3A_428 = tpu.memref_slice %arg9[%dma_wait3A_426, %dma_wait3A_427] : memref<10240x64xf32, #tpu.memory_space<vmem_shared>> -> memref<10240x64xf32, #tpu.memory_space<vmem_shared>>
      tpu.wait_indirect_dma semaphore(%arg13 : memref<!tpu.dma_semaphore, #tpu.memory_space<semaphore_mem>>) src(%dma_wait3A_422 : memref<128x64xf32, #tpu.memory_space<vmem>>) dst(%dma_wait3A_428 : memref<10240x64xf32, #tpu.memory_space<vmem_shared>>)
      %dma_wait3A_429 = arith.constant 128 : i32
      %dma_wait3A_430 = arith.constant 0 : i32
      %dma_wait3A_431 = tpu.memref_slice %arg8[%dma_wait3A_429, %dma_wait3A_430] : memref<1024x64xf32, #tpu.memory_space<vmem>> -> memref<128x64xf32, #tpu.memory_space<vmem>>
      %dma_wait3A_432 = arith.constant 0 : i32
      %dma_wait3A_433 = tpu.memref_slice %arg7[%add3A_248, %dma_wait3A_432] : memref<80x128xi32, #tpu.memory_space<vmem>> -> memref<1x128xi32, #tpu.memory_space<vmem>>
      %dma_wait3A_434 = tpu.memref_squeeze %dma_wait3A_433 : memref<1x128xi32, #tpu.memory_space<vmem>> -> memref<128xi32, #tpu.memory_space<vmem>>
      %dma_wait3A_435 = arith.constant 0 : i32
      %dma_wait3A_436 = arith.constant 0 : i32
      %dma_wait3A_437 = tpu.memref_slice %arg9[%dma_wait3A_435, %dma_wait3A_436] : memref<10240x64xf32, #tpu.memory_space<vmem_shared>> -> memref<10240x64xf32, #tpu.memory_space<vmem_shared>>
      tpu.wait_indirect_dma semaphore(%arg13 : memref<!tpu.dma_semaphore, #tpu.memory_space<semaphore_mem>>) src(%dma_wait3A_431 : memref<128x64xf32, #tpu.memory_space<vmem>>) dst(%dma_wait3A_437 : memref<10240x64xf32, #tpu.memory_space<vmem_shared>>)
      %dma_wait3A_438 = arith.constant 256 : i32
      %dma_wait3A_439 = arith.constant 0 : i32
      %dma_wait3A_440 = tpu.memref_slice %arg8[%dma_wait3A_438, %dma_wait3A_439] : memref<1024x64xf32, #tpu.memory_space<vmem>> -> memref<128x64xf32, #tpu.memory_space<vmem>>
      %dma_wait3A_441 = arith.constant 0 : i32
      %dma_wait3A_442 = tpu.memref_slice %arg7[%add3A_261, %dma_wait3A_441] : memref<80x128xi32, #tpu.memory_space<vmem>> -> memref<1x128xi32, #tpu.memory_space<vmem>>
      %dma_wait3A_443 = tpu.memref_squeeze %dma_wait3A_442 : memref<1x128xi32, #tpu.memory_space<vmem>> -> memref<128xi32, #tpu.memory_space<vmem>>
      %dma_wait3A_444 = arith.constant 0 : i32
      %dma_wait3A_445 = arith.constant 0 : i32
      %dma_wait3A_446 = tpu.memref_slice %arg9[%dma_wait3A_444, %dma_wait3A_445] : memref<10240x64xf32, #tpu.memory_space<vmem_shared>> -> memref<10240x64xf32, #tpu.memory_space<vmem_shared>>
      tpu.wait_indirect_dma semaphore(%arg13 : memref<!tpu.dma_semaphore, #tpu.memory_space<semaphore_mem>>) src(%dma_wait3A_440 : memref<128x64xf32, #tpu.memory_space<vmem>>) dst(%dma_wait3A_446 : memref<10240x64xf32, #tpu.memory_space<vmem_shared>>)
      %dma_wait3A_447 = arith.constant 384 : i32
      %dma_wait3A_448 = arith.constant 0 : i32
      %dma_wait3A_449 = tpu.memref_slice %arg8[%dma_wait3A_447, %dma_wait3A_448] : memref<1024x64xf32, #tpu.memory_space<vmem>> -> memref<128x64xf32, #tpu.memory_space<vmem>>
      %dma_wait3A_450 = arith.constant 0 : i32
      %dma_wait3A_451 = tpu.memref_slice %arg7[%add3A_274, %dma_wait3A_450] : memref<80x128xi32, #tpu.memory_space<vmem>> -> memref<1x128xi32, #tpu.memory_space<vmem>>
      %dma_wait3A_452 = tpu.memref_squeeze %dma_wait3A_451 : memref<1x128xi32, #tpu.memory_space<vmem>> -> memref<128xi32, #tpu.memory_space<vmem>>
      %dma_wait3A_453 = arith.constant 0 : i32
      %dma_wait3A_454 = arith.constant 0 : i32
      %dma_wait3A_455 = tpu.memref_slice %arg9[%dma_wait3A_453, %dma_wait3A_454] : memref<10240x64xf32, #tpu.memory_space<vmem_shared>> -> memref<10240x64xf32, #tpu.memory_space<vmem_shared>>
      tpu.wait_indirect_dma semaphore(%arg13 : memref<!tpu.dma_semaphore, #tpu.memory_space<semaphore_mem>>) src(%dma_wait3A_449 : memref<128x64xf32, #tpu.memory_space<vmem>>) dst(%dma_wait3A_455 : memref<10240x64xf32, #tpu.memory_space<vmem_shared>>)
      %add3A_456 = arith.constant 2 : i32
      %add3A_457 = arith.addi %mul3A_163, %add3A_456 : i32
      %lt3A = arith.constant 20 : i32
      %lt3A_458 = arith.cmpi slt, %add3A_457, %lt3A : i32
      %convert_element_type3A = arith.extui %lt3A_458 : i1 to i32
      %cond3A = arith.constant 0 : i32
      %cond3A_459 = arith.cmpi ne, %convert_element_type3A, %cond3A : i32
      scf.if %cond3A_459 {
        %add3A_503 = arith.constant 2 : i32
        %add3A_504 = arith.addi %mul3A_163, %add3A_503 : i32
        %mul3A_505 = arith.constant 4 : i32
        %mul3A_506 = arith.muli %add3A_504, %mul3A_505 : i32
        %add3A_507 = arith.constant 0 : i32
        %add3A_508 = arith.addi %mul3A_506, %add3A_507 : i32
        %dma_start3A_509 = arith.constant 0 : i32
        %dma_start3A_510 = arith.constant 0 : i32
        %dma_start3A_511 = tpu.memref_slice %arg8[%dma_start3A_509, %dma_start3A_510] : memref<1024x64xf32, #tpu.memory_space<vmem>> -> memref<128x64xf32, #tpu.memory_space<vmem>>
        %dma_start3A_512 = arith.constant 0 : i32
        %dma_start3A_513 = tpu.memref_slice %arg6[%add3A_508, %dma_start3A_512] : memref<80x128xi32, #tpu.memory_space<vmem>> -> memref<1x128xi32, #tpu.memory_space<vmem>>
        %dma_start3A_514 = tpu.memref_squeeze %dma_start3A_513 : memref<1x128xi32, #tpu.memory_space<vmem>> -> memref<128xi32, #tpu.memory_space<vmem>>
        %dma_start3A_515 = arith.constant 0 : i32
        %dma_start3A_516 = arith.constant 0 : i32
        %dma_start3A_517 = tpu.memref_slice %arg2[%arg0, %dma_start3A_515, %dma_start3A_516] : memref<2x10240x64xf32, #tpu.memory_space<hbm>> -> memref<1x10240x64xf32, #tpu.memory_space<hbm>>
        %dma_start3A_518 = tpu.memref_squeeze %dma_start3A_517 : memref<1x10240x64xf32, #tpu.memory_space<hbm>> -> memref<10240x64xf32, #tpu.memory_space<hbm>>
        %dma_start3A_519 = arith.constant 0 : i32
        %dma_start3A_520 = arith.constant 0 : i32
        %dma_start3A_521 = tpu.memref_slice %dma_start3A_518[%dma_start3A_519, %dma_start3A_520] : memref<10240x64xf32, #tpu.memory_space<hbm>> -> memref<10240x64xf32, #tpu.memory_space<hbm>>
        tpu.enqueue_indirect_dma source(%dma_start3A_521 : memref<10240x64xf32, #tpu.memory_space<hbm>>) target(%dma_start3A_511 : memref<128x64xf32, #tpu.memory_space<vmem>>) offsets(%dma_start3A_514 : memref<128xi32, #tpu.memory_space<vmem>>) semaphore(%arg10 : memref<!tpu.dma_semaphore, #tpu.memory_space<semaphore_mem>>)
        %add3A_522 = arith.constant 1 : i32
        %add3A_523 = arith.addi %mul3A_506, %add3A_522 : i32
        %dma_start3A_524 = arith.constant 128 : i32
        %dma_start3A_525 = arith.constant 0 : i32
        %dma_start3A_526 = tpu.memref_slice %arg8[%dma_start3A_524, %dma_start3A_525] : memref<1024x64xf32, #tpu.memory_space<vmem>> -> memref<128x64xf32, #tpu.memory_space<vmem>>
        %dma_start3A_527 = arith.constant 0 : i32
        %dma_start3A_528 = tpu.memref_slice %arg6[%add3A_523, %dma_start3A_527] : memref<80x128xi32, #tpu.memory_space<vmem>> -> memref<1x128xi32, #tpu.memory_space<vmem>>
        %dma_start3A_529 = tpu.memref_squeeze %dma_start3A_528 : memref<1x128xi32, #tpu.memory_space<vmem>> -> memref<128xi32, #tpu.memory_space<vmem>>
        %dma_start3A_530 = arith.constant 0 : i32
        %dma_start3A_531 = arith.constant 0 : i32
        %dma_start3A_532 = tpu.memref_slice %arg2[%arg0, %dma_start3A_530, %dma_start3A_531] : memref<2x10240x64xf32, #tpu.memory_space<hbm>> -> memref<1x10240x64xf32, #tpu.memory_space<hbm>>
        %dma_start3A_533 = tpu.memref_squeeze %dma_start3A_532 : memref<1x10240x64xf32, #tpu.memory_space<hbm>> -> memref<10240x64xf32, #tpu.memory_space<hbm>>
        %dma_start3A_534 = arith.constant 0 : i32
        %dma_start3A_535 = arith.constant 0 : i32
        %dma_start3A_536 = tpu.memref_slice %dma_start3A_533[%dma_start3A_534, %dma_start3A_535] : memref<10240x64xf32, #tpu.memory_space<hbm>> -> memref<10240x64xf32, #tpu.memory_space<hbm>>
        tpu.enqueue_indirect_dma source(%dma_start3A_536 : memref<10240x64xf32, #tpu.memory_space<hbm>>) target(%dma_start3A_526 : memref<128x64xf32, #tpu.memory_space<vmem>>) offsets(%dma_start3A_529 : memref<128xi32, #tpu.memory_space<vmem>>) semaphore(%arg10 : memref<!tpu.dma_semaphore, #tpu.memory_space<semaphore_mem>>)
        %add3A_537 = arith.constant 2 : i32
        %add3A_538 = arith.addi %mul3A_506, %add3A_537 : i32
        %dma_start3A_539 = arith.constant 256 : i32
        %dma_start3A_540 = arith.constant 0 : i32
        %dma_start3A_541 = tpu.memref_slice %arg8[%dma_start3A_539, %dma_start3A_540] : memref<1024x64xf32, #tpu.memory_space<vmem>> -> memref<128x64xf32, #tpu.memory_space<vmem>>
        %dma_start3A_542 = arith.constant 0 : i32
        %dma_start3A_543 = tpu.memref_slice %arg6[%add3A_538, %dma_start3A_542] : memref<80x128xi32, #tpu.memory_space<vmem>> -> memref<1x128xi32, #tpu.memory_space<vmem>>
        %dma_start3A_544 = tpu.memref_squeeze %dma_start3A_543 : memref<1x128xi32, #tpu.memory_space<vmem>> -> memref<128xi32, #tpu.memory_space<vmem>>
        %dma_start3A_545 = arith.constant 0 : i32
        %dma_start3A_546 = arith.constant 0 : i32
        %dma_start3A_547 = tpu.memref_slice %arg2[%arg0, %dma_start3A_545, %dma_start3A_546] : memref<2x10240x64xf32, #tpu.memory_space<hbm>> -> memref<1x10240x64xf32, #tpu.memory_space<hbm>>
        %dma_start3A_548 = tpu.memref_squeeze %dma_start3A_547 : memref<1x10240x64xf32, #tpu.memory_space<hbm>> -> memref<10240x64xf32, #tpu.memory_space<hbm>>
        %dma_start3A_549 = arith.constant 0 : i32
        %dma_start3A_550 = arith.constant 0 : i32
        %dma_start3A_551 = tpu.memref_slice %dma_start3A_548[%dma_start3A_549, %dma_start3A_550] : memref<10240x64xf32, #tpu.memory_space<hbm>> -> memref<10240x64xf32, #tpu.memory_space<hbm>>
        tpu.enqueue_indirect_dma source(%dma_start3A_551 : memref<10240x64xf32, #tpu.memory_space<hbm>>) target(%dma_start3A_541 : memref<128x64xf32, #tpu.memory_space<vmem>>) offsets(%dma_start3A_544 : memref<128xi32, #tpu.memory_space<vmem>>) semaphore(%arg10 : memref<!tpu.dma_semaphore, #tpu.memory_space<semaphore_mem>>)
        %add3A_552 = arith.constant 3 : i32
        %add3A_553 = arith.addi %mul3A_506, %add3A_552 : i32
        %dma_start3A_554 = arith.constant 384 : i32
        %dma_start3A_555 = arith.constant 0 : i32
        %dma_start3A_556 = tpu.memref_slice %arg8[%dma_start3A_554, %dma_start3A_555] : memref<1024x64xf32, #tpu.memory_space<vmem>> -> memref<128x64xf32, #tpu.memory_space<vmem>>
        %dma_start3A_557 = arith.constant 0 : i32
        %dma_start3A_558 = tpu.memref_slice %arg6[%add3A_553, %dma_start3A_557] : memref<80x128xi32, #tpu.memory_space<vmem>> -> memref<1x128xi32, #tpu.memory_space<vmem>>
        %dma_start3A_559 = tpu.memref_squeeze %dma_start3A_558 : memref<1x128xi32, #tpu.memory_space<vmem>> -> memref<128xi32, #tpu.memory_space<vmem>>
        %dma_start3A_560 = arith.constant 0 : i32
        %dma_start3A_561 = arith.constant 0 : i32
        %dma_start3A_562 = tpu.memref_slice %arg2[%arg0, %dma_start3A_560, %dma_start3A_561] : memref<2x10240x64xf32, #tpu.memory_space<hbm>> -> memref<1x10240x64xf32, #tpu.memory_space<hbm>>
        %dma_start3A_563 = tpu.memref_squeeze %dma_start3A_562 : memref<1x10240x64xf32, #tpu.memory_space<hbm>> -> memref<10240x64xf32, #tpu.memory_space<hbm>>
        %dma_start3A_564 = arith.constant 0 : i32
        %dma_start3A_565 = arith.constant 0 : i32
        %dma_start3A_566 = tpu.memref_slice %dma_start3A_563[%dma_start3A_564, %dma_start3A_565] : memref<10240x64xf32, #tpu.memory_space<hbm>> -> memref<10240x64xf32, #tpu.memory_space<hbm>>
        tpu.enqueue_indirect_dma source(%dma_start3A_566 : memref<10240x64xf32, #tpu.memory_space<hbm>>) target(%dma_start3A_556 : memref<128x64xf32, #tpu.memory_space<vmem>>) offsets(%dma_start3A_559 : memref<128xi32, #tpu.memory_space<vmem>>) semaphore(%arg10 : memref<!tpu.dma_semaphore, #tpu.memory_space<semaphore_mem>>)
      } else {
      }
      %dma_wait3A_460 = arith.constant 512 : i32
      %dma_wait3A_461 = arith.constant 0 : i32
      %dma_wait3A_462 = tpu.memref_slice %arg8[%dma_wait3A_460, %dma_wait3A_461] : memref<1024x64xf32, #tpu.memory_space<vmem>> -> memref<128x64xf32, #tpu.memory_space<vmem>>
      %dma_wait3A_463 = arith.constant 0 : i32
      %dma_wait3A_464 = tpu.memref_slice %arg7[%add3A_365, %dma_wait3A_463] : memref<80x128xi32, #tpu.memory_space<vmem>> -> memref<1x128xi32, #tpu.memory_space<vmem>>
      %dma_wait3A_465 = tpu.memref_squeeze %dma_wait3A_464 : memref<1x128xi32, #tpu.memory_space<vmem>> -> memref<128xi32, #tpu.memory_space<vmem>>
      %dma_wait3A_466 = arith.constant 0 : i32
      %dma_wait3A_467 = arith.constant 0 : i32
      %dma_wait3A_468 = tpu.memref_slice %arg9[%dma_wait3A_466, %dma_wait3A_467] : memref<10240x64xf32, #tpu.memory_space<vmem_shared>> -> memref<10240x64xf32, #tpu.memory_space<vmem_shared>>
      tpu.wait_indirect_dma semaphore(%arg14 : memref<!tpu.dma_semaphore, #tpu.memory_space<semaphore_mem>>) src(%dma_wait3A_462 : memref<128x64xf32, #tpu.memory_space<vmem>>) dst(%dma_wait3A_468 : memref<10240x64xf32, #tpu.memory_space<vmem_shared>>)
      %dma_wait3A_469 = arith.constant 640 : i32
      %dma_wait3A_470 = arith.constant 0 : i32
      %dma_wait3A_471 = tpu.memref_slice %arg8[%dma_wait3A_469, %dma_wait3A_470] : memref<1024x64xf32, #tpu.memory_space<vmem>> -> memref<128x64xf32, #tpu.memory_space<vmem>>
      %dma_wait3A_472 = arith.constant 0 : i32
      %dma_wait3A_473 = tpu.memref_slice %arg7[%add3A_380, %dma_wait3A_472] : memref<80x128xi32, #tpu.memory_space<vmem>> -> memref<1x128xi32, #tpu.memory_space<vmem>>
      %dma_wait3A_474 = tpu.memref_squeeze %dma_wait3A_473 : memref<1x128xi32, #tpu.memory_space<vmem>> -> memref<128xi32, #tpu.memory_space<vmem>>
      %dma_wait3A_475 = arith.constant 0 : i32
      %dma_wait3A_476 = arith.constant 0 : i32
      %dma_wait3A_477 = tpu.memref_slice %arg9[%dma_wait3A_475, %dma_wait3A_476] : memref<10240x64xf32, #tpu.memory_space<vmem_shared>> -> memref<10240x64xf32, #tpu.memory_space<vmem_shared>>
      tpu.wait_indirect_dma semaphore(%arg14 : memref<!tpu.dma_semaphore, #tpu.memory_space<semaphore_mem>>) src(%dma_wait3A_471 : memref<128x64xf32, #tpu.memory_space<vmem>>) dst(%dma_wait3A_477 : memref<10240x64xf32, #tpu.memory_space<vmem_shared>>)
      %dma_wait3A_478 = arith.constant 768 : i32
      %dma_wait3A_479 = arith.constant 0 : i32
      %dma_wait3A_480 = tpu.memref_slice %arg8[%dma_wait3A_478, %dma_wait3A_479] : memref<1024x64xf32, #tpu.memory_space<vmem>> -> memref<128x64xf32, #tpu.memory_space<vmem>>
      %dma_wait3A_481 = arith.constant 0 : i32
      %dma_wait3A_482 = tpu.memref_slice %arg7[%add3A_395, %dma_wait3A_481] : memref<80x128xi32, #tpu.memory_space<vmem>> -> memref<1x128xi32, #tpu.memory_space<vmem>>
      %dma_wait3A_483 = tpu.memref_squeeze %dma_wait3A_482 : memref<1x128xi32, #tpu.memory_space<vmem>> -> memref<128xi32, #tpu.memory_space<vmem>>
      %dma_wait3A_484 = arith.constant 0 : i32
      %dma_wait3A_485 = arith.constant 0 : i32
      %dma_wait3A_486 = tpu.memref_slice %arg9[%dma_wait3A_484, %dma_wait3A_485] : memref<10240x64xf32, #tpu.memory_space<vmem_shared>> -> memref<10240x64xf32, #tpu.memory_space<vmem_shared>>
      tpu.wait_indirect_dma semaphore(%arg14 : memref<!tpu.dma_semaphore, #tpu.memory_space<semaphore_mem>>) src(%dma_wait3A_480 : memref<128x64xf32, #tpu.memory_space<vmem>>) dst(%dma_wait3A_486 : memref<10240x64xf32, #tpu.memory_space<vmem_shared>>)
      %dma_wait3A_487 = arith.constant 896 : i32
      %dma_wait3A_488 = arith.constant 0 : i32
      %dma_wait3A_489 = tpu.memref_slice %arg8[%dma_wait3A_487, %dma_wait3A_488] : memref<1024x64xf32, #tpu.memory_space<vmem>> -> memref<128x64xf32, #tpu.memory_space<vmem>>
      %dma_wait3A_490 = arith.constant 0 : i32
      %dma_wait3A_491 = tpu.memref_slice %arg7[%add3A_410, %dma_wait3A_490] : memref<80x128xi32, #tpu.memory_space<vmem>> -> memref<1x128xi32, #tpu.memory_space<vmem>>
      %dma_wait3A_492 = tpu.memref_squeeze %dma_wait3A_491 : memref<1x128xi32, #tpu.memory_space<vmem>> -> memref<128xi32, #tpu.memory_space<vmem>>
      %dma_wait3A_493 = arith.constant 0 : i32
      %dma_wait3A_494 = arith.constant 0 : i32
      %dma_wait3A_495 = tpu.memref_slice %arg9[%dma_wait3A_493, %dma_wait3A_494] : memref<10240x64xf32, #tpu.memory_space<vmem_shared>> -> memref<10240x64xf32, #tpu.memory_space<vmem_shared>>
      tpu.wait_indirect_dma semaphore(%arg14 : memref<!tpu.dma_semaphore, #tpu.memory_space<semaphore_mem>>) src(%dma_wait3A_489 : memref<128x64xf32, #tpu.memory_space<vmem>>) dst(%dma_wait3A_495 : memref<10240x64xf32, #tpu.memory_space<vmem_shared>>)
      %add3A_496 = arith.constant 3 : i32
      %add3A_497 = arith.addi %mul3A_163, %add3A_496 : i32
      %lt3A_498 = arith.constant 20 : i32
      %lt3A_499 = arith.cmpi slt, %add3A_497, %lt3A_498 : i32
      %convert_element_type3A_500 = arith.extui %lt3A_499 : i1 to i32
      %cond3A_501 = arith.constant 0 : i32
      %cond3A_502 = arith.cmpi ne, %convert_element_type3A_500, %cond3A_501 : i32
      scf.if %cond3A_502 {
        %add3A_503 = arith.constant 3 : i32
        %add3A_504 = arith.addi %mul3A_163, %add3A_503 : i32
        %mul3A_505 = arith.constant 4 : i32
        %mul3A_506 = arith.muli %add3A_504, %mul3A_505 : i32
        %add3A_507 = arith.constant 0 : i32
        %add3A_508 = arith.addi %mul3A_506, %add3A_507 : i32
        %dma_start3A_509 = arith.constant 512 : i32
        %dma_start3A_510 = arith.constant 0 : i32
        %dma_start3A_511 = tpu.memref_slice %arg8[%dma_start3A_509, %dma_start3A_510] : memref<1024x64xf32, #tpu.memory_space<vmem>> -> memref<128x64xf32, #tpu.memory_space<vmem>>
        %dma_start3A_512 = arith.constant 0 : i32
        %dma_start3A_513 = tpu.memref_slice %arg6[%add3A_508, %dma_start3A_512] : memref<80x128xi32, #tpu.memory_space<vmem>> -> memref<1x128xi32, #tpu.memory_space<vmem>>
        %dma_start3A_514 = tpu.memref_squeeze %dma_start3A_513 : memref<1x128xi32, #tpu.memory_space<vmem>> -> memref<128xi32, #tpu.memory_space<vmem>>
        %dma_start3A_515 = arith.constant 0 : i32
        %dma_start3A_516 = arith.constant 0 : i32
        %dma_start3A_517 = tpu.memref_slice %arg2[%arg0, %dma_start3A_515, %dma_start3A_516] : memref<2x10240x64xf32, #tpu.memory_space<hbm>> -> memref<1x10240x64xf32, #tpu.memory_space<hbm>>
        %dma_start3A_518 = tpu.memref_squeeze %dma_start3A_517 : memref<1x10240x64xf32, #tpu.memory_space<hbm>> -> memref<10240x64xf32, #tpu.memory_space<hbm>>
        %dma_start3A_519 = arith.constant 0 : i32
        %dma_start3A_520 = arith.constant 0 : i32
        %dma_start3A_521 = tpu.memref_slice %dma_start3A_518[%dma_start3A_519, %dma_start3A_520] : memref<10240x64xf32, #tpu.memory_space<hbm>> -> memref<10240x64xf32, #tpu.memory_space<hbm>>
        tpu.enqueue_indirect_dma source(%dma_start3A_521 : memref<10240x64xf32, #tpu.memory_space<hbm>>) target(%dma_start3A_511 : memref<128x64xf32, #tpu.memory_space<vmem>>) offsets(%dma_start3A_514 : memref<128xi32, #tpu.memory_space<vmem>>) semaphore(%arg11 : memref<!tpu.dma_semaphore, #tpu.memory_space<semaphore_mem>>)
        %add3A_522 = arith.constant 1 : i32
        %add3A_523 = arith.addi %mul3A_506, %add3A_522 : i32
        %dma_start3A_524 = arith.constant 640 : i32
        %dma_start3A_525 = arith.constant 0 : i32
        %dma_start3A_526 = tpu.memref_slice %arg8[%dma_start3A_524, %dma_start3A_525] : memref<1024x64xf32, #tpu.memory_space<vmem>> -> memref<128x64xf32, #tpu.memory_space<vmem>>
        %dma_start3A_527 = arith.constant 0 : i32
        %dma_start3A_528 = tpu.memref_slice %arg6[%add3A_523, %dma_start3A_527] : memref<80x128xi32, #tpu.memory_space<vmem>> -> memref<1x128xi32, #tpu.memory_space<vmem>>
        %dma_start3A_529 = tpu.memref_squeeze %dma_start3A_528 : memref<1x128xi32, #tpu.memory_space<vmem>> -> memref<128xi32, #tpu.memory_space<vmem>>
        %dma_start3A_530 = arith.constant 0 : i32
        %dma_start3A_531 = arith.constant 0 : i32
        %dma_start3A_532 = tpu.memref_slice %arg2[%arg0, %dma_start3A_530, %dma_start3A_531] : memref<2x10240x64xf32, #tpu.memory_space<hbm>> -> memref<1x10240x64xf32, #tpu.memory_space<hbm>>
        %dma_start3A_533 = tpu.memref_squeeze %dma_start3A_532 : memref<1x10240x64xf32, #tpu.memory_space<hbm>> -> memref<10240x64xf32, #tpu.memory_space<hbm>>
        %dma_start3A_534 = arith.constant 0 : i32
        %dma_start3A_535 = arith.constant 0 : i32
        %dma_start3A_536 = tpu.memref_slice %dma_start3A_533[%dma_start3A_534, %dma_start3A_535] : memref<10240x64xf32, #tpu.memory_space<hbm>> -> memref<10240x64xf32, #tpu.memory_space<hbm>>
        tpu.enqueue_indirect_dma source(%dma_start3A_536 : memref<10240x64xf32, #tpu.memory_space<hbm>>) target(%dma_start3A_526 : memref<128x64xf32, #tpu.memory_space<vmem>>) offsets(%dma_start3A_529 : memref<128xi32, #tpu.memory_space<vmem>>) semaphore(%arg11 : memref<!tpu.dma_semaphore, #tpu.memory_space<semaphore_mem>>)
        %add3A_537 = arith.constant 2 : i32
        %add3A_538 = arith.addi %mul3A_506, %add3A_537 : i32
        %dma_start3A_539 = arith.constant 768 : i32
        %dma_start3A_540 = arith.constant 0 : i32
        %dma_start3A_541 = tpu.memref_slice %arg8[%dma_start3A_539, %dma_start3A_540] : memref<1024x64xf32, #tpu.memory_space<vmem>> -> memref<128x64xf32, #tpu.memory_space<vmem>>
        %dma_start3A_542 = arith.constant 0 : i32
        %dma_start3A_543 = tpu.memref_slice %arg6[%add3A_538, %dma_start3A_542] : memref<80x128xi32, #tpu.memory_space<vmem>> -> memref<1x128xi32, #tpu.memory_space<vmem>>
        %dma_start3A_544 = tpu.memref_squeeze %dma_start3A_543 : memref<1x128xi32, #tpu.memory_space<vmem>> -> memref<128xi32, #tpu.memory_space<vmem>>
        %dma_start3A_545 = arith.constant 0 : i32
        %dma_start3A_546 = arith.constant 0 : i32
        %dma_start3A_547 = tpu.memref_slice %arg2[%arg0, %dma_start3A_545, %dma_start3A_546] : memref<2x10240x64xf32, #tpu.memory_space<hbm>> -> memref<1x10240x64xf32, #tpu.memory_space<hbm>>
        %dma_start3A_548 = tpu.memref_squeeze %dma_start3A_547 : memref<1x10240x64xf32, #tpu.memory_space<hbm>> -> memref<10240x64xf32, #tpu.memory_space<hbm>>
        %dma_start3A_549 = arith.constant 0 : i32
        %dma_start3A_550 = arith.constant 0 : i32
        %dma_start3A_551 = tpu.memref_slice %dma_start3A_548[%dma_start3A_549, %dma_start3A_550] : memref<10240x64xf32, #tpu.memory_space<hbm>> -> memref<10240x64xf32, #tpu.memory_space<hbm>>
        tpu.enqueue_indirect_dma source(%dma_start3A_551 : memref<10240x64xf32, #tpu.memory_space<hbm>>) target(%dma_start3A_541 : memref<128x64xf32, #tpu.memory_space<vmem>>) offsets(%dma_start3A_544 : memref<128xi32, #tpu.memory_space<vmem>>) semaphore(%arg11 : memref<!tpu.dma_semaphore, #tpu.memory_space<semaphore_mem>>)
        %add3A_552 = arith.constant 3 : i32
        %add3A_553 = arith.addi %mul3A_506, %add3A_552 : i32
        %dma_start3A_554 = arith.constant 896 : i32
        %dma_start3A_555 = arith.constant 0 : i32
        %dma_start3A_556 = tpu.memref_slice %arg8[%dma_start3A_554, %dma_start3A_555] : memref<1024x64xf32, #tpu.memory_space<vmem>> -> memref<128x64xf32, #tpu.memory_space<vmem>>
        %dma_start3A_557 = arith.constant 0 : i32
        %dma_start3A_558 = tpu.memref_slice %arg6[%add3A_553, %dma_start3A_557] : memref<80x128xi32, #tpu.memory_space<vmem>> -> memref<1x128xi32, #tpu.memory_space<vmem>>
        %dma_start3A_559 = tpu.memref_squeeze %dma_start3A_558 : memref<1x128xi32, #tpu.memory_space<vmem>> -> memref<128xi32, #tpu.memory_space<vmem>>
        %dma_start3A_560 = arith.constant 0 : i32
        %dma_start3A_561 = arith.constant 0 : i32
        %dma_start3A_562 = tpu.memref_slice %arg2[%arg0, %dma_start3A_560, %dma_start3A_561] : memref<2x10240x64xf32, #tpu.memory_space<hbm>> -> memref<1x10240x64xf32, #tpu.memory_space<hbm>>
        %dma_start3A_563 = tpu.memref_squeeze %dma_start3A_562 : memref<1x10240x64xf32, #tpu.memory_space<hbm>> -> memref<10240x64xf32, #tpu.memory_space<hbm>>
        %dma_start3A_564 = arith.constant 0 : i32
        %dma_start3A_565 = arith.constant 0 : i32
        %dma_start3A_566 = tpu.memref_slice %dma_start3A_563[%dma_start3A_564, %dma_start3A_565] : memref<10240x64xf32, #tpu.memory_space<hbm>> -> memref<10240x64xf32, #tpu.memory_space<hbm>>
        tpu.enqueue_indirect_dma source(%dma_start3A_566 : memref<10240x64xf32, #tpu.memory_space<hbm>>) target(%dma_start3A_556 : memref<128x64xf32, #tpu.memory_space<vmem>>) offsets(%dma_start3A_559 : memref<128xi32, #tpu.memory_space<vmem>>) semaphore(%arg11 : memref<!tpu.dma_semaphore, #tpu.memory_space<semaphore_mem>>)
      } else {
      }
    }
    %scan3A_159 = arith.constant 10 : i32
    %barrier3A_160 = arith.constant 0 : index
    tpu.barrier barrier_id(%barrier3A_160)
    "tpu.region"() ({
      %run_scoped3A = tpu.sem_alloc : memref<!tpu.dma_semaphore, #tpu.memory_space<semaphore_mem>>
      %dma_start3A_161 = arith.constant 0 : i32
      %dma_start3A_162 = tpu.memref_slice %arg5[%arg0, %mul3A_2, %dma_start3A_161] : memref<2x10240x64xf32, #tpu.memory_space<hbm>> -> memref<1x640x64xf32, #tpu.memory_space<hbm>>
      %dma_start3A_163 = tpu.memref_squeeze %dma_start3A_162 : memref<1x640x64xf32, #tpu.memory_space<hbm>> -> memref<640x64xf32, #tpu.memory_space<hbm>>
      %dma_start3A_164 = arith.constant 0 : i32
      %dma_start3A_165 = tpu.memref_slice %arg9[%mul3A_2, %dma_start3A_164] : memref<10240x64xf32, #tpu.memory_space<vmem_shared>> -> memref<640x64xf32, #tpu.memory_space<vmem_shared>>
      tpu.enqueue_dma source(%dma_start3A_165 : memref<640x64xf32, #tpu.memory_space<vmem_shared>>) target(%dma_start3A_163 : memref<640x64xf32, #tpu.memory_space<hbm>>) target_semaphore(%run_scoped3A : memref<!tpu.dma_semaphore, #tpu.memory_space<semaphore_mem>>)
      %dma_wait3A_166 = arith.constant 0 : i32
      %dma_wait3A_167 = tpu.memref_slice %arg5[%arg0, %mul3A_2, %dma_wait3A_166] : memref<2x10240x64xf32, #tpu.memory_space<hbm>> -> memref<1x640x64xf32, #tpu.memory_space<hbm>>
      %dma_wait3A_168 = tpu.memref_squeeze %dma_wait3A_167 : memref<1x640x64xf32, #tpu.memory_space<hbm>> -> memref<640x64xf32, #tpu.memory_space<hbm>>
      %dma_wait3A_169 = arith.constant 0 : i32
      %dma_wait3A_170 = tpu.memref_slice %arg9[%mul3A_2, %dma_wait3A_169] : memref<10240x64xf32, #tpu.memory_space<vmem_shared>> -> memref<640x64xf32, #tpu.memory_space<vmem_shared>>
      tpu.wait_dma2 semaphore(%run_scoped3A : memref<!tpu.dma_semaphore, #tpu.memory_space<semaphore_mem>>) src(%dma_wait3A_170 : memref<640x64xf32, #tpu.memory_space<vmem_shared>>) dst(%dma_wait3A_168 : memref<640x64xf32, #tpu.memory_space<hbm>>)
      tpu.yield
    }) : () -> ()
    return
  }
}

#map = affine_map<(d0, d1) -> (0, 0, 0)>
#map1 = affine_map<(d0, d1) -> (0, 0)>
module attributes {stable_mosaic.version = 14 : i64} {
  func.func @deg_kernel(%arg0: i32, %arg1: i32, %arg2: memref<32x80x128xi32, #tpu.memory_space<hbm>>, %arg3: memref<128x8xf32, #tpu.memory_space<hbm>>, %arg4: memref<640x8xf32, #tpu.memory_space<hbm>>, %arg5: memref<2x10240x8xf32, #tpu.memory_space<hbm>>, %arg6: memref<80x128xi32, #tpu.memory_space<vmem>>, %arg7: memref<128x8xf32, #tpu.memory_space<vmem>>, %arg8: memref<640x8xf32, #tpu.memory_space<vmem>>, %arg9: memref<10240x8xf32, #tpu.memory_space<vmem_shared>>) attributes {dimension_semantics = [#tpu.dimension_semantics<core_parallel>, #tpu.dimension_semantics<subcore_parallel>], iteration_bounds = array<i64: 2, 16>, scalar_prefetch = 0 : i64, scratch_operands = 4 : i64, tpu.core_type = #tpu.core_type<sc_vector_subcore>, window_params = [{transform_indices = #map}, {transform_indices = #map1}, {transform_indices = #map1}, {transform_indices = #map}]} {
    %mul3A = arith.constant 16 : i32
    %mul3A_0 = arith.muli %arg0, %mul3A : i32
    %add3A = arith.addi %mul3A_0, %arg1 : i32
    %mul3A_1 = arith.constant 640 : i32
    %mul3A_2 = arith.muli %arg1, %mul3A_1 : i32
    "tpu.region"() ({
      %run_scoped3A = tpu.sem_alloc : memref<!tpu.dma_semaphore, #tpu.memory_space<semaphore_mem>>
      %dma_start3A = arith.constant 0 : i32
      %dma_start3A_9 = arith.constant 0 : i32
      %dma_start3A_10 = tpu.memref_slice %arg2[%add3A, %dma_start3A, %dma_start3A_9] : memref<32x80x128xi32, #tpu.memory_space<hbm>> -> memref<1x80x128xi32, #tpu.memory_space<hbm>>
      %dma_start3A_11 = tpu.memref_squeeze %dma_start3A_10 : memref<1x80x128xi32, #tpu.memory_space<hbm>> -> memref<80x128xi32, #tpu.memory_space<hbm>>
      %dma_start3A_12 = arith.constant 0 : i32
      %dma_start3A_13 = arith.constant 0 : i32
      %dma_start3A_14 = tpu.memref_slice %arg2[%add3A, %dma_start3A_12, %dma_start3A_13] : memref<32x80x128xi32, #tpu.memory_space<hbm>> -> memref<1x80x128xi32, #tpu.memory_space<hbm>>
      %dma_start3A_15 = tpu.memref_squeeze %dma_start3A_14 : memref<1x80x128xi32, #tpu.memory_space<hbm>> -> memref<80x128xi32, #tpu.memory_space<hbm>>
      tpu.enqueue_dma source(%dma_start3A_15 : memref<80x128xi32, #tpu.memory_space<hbm>>) target(%arg6 : memref<80x128xi32, #tpu.memory_space<vmem>>) target_semaphore(%run_scoped3A : memref<!tpu.dma_semaphore, #tpu.memory_space<semaphore_mem>>)
      %dma_wait3A = arith.constant 0 : i32
      %dma_wait3A_16 = arith.constant 0 : i32
      %dma_wait3A_17 = tpu.memref_slice %arg2[%add3A, %dma_wait3A, %dma_wait3A_16] : memref<32x80x128xi32, #tpu.memory_space<hbm>> -> memref<1x80x128xi32, #tpu.memory_space<hbm>>
      %dma_wait3A_18 = tpu.memref_squeeze %dma_wait3A_17 : memref<1x80x128xi32, #tpu.memory_space<hbm>> -> memref<80x128xi32, #tpu.memory_space<hbm>>
      %dma_wait3A_19 = arith.constant 0 : i32
      %dma_wait3A_20 = arith.constant 0 : i32
      %dma_wait3A_21 = tpu.memref_slice %arg2[%add3A, %dma_wait3A_19, %dma_wait3A_20] : memref<32x80x128xi32, #tpu.memory_space<hbm>> -> memref<1x80x128xi32, #tpu.memory_space<hbm>>
      %dma_wait3A_22 = tpu.memref_squeeze %dma_wait3A_21 : memref<1x80x128xi32, #tpu.memory_space<hbm>> -> memref<80x128xi32, #tpu.memory_space<hbm>>
      tpu.wait_dma2 semaphore(%run_scoped3A : memref<!tpu.dma_semaphore, #tpu.memory_space<semaphore_mem>>) src(%dma_wait3A_22 : memref<80x128xi32, #tpu.memory_space<hbm>>) dst(%arg6 : memref<80x128xi32, #tpu.memory_space<vmem>>)
      tpu.yield
    }) : () -> ()
    "tpu.region"() ({
      %run_scoped3A = tpu.sem_alloc : memref<!tpu.dma_semaphore, #tpu.memory_space<semaphore_mem>>
      tpu.enqueue_dma source(%arg3 : memref<128x8xf32, #tpu.memory_space<hbm>>) target(%arg7 : memref<128x8xf32, #tpu.memory_space<vmem>>) target_semaphore(%run_scoped3A : memref<!tpu.dma_semaphore, #tpu.memory_space<semaphore_mem>>)
      tpu.wait_dma2 semaphore(%run_scoped3A : memref<!tpu.dma_semaphore, #tpu.memory_space<semaphore_mem>>) src(%arg3 : memref<128x8xf32, #tpu.memory_space<hbm>>) dst(%arg7 : memref<128x8xf32, #tpu.memory_space<vmem>>)
      tpu.yield
    }) : () -> ()
    "tpu.region"() ({
      %run_scoped3A = tpu.sem_alloc : memref<!tpu.dma_semaphore, #tpu.memory_space<semaphore_mem>>
      tpu.enqueue_dma source(%arg4 : memref<640x8xf32, #tpu.memory_space<hbm>>) target(%arg8 : memref<640x8xf32, #tpu.memory_space<vmem>>) target_semaphore(%run_scoped3A : memref<!tpu.dma_semaphore, #tpu.memory_space<semaphore_mem>>)
      tpu.wait_dma2 semaphore(%run_scoped3A : memref<!tpu.dma_semaphore, #tpu.memory_space<semaphore_mem>>) src(%arg4 : memref<640x8xf32, #tpu.memory_space<hbm>>) dst(%arg8 : memref<640x8xf32, #tpu.memory_space<vmem>>)
      tpu.yield
    }) : () -> ()
    "tpu.region"() ({
      %run_scoped3A = tpu.sem_alloc : memref<!tpu.dma_semaphore, #tpu.memory_space<semaphore_mem>>
      %dma_start3A = arith.constant 0 : i32
      %dma_start3A_9 = tpu.memref_slice %arg9[%mul3A_2, %dma_start3A] : memref<10240x8xf32, #tpu.memory_space<vmem_shared>> -> memref<640x8xf32, #tpu.memory_space<vmem_shared>>
      %dma_start3A_10 = arith.constant 0 : i32
      %dma_start3A_11 = tpu.memref_slice %arg9[%mul3A_2, %dma_start3A_10] : memref<10240x8xf32, #tpu.memory_space<vmem_shared>> -> memref<640x8xf32, #tpu.memory_space<vmem_shared>>
      tpu.enqueue_dma source(%arg8 : memref<640x8xf32, #tpu.memory_space<vmem>>) target(%dma_start3A_11 : memref<640x8xf32, #tpu.memory_space<vmem_shared>>) target_semaphore(%run_scoped3A : memref<!tpu.dma_semaphore, #tpu.memory_space<semaphore_mem>>)
      %dma_wait3A = arith.constant 0 : i32
      %dma_wait3A_12 = tpu.memref_slice %arg9[%mul3A_2, %dma_wait3A] : memref<10240x8xf32, #tpu.memory_space<vmem_shared>> -> memref<640x8xf32, #tpu.memory_space<vmem_shared>>
      %dma_wait3A_13 = arith.constant 0 : i32
      %dma_wait3A_14 = tpu.memref_slice %arg9[%mul3A_2, %dma_wait3A_13] : memref<10240x8xf32, #tpu.memory_space<vmem_shared>> -> memref<640x8xf32, #tpu.memory_space<vmem_shared>>
      tpu.wait_dma2 semaphore(%run_scoped3A : memref<!tpu.dma_semaphore, #tpu.memory_space<semaphore_mem>>) src(%arg8 : memref<640x8xf32, #tpu.memory_space<vmem>>) dst(%dma_wait3A_14 : memref<640x8xf32, #tpu.memory_space<vmem_shared>>)
      tpu.yield
    }) : () -> ()
    %barrier3A = arith.constant 0 : index
    tpu.barrier barrier_id(%barrier3A)
    %scan3A = arith.constant 0 : i32
    %scan3A_3 = arith.constant 0 : i32
    %scan3A_4 = arith.constant 80 : i32
    %scan3A_5 = arith.addi %scan3A_3, %scan3A_4 : i32
    %scan3A_6 = arith.constant 1 : i32
    scf.for %scan3A_9 = %scan3A_3 to %scan3A_5 step %scan3A_6  : i32 {
      "tpu.region"() ({
        %run_scoped3A = tpu.sem_alloc : memref<!tpu.dma_semaphore, #tpu.memory_space<semaphore_mem>>
        %dma_start3A = arith.constant 0 : i32
        %dma_start3A_10 = tpu.memref_slice %arg6[%scan3A_9, %dma_start3A] : memref<80x128xi32, #tpu.memory_space<vmem>> -> memref<1x128xi32, #tpu.memory_space<vmem>>
        %dma_start3A_11 = tpu.memref_squeeze %dma_start3A_10 : memref<1x128xi32, #tpu.memory_space<vmem>> -> memref<128xi32, #tpu.memory_space<vmem>>
        %dma_start3A_12 = arith.constant 0 : i32
        %dma_start3A_13 = arith.constant 0 : i32
        %dma_start3A_14 = tpu.memref_slice %arg9[%dma_start3A_12, %dma_start3A_13] : memref<10240x8xf32, #tpu.memory_space<vmem_shared>> -> memref<10240x8xf32, #tpu.memory_space<vmem_shared>>
        tpu.enqueue_indirect_dma source(%arg7 : memref<128x8xf32, #tpu.memory_space<vmem>>) target(%dma_start3A_14 : memref<10240x8xf32, #tpu.memory_space<vmem_shared>>) offsets(%dma_start3A_11 : memref<128xi32, #tpu.memory_space<vmem>>) semaphore(%run_scoped3A : memref<!tpu.dma_semaphore, #tpu.memory_space<semaphore_mem>>) {add = true}
        %dma_wait3A = arith.constant 0 : i32
        %dma_wait3A_15 = tpu.memref_slice %arg6[%scan3A_9, %dma_wait3A] : memref<80x128xi32, #tpu.memory_space<vmem>> -> memref<1x128xi32, #tpu.memory_space<vmem>>
        %dma_wait3A_16 = tpu.memref_squeeze %dma_wait3A_15 : memref<1x128xi32, #tpu.memory_space<vmem>> -> memref<128xi32, #tpu.memory_space<vmem>>
        %dma_wait3A_17 = arith.constant 0 : i32
        %dma_wait3A_18 = arith.constant 0 : i32
        %dma_wait3A_19 = tpu.memref_slice %arg9[%dma_wait3A_17, %dma_wait3A_18] : memref<10240x8xf32, #tpu.memory_space<vmem_shared>> -> memref<10240x8xf32, #tpu.memory_space<vmem_shared>>
        tpu.wait_indirect_dma semaphore(%run_scoped3A : memref<!tpu.dma_semaphore, #tpu.memory_space<semaphore_mem>>) src(%arg7 : memref<128x8xf32, #tpu.memory_space<vmem>>) dst(%dma_wait3A_19 : memref<10240x8xf32, #tpu.memory_space<vmem_shared>>)
        tpu.yield
      }) : () -> ()
    }
    %scan3A_7 = arith.constant 80 : i32
    %barrier3A_8 = arith.constant 0 : index
    tpu.barrier barrier_id(%barrier3A_8)
    "tpu.region"() ({
      %run_scoped3A = tpu.sem_alloc : memref<!tpu.dma_semaphore, #tpu.memory_space<semaphore_mem>>
      %dma_start3A = arith.constant 0 : i32
      %dma_start3A_9 = tpu.memref_slice %arg5[%arg0, %mul3A_2, %dma_start3A] : memref<2x10240x8xf32, #tpu.memory_space<hbm>> -> memref<1x640x8xf32, #tpu.memory_space<hbm>>
      %dma_start3A_10 = tpu.memref_squeeze %dma_start3A_9 : memref<1x640x8xf32, #tpu.memory_space<hbm>> -> memref<640x8xf32, #tpu.memory_space<hbm>>
      %dma_start3A_11 = arith.constant 0 : i32
      %dma_start3A_12 = tpu.memref_slice %arg9[%mul3A_2, %dma_start3A_11] : memref<10240x8xf32, #tpu.memory_space<vmem_shared>> -> memref<640x8xf32, #tpu.memory_space<vmem_shared>>
      tpu.enqueue_dma source(%dma_start3A_12 : memref<640x8xf32, #tpu.memory_space<vmem_shared>>) target(%dma_start3A_10 : memref<640x8xf32, #tpu.memory_space<hbm>>) target_semaphore(%run_scoped3A : memref<!tpu.dma_semaphore, #tpu.memory_space<semaphore_mem>>)
      %dma_wait3A = arith.constant 0 : i32
      %dma_wait3A_13 = tpu.memref_slice %arg5[%arg0, %mul3A_2, %dma_wait3A] : memref<2x10240x8xf32, #tpu.memory_space<hbm>> -> memref<1x640x8xf32, #tpu.memory_space<hbm>>
      %dma_wait3A_14 = tpu.memref_squeeze %dma_wait3A_13 : memref<1x640x8xf32, #tpu.memory_space<hbm>> -> memref<640x8xf32, #tpu.memory_space<hbm>>
      %dma_wait3A_15 = arith.constant 0 : i32
      %dma_wait3A_16 = tpu.memref_slice %arg9[%mul3A_2, %dma_wait3A_15] : memref<10240x8xf32, #tpu.memory_space<vmem_shared>> -> memref<640x8xf32, #tpu.memory_space<vmem_shared>>
      tpu.wait_dma2 semaphore(%run_scoped3A : memref<!tpu.dma_semaphore, #tpu.memory_space<semaphore_mem>>) src(%dma_wait3A_16 : memref<640x8xf32, #tpu.memory_space<vmem_shared>>) dst(%dma_wait3A_14 : memref<640x8xf32, #tpu.memory_space<hbm>>)
      tpu.yield
    }) : () -> ()
    return
  }
}

module attributes {stable_mosaic.version = 14 : i64} {
  func.func @body(%arg0: i32, %arg1: memref<512x128xf32, #tpu.memory_space<vmem>>, %arg2: memref<128x128xf32, #tpu.memory_space<vmem>>, %arg3: memref<8x128xf32, #tpu.memory_space<vmem>>, %arg4: memref<128x128xf32, #tpu.memory_space<vmem>>, %arg5: memref<512x128xf32, #tpu.memory_space<vmem>>) attributes {dimension_semantics = [#tpu.dimension_semantics<arbitrary>], iteration_bounds = array<i64: 20>, scalar_prefetch = 0 : i64, scratch_operands = 0 : i64, tpu.core_type = #tpu.core_type<tc>, window_params = [{transform_indices = @transform_0, window_bounds = array<i64: 512, 128>}, {pipeline_mode = #tpu.pipeline_mode<synchronous>, transform_indices = @transform_1, window_bounds = array<i64: 128, 128>}, {pipeline_mode = #tpu.pipeline_mode<synchronous>, transform_indices = @transform_2, window_bounds = array<i64: 8, 128>}, {pipeline_mode = #tpu.pipeline_mode<synchronous>, transform_indices = @transform_3, window_bounds = array<i64: 128, 128>}, {transform_indices = @transform_4, window_bounds = array<i64: 512, 128>}]} {
    %get3A = arith.constant 0 : index
    %get3A_0 = arith.constant 0 : index
    %get3A_1 = vector.load %arg1[%get3A, %get3A_0] : memref<512x128xf32, #tpu.memory_space<vmem>>, vector<512x128xf32>
    %get3A_2 = arith.constant 0 : index
    %get3A_3 = arith.constant 0 : index
    %get3A_4 = vector.load %arg2[%get3A_2, %get3A_3] : memref<128x128xf32, #tpu.memory_space<vmem>>, vector<128x128xf32>
    %dot_general3A = arith.constant dense<0.000000e+00> : vector<512x128xf32>
    %dot_general3A_5 = tpu.matmul %get3A_1, %get3A_4, %dot_general3A {dimension_numbers = #tpu.dot_dimension_numbers<[1], [0], [0], [1], [0, 0, 1, 1], [], []>, transpose_lhs_hint = false} : vector<512x128xf32>, vector<128x128xf32>, vector<512x128xf32> -> vector<512x128xf32>
    %get3A_6 = arith.constant 0 : index
    %get3A_7 = arith.constant 0 : index
    %get3A_8 = vector.load %arg3[%get3A_6, %get3A_7] : memref<8x128xf32, #tpu.memory_space<vmem>>, vector<1x128xf32>
    %add3A = vector.broadcast %get3A_8 : vector<1x128xf32> to vector<512x128xf32>
    %add3A_9 = arith.addf %dot_general3A_5, %add3A : vector<512x128xf32>
    %get3A_10 = arith.constant 0 : index
    %get3A_11 = arith.constant 0 : index
    %get3A_12 = vector.load %arg4[%get3A_10, %get3A_11] : memref<128x128xf32, #tpu.memory_space<vmem>>, vector<128x128xf32>
    %dot_general3A_13 = arith.constant dense<0.000000e+00> : vector<512x128xf32>
    %dot_general3A_14 = tpu.matmul %add3A_9, %get3A_12, %dot_general3A_13 {dimension_numbers = #tpu.dot_dimension_numbers<[1], [0], [0], [1], [0, 0, 1, 1], [], []>, transpose_lhs_hint = false} : vector<512x128xf32>, vector<128x128xf32>, vector<512x128xf32> -> vector<512x128xf32>
    %swap3A = arith.constant 0 : index
    %swap3A_15 = arith.constant 0 : index
    %swap3A_16 = vector.load %arg5[%swap3A, %swap3A_15] : memref<512x128xf32, #tpu.memory_space<vmem>>, vector<512x128xf32>
    tpu.vector_store %arg5[%swap3A, %swap3A_15], %dot_general3A_14 {strides = array<i32>} : memref<512x128xf32, #tpu.memory_space<vmem>>, vector<512x128xf32>,
    return
  }
  func.func @transform_0(%arg0: i32) -> (i32, i32) {
    %c0_i32 = arith.constant 0 : i32
    %c0_i32_0 = arith.constant 0 : i32
    return %arg0, %c0_i32 : i32, i32
  }
  func.func @transform_1(%arg0: i32) -> (i32, i32) {
    %c0_i32 = arith.constant 0 : i32
    %c0_i32_0 = arith.constant 0 : i32
    %c0_i32_1 = arith.constant 0 : i32
    return %c0_i32, %c0_i32_0 : i32, i32
  }
  func.func @transform_2(%arg0: i32) -> (i32, i32) {
    %c0_i32 = arith.constant 0 : i32
    %c0_i32_0 = arith.constant 0 : i32
    %c0_i32_1 = arith.constant 0 : i32
    return %c0_i32, %c0_i32_0 : i32, i32
  }
  func.func @transform_3(%arg0: i32) -> (i32, i32) {
    %c0_i32 = arith.constant 0 : i32
    %c0_i32_0 = arith.constant 0 : i32
    %c0_i32_1 = arith.constant 0 : i32
    return %c0_i32, %c0_i32_0 : i32, i32
  }
  func.func @transform_4(%arg0: i32) -> (i32, i32) {
    %c0_i32 = arith.constant 0 : i32
    %c0_i32_0 = arith.constant 0 : i32
    return %arg0, %c0_i32 : i32, i32
  }
}

module attributes {stable_mosaic.version = 14 : i64} {
  func.func @body(%arg0: i32, %arg1: memref<512x128xf32, #tpu.memory_space<vmem>>, %arg2: memref<2x512x8xf32, #tpu.memory_space<vmem>>, %arg3: memref<2x512x64xf32, #tpu.memory_space<vmem>>) attributes {dimension_semantics = [#tpu.dimension_semantics<arbitrary>], iteration_bounds = array<i64: 20>, scalar_prefetch = 0 : i64, scratch_operands = 0 : i64, tpu.core_type = #tpu.core_type<tc>, window_params = [{transform_indices = @transform_0, window_bounds = array<i64: 512, 128>}, {transform_indices = @transform_1, window_bounds = array<i64: 2, 512, 8>}, {transform_indices = @transform_2, window_bounds = array<i64: 2, 512, 64>}]} {
    %get3A = arith.constant 0 : index
    %get3A_0 = arith.constant 0 : index
    %get3A_1 = vector.load %arg1[%get3A, %get3A_0] : memref<512x128xf32, #tpu.memory_space<vmem>>, vector<512x128xf32>
    %get3A_2 = arith.constant 0 : index
    %get3A_3 = arith.constant 0 : index
    %get3A_4 = arith.constant 0 : index
    %get3A_5 = vector.load %arg2[%get3A_2, %get3A_3, %get3A_4] : memref<2x512x8xf32, #tpu.memory_space<vmem>>, vector<1x512x8xf32>
    %get3A_6 = vector.shape_cast %get3A_5 : vector<1x512x8xf32> to vector<512x8xf32>
    %get3A_7 = arith.constant 1 : index
    %get3A_8 = arith.constant 0 : index
    %get3A_9 = arith.constant 0 : index
    %get3A_10 = vector.load %arg2[%get3A_7, %get3A_8, %get3A_9] : memref<2x512x8xf32, #tpu.memory_space<vmem>>, vector<1x512x8xf32>
    %get3A_11 = vector.shape_cast %get3A_10 : vector<1x512x8xf32> to vector<512x8xf32>
    %slice3A = vector.extract_strided_slice %get3A_6 {offsets = [0, 0], sizes = [512, 1], strides = [1, 1]} : vector<512x8xf32> to vector<512x1xf32>
    %slice3A_12 = vector.extract_strided_slice %get3A_11 {offsets = [0, 0], sizes = [512, 1], strides = [1, 1]} : vector<512x8xf32> to vector<512x1xf32>
    %add3A = arith.addf %slice3A, %slice3A_12 : vector<512x1xf32>
    %add3A_13 = arith.constant 1.000000e+00 : f32
    %add3A_14 = vector.broadcast %add3A_13 : f32 to vector<512x1xf32>
    %add3A_15 = arith.addf %add3A, %add3A_14 : vector<512x1xf32>
    %rsqrt3A = math.rsqrt %add3A_15 : vector<512x1xf32>
    %mul3A = arith.constant 512 : i32
    %mul3A_16 = arith.muli %arg0, %mul3A : i32
    %iota3A = tpu.iota {dimensions = array<i32: 0>} : vector<512x1xi32>
    %add3A_17 = vector.broadcast %mul3A_16 : i32 to vector<512x1xi32>
    %add3A_18 = arith.addi %add3A_17, %iota3A : vector<512x1xi32>
    %lt3A = arith.constant 10000 : i32
    %lt3A_19 = vector.broadcast %lt3A : i32 to vector<512x1xi32>
    %lt3A_20 = arith.cmpi slt, %add3A_18, %lt3A_19 : vector<512x1xi32>
    %jit3A = arith.constant 0.000000e+00 : f32
    %broadcast_in_dim3A = vector.broadcast %jit3A : f32 to vector<512x1xf32>
    %select_n3A = arith.select %lt3A_20, %rsqrt3A, %broadcast_in_dim3A : vector<512x1xi1>, vector<512x1xf32>
    %mul3A_21 = vector.broadcast %select_n3A : vector<512x1xf32> to vector<512x128xf32>
    %mul3A_22 = arith.mulf %get3A_1, %mul3A_21 : vector<512x128xf32>
    %slice3A_23 = vector.extract_strided_slice %mul3A_22 {offsets = [0, 0], sizes = [512, 64], strides = [1, 1]} : vector<512x128xf32> to vector<512x64xf32>
    %swap3A = arith.constant 0 : index
    %swap3A_24 = arith.constant 0 : index
    %swap3A_25 = arith.constant 0 : index
    %swap3A_26 = vector.load %arg3[%swap3A, %swap3A_24, %swap3A_25] : memref<2x512x64xf32, #tpu.memory_space<vmem>>, vector<1x512x64xf32>
    %swap3A_27 = vector.shape_cast %swap3A_26 : vector<1x512x64xf32> to vector<512x64xf32>
    %swap3A_28 = vector.shape_cast %slice3A_23 : vector<512x64xf32> to vector<1x512x64xf32>
    tpu.vector_store %arg3[%swap3A, %swap3A_24, %swap3A_25], %swap3A_28 {strides = array<i32>} : memref<2x512x64xf32, #tpu.memory_space<vmem>>, vector<1x512x64xf32>,
    %slice3A_29 = vector.extract_strided_slice %mul3A_22 {offsets = [0, 64], sizes = [512, 64], strides = [1, 1]} : vector<512x128xf32> to vector<512x64xf32>
    %swap3A_30 = arith.constant 1 : index
    %swap3A_31 = arith.constant 0 : index
    %swap3A_32 = arith.constant 0 : index
    %swap3A_33 = vector.load %arg3[%swap3A_30, %swap3A_31, %swap3A_32] : memref<2x512x64xf32, #tpu.memory_space<vmem>>, vector<1x512x64xf32>
    %swap3A_34 = vector.shape_cast %swap3A_33 : vector<1x512x64xf32> to vector<512x64xf32>
    %swap3A_35 = vector.shape_cast %slice3A_29 : vector<512x64xf32> to vector<1x512x64xf32>
    tpu.vector_store %arg3[%swap3A_30, %swap3A_31, %swap3A_32], %swap3A_35 {strides = array<i32>} : memref<2x512x64xf32, #tpu.memory_space<vmem>>, vector<1x512x64xf32>,
    return
  }
  func.func @transform_0(%arg0: i32) -> (i32, i32) {
    %c0_i32 = arith.constant 0 : i32
    %c0_i32_0 = arith.constant 0 : i32
    return %arg0, %c0_i32 : i32, i32
  }
  func.func @transform_1(%arg0: i32) -> (i32, i32, i32) {
    %c0_i32 = arith.constant 0 : i32
    %c0_i32_0 = arith.constant 0 : i32
    %c0_i32_1 = arith.constant 0 : i32
    return %c0_i32, %arg0, %c0_i32_0 : i32, i32, i32
  }
  func.func @transform_2(%arg0: i32) -> (i32, i32, i32) {
    %c0_i32 = arith.constant 0 : i32
    %c0_i32_0 = arith.constant 0 : i32
    %c0_i32_1 = arith.constant 0 : i32
    return %c0_i32, %arg0, %c0_i32_0 : i32, i32, i32
  }
}

module attributes {stable_mosaic.version = 14 : i64} {
  func.func @body(%arg0: i32, %arg1: memref<2x512x64xf32, #tpu.memory_space<vmem>>, %arg2: memref<2x512x8xf32, #tpu.memory_space<vmem>>, %arg3: memref<8x128xf32, #tpu.memory_space<vmem>>, %arg4: memref<512x128xf32, #tpu.memory_space<vmem>>, %arg5: memref<2x8x128xf32, #tpu.memory_space<vmem>>) attributes {dimension_semantics = [#tpu.dimension_semantics<arbitrary>], iteration_bounds = array<i64: 20>, scalar_prefetch = 0 : i64, scratch_operands = 0 : i64, tpu.core_type = #tpu.core_type<tc>, window_params = [{transform_indices = @transform_0, window_bounds = array<i64: 2, 512, 64>}, {transform_indices = @transform_1, window_bounds = array<i64: 2, 512, 8>}, {pipeline_mode = #tpu.pipeline_mode<synchronous>, transform_indices = @transform_2, window_bounds = array<i64: 8, 128>}, {transform_indices = @transform_3, window_bounds = array<i64: 512, 128>}, {pipeline_mode = #tpu.pipeline_mode<synchronous>, transform_indices = @transform_4, window_bounds = array<i64: 2, 8, 128>}]} {
    %get3A = arith.constant 0 : index
    %get3A_0 = arith.constant 0 : index
    %get3A_1 = arith.constant 0 : index
    %get3A_2 = vector.load %arg1[%get3A, %get3A_0, %get3A_1] : memref<2x512x64xf32, #tpu.memory_space<vmem>>, vector<1x512x64xf32>
    %get3A_3 = vector.shape_cast %get3A_2 : vector<1x512x64xf32> to vector<512x64xf32>
    %get3A_4 = arith.constant 1 : index
    %get3A_5 = arith.constant 0 : index
    %get3A_6 = arith.constant 0 : index
    %get3A_7 = vector.load %arg1[%get3A_4, %get3A_5, %get3A_6] : memref<2x512x64xf32, #tpu.memory_space<vmem>>, vector<1x512x64xf32>
    %get3A_8 = vector.shape_cast %get3A_7 : vector<1x512x64xf32> to vector<512x64xf32>
    %concatenate3A = tpu.concatenate %get3A_3, %get3A_8 in 1 : vector<512x64xf32>, vector<512x64xf32> -> vector<512x128xf32>
    %get3A_9 = arith.constant 0 : index
    %get3A_10 = arith.constant 0 : index
    %get3A_11 = arith.constant 0 : index
    %get3A_12 = vector.load %arg2[%get3A_9, %get3A_10, %get3A_11] : memref<2x512x8xf32, #tpu.memory_space<vmem>>, vector<1x512x8xf32>
    %get3A_13 = vector.shape_cast %get3A_12 : vector<1x512x8xf32> to vector<512x8xf32>
    %get3A_14 = arith.constant 1 : index
    %get3A_15 = arith.constant 0 : index
    %get3A_16 = arith.constant 0 : index
    %get3A_17 = vector.load %arg2[%get3A_14, %get3A_15, %get3A_16] : memref<2x512x8xf32, #tpu.memory_space<vmem>>, vector<1x512x8xf32>
    %get3A_18 = vector.shape_cast %get3A_17 : vector<1x512x8xf32> to vector<512x8xf32>
    %slice3A = vector.extract_strided_slice %get3A_13 {offsets = [0, 0], sizes = [512, 1], strides = [1, 1]} : vector<512x8xf32> to vector<512x1xf32>
    %slice3A_19 = vector.extract_strided_slice %get3A_18 {offsets = [0, 0], sizes = [512, 1], strides = [1, 1]} : vector<512x8xf32> to vector<512x1xf32>
    %add3A = arith.addf %slice3A, %slice3A_19 : vector<512x1xf32>
    %add3A_20 = arith.constant 1.000000e+00 : f32
    %add3A_21 = vector.broadcast %add3A_20 : f32 to vector<512x1xf32>
    %add3A_22 = arith.addf %add3A, %add3A_21 : vector<512x1xf32>
    %rsqrt3A = math.rsqrt %add3A_22 : vector<512x1xf32>
    %mul3A = arith.constant 512 : i32
    %mul3A_23 = arith.muli %arg0, %mul3A : i32
    %iota3A = tpu.iota {dimensions = array<i32: 0>} : vector<512x1xi32>
    %add3A_24 = vector.broadcast %mul3A_23 : i32 to vector<512x1xi32>
    %add3A_25 = arith.addi %add3A_24, %iota3A : vector<512x1xi32>
    %lt3A = arith.constant 10000 : i32
    %lt3A_26 = vector.broadcast %lt3A : i32 to vector<512x1xi32>
    %lt3A_27 = arith.cmpi slt, %add3A_25, %lt3A_26 : vector<512x1xi32>
    %jit3A = arith.constant 0.000000e+00 : f32
    %broadcast_in_dim3A = vector.broadcast %jit3A : f32 to vector<512x1xf32>
    %select_n3A = arith.select %lt3A_27, %rsqrt3A, %broadcast_in_dim3A : vector<512x1xi1>, vector<512x1xf32>
    %mul3A_28 = arith.constant 512 : i32
    %mul3A_29 = arith.muli %arg0, %mul3A_28 : i32
    %iota3A_30 = tpu.iota {dimensions = array<i32: 0>} : vector<512x1xi32>
    %add3A_31 = vector.broadcast %mul3A_29 : i32 to vector<512x1xi32>
    %add3A_32 = arith.addi %add3A_31, %iota3A_30 : vector<512x1xi32>
    %lt3A_33 = arith.constant 10000 : i32
    %lt3A_34 = vector.broadcast %lt3A_33 : i32 to vector<512x1xi32>
    %lt3A_35 = arith.cmpi slt, %add3A_32, %lt3A_34 : vector<512x1xi32>
    %mul3A_36 = vector.broadcast %select_n3A : vector<512x1xf32> to vector<512x128xf32>
    %mul3A_37 = arith.mulf %concatenate3A, %mul3A_36 : vector<512x128xf32>
    %get3A_38 = arith.constant 0 : index
    %get3A_39 = arith.constant 0 : index
    %get3A_40 = vector.load %arg3[%get3A_38, %get3A_39] : memref<8x128xf32, #tpu.memory_space<vmem>>, vector<1x128xf32>
    %add3A_41 = vector.broadcast %get3A_40 : vector<1x128xf32> to vector<512x128xf32>
    %add3A_42 = arith.addf %mul3A_37, %add3A_41 : vector<512x128xf32>
    %jit3A_43 = arith.constant 0.000000e+00 : f32
    %broadcast_in_dim3A_44 = vector.shape_cast %lt3A_35 : vector<512x1xi1> to vector<512x1xi1>
    %broadcast_in_dim3A_45 = vector.broadcast %broadcast_in_dim3A_44 : vector<512x1xi1> to vector<512x128xi1>
    %broadcast_in_dim3A_46 = vector.broadcast %jit3A_43 : f32 to vector<512x128xf32>
    %select_n3A_47 = arith.select %broadcast_in_dim3A_45, %add3A_42, %broadcast_in_dim3A_46 : vector<512x128xi1>, vector<512x128xf32>
    %swap3A = arith.constant 0 : index
    %swap3A_48 = arith.constant 0 : index
    %swap3A_49 = vector.load %arg4[%swap3A, %swap3A_48] : memref<512x128xf32, #tpu.memory_space<vmem>>, vector<512x128xf32>
    tpu.vector_store %arg4[%swap3A, %swap3A_48], %select_n3A_47 {strides = array<i32>} : memref<512x128xf32, #tpu.memory_space<vmem>>, vector<512x128xf32>,
    %reshape3A = vector.shape_cast %select_n3A_47 : vector<512x128xf32> to vector<64x8x128xf32>
    %reduce_sum3A = arith.constant dense<0.000000e+00> : vector<8x128xf32>
    %reduce_sum3A_50 = vector.multi_reduction <add>, %reshape3A, %reduce_sum3A [0] : vector<64x8x128xf32> to vector<8x128xf32>
    %mul3A_51 = arith.mulf %select_n3A_47, %select_n3A_47 : vector<512x128xf32>
    %reshape3A_52 = vector.shape_cast %mul3A_51 : vector<512x128xf32> to vector<64x8x128xf32>
    %reduce_sum3A_53 = arith.constant dense<0.000000e+00> : vector<8x128xf32>
    %reduce_sum3A_54 = vector.multi_reduction <add>, %reshape3A_52, %reduce_sum3A_53 [0] : vector<64x8x128xf32> to vector<8x128xf32>
    %eq3A = arith.constant 0 : i32
    %eq3A_55 = arith.cmpi eq, %arg0, %eq3A : i32
    %convert_element_type3A = arith.extui %eq3A_55 : i1 to i32
    %cond3A = arith.constant 0 : i32
    %cond3A_56 = arith.cmpi ne, %convert_element_type3A, %cond3A : i32
    scf.if %cond3A_56 {
      %swap3A_61 = arith.constant 0 : index
      %swap3A_62 = arith.constant 0 : index
      %swap3A_63 = arith.constant 0 : index
      %swap3A_64 = vector.load %arg5[%swap3A_61, %swap3A_62, %swap3A_63] : memref<2x8x128xf32, #tpu.memory_space<vmem>>, vector<1x8x128xf32>
      %swap3A_65 = vector.shape_cast %swap3A_64 : vector<1x8x128xf32> to vector<8x128xf32>
      %swap3A_66 = vector.shape_cast %reduce_sum3A_50 : vector<8x128xf32> to vector<1x8x128xf32>
      tpu.vector_store %arg5[%swap3A_61, %swap3A_62, %swap3A_63], %swap3A_66 {strides = array<i32>} : memref<2x8x128xf32, #tpu.memory_space<vmem>>, vector<1x8x128xf32>,
      %swap3A_67 = arith.constant 1 : index
      %swap3A_68 = arith.constant 0 : index
      %swap3A_69 = arith.constant 0 : index
      %swap3A_70 = vector.load %arg5[%swap3A_67, %swap3A_68, %swap3A_69] : memref<2x8x128xf32, #tpu.memory_space<vmem>>, vector<1x8x128xf32>
      %swap3A_71 = vector.shape_cast %swap3A_70 : vector<1x8x128xf32> to vector<8x128xf32>
      %swap3A_72 = vector.shape_cast %reduce_sum3A_54 : vector<8x128xf32> to vector<1x8x128xf32>
      tpu.vector_store %arg5[%swap3A_67, %swap3A_68, %swap3A_69], %swap3A_72 {strides = array<i32>} : memref<2x8x128xf32, #tpu.memory_space<vmem>>, vector<1x8x128xf32>,
    } else {
    }
    %gt3A = arith.constant 0 : i32
    %gt3A_57 = arith.cmpi sgt, %arg0, %gt3A : i32
    %convert_element_type3A_58 = arith.extui %gt3A_57 : i1 to i32
    %cond3A_59 = arith.constant 0 : i32
    %cond3A_60 = arith.cmpi ne, %convert_element_type3A_58, %cond3A_59 : i32
    scf.if %cond3A_60 {
      %get3A_61 = arith.constant 0 : index
      %get3A_62 = arith.constant 0 : index
      %get3A_63 = arith.constant 0 : index
      %get3A_64 = vector.load %arg5[%get3A_61, %get3A_62, %get3A_63] : memref<2x8x128xf32, #tpu.memory_space<vmem>>, vector<1x8x128xf32>
      %get3A_65 = vector.shape_cast %get3A_64 : vector<1x8x128xf32> to vector<8x128xf32>
      %add3A_66 = arith.addf %get3A_65, %reduce_sum3A_50 : vector<8x128xf32>
      %swap3A_67 = arith.constant 0 : index
      %swap3A_68 = arith.constant 0 : index
      %swap3A_69 = arith.constant 0 : index
      %swap3A_70 = vector.load %arg5[%swap3A_67, %swap3A_68, %swap3A_69] : memref<2x8x128xf32, #tpu.memory_space<vmem>>, vector<1x8x128xf32>
      %swap3A_71 = vector.shape_cast %swap3A_70 : vector<1x8x128xf32> to vector<8x128xf32>
      %swap3A_72 = vector.shape_cast %add3A_66 : vector<8x128xf32> to vector<1x8x128xf32>
      tpu.vector_store %arg5[%swap3A_67, %swap3A_68, %swap3A_69], %swap3A_72 {strides = array<i32>} : memref<2x8x128xf32, #tpu.memory_space<vmem>>, vector<1x8x128xf32>,
      %get3A_73 = arith.constant 1 : index
      %get3A_74 = arith.constant 0 : index
      %get3A_75 = arith.constant 0 : index
      %get3A_76 = vector.load %arg5[%get3A_73, %get3A_74, %get3A_75] : memref<2x8x128xf32, #tpu.memory_space<vmem>>, vector<1x8x128xf32>
      %get3A_77 = vector.shape_cast %get3A_76 : vector<1x8x128xf32> to vector<8x128xf32>
      %add3A_78 = arith.addf %get3A_77, %reduce_sum3A_54 : vector<8x128xf32>
      %swap3A_79 = arith.constant 1 : index
      %swap3A_80 = arith.constant 0 : index
      %swap3A_81 = arith.constant 0 : index
      %swap3A_82 = vector.load %arg5[%swap3A_79, %swap3A_80, %swap3A_81] : memref<2x8x128xf32, #tpu.memory_space<vmem>>, vector<1x8x128xf32>
      %swap3A_83 = vector.shape_cast %swap3A_82 : vector<1x8x128xf32> to vector<8x128xf32>
      %swap3A_84 = vector.shape_cast %add3A_78 : vector<8x128xf32> to vector<1x8x128xf32>
      tpu.vector_store %arg5[%swap3A_79, %swap3A_80, %swap3A_81], %swap3A_84 {strides = array<i32>} : memref<2x8x128xf32, #tpu.memory_space<vmem>>, vector<1x8x128xf32>,
    } else {
    }
    return
  }
  func.func @transform_0(%arg0: i32) -> (i32, i32, i32) {
    %c0_i32 = arith.constant 0 : i32
    %c0_i32_0 = arith.constant 0 : i32
    %c0_i32_1 = arith.constant 0 : i32
    return %c0_i32, %arg0, %c0_i32_0 : i32, i32, i32
  }
  func.func @transform_1(%arg0: i32) -> (i32, i32, i32) {
    %c0_i32 = arith.constant 0 : i32
    %c0_i32_0 = arith.constant 0 : i32
    %c0_i32_1 = arith.constant 0 : i32
    return %c0_i32, %arg0, %c0_i32_0 : i32, i32, i32
  }
  func.func @transform_2(%arg0: i32) -> (i32, i32) {
    %c0_i32 = arith.constant 0 : i32
    %c0_i32_0 = arith.constant 0 : i32
    %c0_i32_1 = arith.constant 0 : i32
    return %c0_i32, %c0_i32_0 : i32, i32
  }
  func.func @transform_3(%arg0: i32) -> (i32, i32) {
    %c0_i32 = arith.constant 0 : i32
    %c0_i32_0 = arith.constant 0 : i32
    return %arg0, %c0_i32 : i32, i32
  }
  func.func @transform_4(%arg0: i32) -> (i32, i32, i32) {
    %c0_i32 = arith.constant 0 : i32
    %c0_i32_0 = arith.constant 0 : i32
    %c0_i32_1 = arith.constant 0 : i32
    %c0_i32_2 = arith.constant 0 : i32
    return %c0_i32, %c0_i32_0, %c0_i32_1 : i32, i32, i32
  }
}

module attributes {stable_mosaic.version = 14 : i64} {
  func.func @body(%arg0: i32, %arg1: memref<512x128xf32, #tpu.memory_space<vmem>>, %arg2: memref<2x8x128xf32, #tpu.memory_space<vmem>>, %arg3: memref<8x128xf32, #tpu.memory_space<vmem>>, %arg4: memref<8x128xf32, #tpu.memory_space<vmem>>, %arg5: memref<128x128xf32, #tpu.memory_space<vmem>>, %arg6: memref<2x512x8xf32, #tpu.memory_space<vmem>>, %arg7: memref<2x512x64xf32, #tpu.memory_space<vmem>>) attributes {dimension_semantics = [#tpu.dimension_semantics<arbitrary>], iteration_bounds = array<i64: 20>, scalar_prefetch = 0 : i64, scratch_operands = 0 : i64, tpu.core_type = #tpu.core_type<tc>, window_params = [{transform_indices = @transform_0, window_bounds = array<i64: 512, 128>}, {pipeline_mode = #tpu.pipeline_mode<synchronous>, transform_indices = @transform_1, window_bounds = array<i64: 2, 8, 128>}, {pipeline_mode = #tpu.pipeline_mode<synchronous>, transform_indices = @transform_2, window_bounds = array<i64: 8, 128>}, {pipeline_mode = #tpu.pipeline_mode<synchronous>, transform_indices = @transform_3, window_bounds = array<i64: 8, 128>}, {pipeline_mode = #tpu.pipeline_mode<synchronous>, transform_indices = @transform_4, window_bounds = array<i64: 128, 128>}, {transform_indices = @transform_5, window_bounds = array<i64: 2, 512, 8>}, {transform_indices = @transform_6, window_bounds = array<i64: 2, 512, 64>}]} {
    %get3A = arith.constant 0 : index
    %get3A_0 = arith.constant 0 : index
    %get3A_1 = arith.constant 0 : index
    %get3A_2 = vector.load %arg2[%get3A, %get3A_0, %get3A_1] : memref<2x8x128xf32, #tpu.memory_space<vmem>>, vector<1x8x128xf32>
    %get3A_3 = vector.shape_cast %get3A_2 : vector<1x8x128xf32> to vector<8x128xf32>
    %reduce_sum3A = arith.constant dense<0.000000e+00> : vector<128xf32>
    %reduce_sum3A_4 = vector.multi_reduction <add>, %get3A_3, %reduce_sum3A [0] : vector<8x128xf32> to vector<128xf32>
    %broadcast_in_dim3A = vector.shape_cast %reduce_sum3A_4 : vector<128xf32> to vector<1x128xf32>
    %get3A_5 = arith.constant 1 : index
    %get3A_6 = arith.constant 0 : index
    %get3A_7 = arith.constant 0 : index
    %get3A_8 = vector.load %arg2[%get3A_5, %get3A_6, %get3A_7] : memref<2x8x128xf32, #tpu.memory_space<vmem>>, vector<1x8x128xf32>
    %get3A_9 = vector.shape_cast %get3A_8 : vector<1x8x128xf32> to vector<8x128xf32>
    %reduce_sum3A_10 = arith.constant dense<0.000000e+00> : vector<128xf32>
    %reduce_sum3A_11 = vector.multi_reduction <add>, %get3A_9, %reduce_sum3A_10 [0] : vector<8x128xf32> to vector<128xf32>
    %broadcast_in_dim3A_12 = vector.shape_cast %reduce_sum3A_11 : vector<128xf32> to vector<1x128xf32>
    %div3A = arith.constant 1.000000e+04 : f32
    %div3A_13 = vector.broadcast %div3A : f32 to vector<1x128xf32>
    %div3A_14 = arith.divf %broadcast_in_dim3A, %div3A_13 : vector<1x128xf32>
    %div3A_15 = arith.constant 1.000000e+04 : f32
    %div3A_16 = vector.broadcast %div3A_15 : f32 to vector<1x128xf32>
    %div3A_17 = arith.divf %broadcast_in_dim3A_12, %div3A_16 : vector<1x128xf32>
    %mul3A = arith.mulf %div3A_14, %div3A_14 : vector<1x128xf32>
    %sub3A = arith.subf %div3A_17, %mul3A : vector<1x128xf32>
    %add3A = arith.constant 9.99999974E-6 : f32
    %add3A_18 = vector.broadcast %add3A : f32 to vector<1x128xf32>
    %add3A_19 = arith.addf %sub3A, %add3A_18 : vector<1x128xf32>
    %rsqrt3A = math.rsqrt %add3A_19 : vector<1x128xf32>
    %get3A_20 = arith.constant 0 : index
    %get3A_21 = arith.constant 0 : index
    %get3A_22 = vector.load %arg1[%get3A_20, %get3A_21] : memref<512x128xf32, #tpu.memory_space<vmem>>, vector<512x128xf32>
    %sub3A_23 = vector.broadcast %div3A_14 : vector<1x128xf32> to vector<512x128xf32>
    %sub3A_24 = arith.subf %get3A_22, %sub3A_23 : vector<512x128xf32>
    %mul3A_25 = vector.broadcast %rsqrt3A : vector<1x128xf32> to vector<512x128xf32>
    %mul3A_26 = arith.mulf %sub3A_24, %mul3A_25 : vector<512x128xf32>
    %get3A_27 = arith.constant 0 : index
    %get3A_28 = arith.constant 0 : index
    %get3A_29 = vector.load %arg3[%get3A_27, %get3A_28] : memref<8x128xf32, #tpu.memory_space<vmem>>, vector<1x128xf32>
    %mul3A_30 = vector.broadcast %get3A_29 : vector<1x128xf32> to vector<512x128xf32>
    %mul3A_31 = arith.mulf %mul3A_26, %mul3A_30 : vector<512x128xf32>
    %get3A_32 = arith.constant 0 : index
    %get3A_33 = arith.constant 0 : index
    %get3A_34 = vector.load %arg4[%get3A_32, %get3A_33] : memref<8x128xf32, #tpu.memory_space<vmem>>, vector<1x128xf32>
    %add3A_35 = vector.broadcast %get3A_34 : vector<1x128xf32> to vector<512x128xf32>
    %add3A_36 = arith.addf %mul3A_31, %add3A_35 : vector<512x128xf32>
    %max3A = arith.constant 0.000000e+00 : f32
    %max3A_37 = vector.broadcast %max3A : f32 to vector<512x128xf32>
    %max3A_38 = arith.maximumf %add3A_36, %max3A_37 : vector<512x128xf32>
    %get3A_39 = arith.constant 0 : index
    %get3A_40 = arith.constant 0 : index
    %get3A_41 = vector.load %arg5[%get3A_39, %get3A_40] : memref<128x128xf32, #tpu.memory_space<vmem>>, vector<128x128xf32>
    %dot_general3A = arith.constant dense<0.000000e+00> : vector<512x128xf32>
    %dot_general3A_42 = tpu.matmul %max3A_38, %get3A_41, %dot_general3A {dimension_numbers = #tpu.dot_dimension_numbers<[1], [0], [0], [1], [0, 0, 1, 1], [], []>, transpose_lhs_hint = false} : vector<512x128xf32>, vector<128x128xf32>, vector<512x128xf32> -> vector<512x128xf32>
    %get3A_43 = arith.constant 0 : index
    %get3A_44 = arith.constant 0 : index
    %get3A_45 = arith.constant 0 : index
    %get3A_46 = vector.load %arg6[%get3A_43, %get3A_44, %get3A_45] : memref<2x512x8xf32, #tpu.memory_space<vmem>>, vector<1x512x8xf32>
    %get3A_47 = vector.shape_cast %get3A_46 : vector<1x512x8xf32> to vector<512x8xf32>
    %get3A_48 = arith.constant 1 : index
    %get3A_49 = arith.constant 0 : index
    %get3A_50 = arith.constant 0 : index
    %get3A_51 = vector.load %arg6[%get3A_48, %get3A_49, %get3A_50] : memref<2x512x8xf32, #tpu.memory_space<vmem>>, vector<1x512x8xf32>
    %get3A_52 = vector.shape_cast %get3A_51 : vector<1x512x8xf32> to vector<512x8xf32>
    %slice3A = vector.extract_strided_slice %get3A_47 {offsets = [0, 0], sizes = [512, 1], strides = [1, 1]} : vector<512x8xf32> to vector<512x1xf32>
    %slice3A_53 = vector.extract_strided_slice %get3A_52 {offsets = [0, 0], sizes = [512, 1], strides = [1, 1]} : vector<512x8xf32> to vector<512x1xf32>
    %add3A_54 = arith.addf %slice3A, %slice3A_53 : vector<512x1xf32>
    %add3A_55 = arith.constant 1.000000e+00 : f32
    %add3A_56 = vector.broadcast %add3A_55 : f32 to vector<512x1xf32>
    %add3A_57 = arith.addf %add3A_54, %add3A_56 : vector<512x1xf32>
    %rsqrt3A_58 = math.rsqrt %add3A_57 : vector<512x1xf32>
    %mul3A_59 = arith.constant 512 : i32
    %mul3A_60 = arith.muli %arg0, %mul3A_59 : i32
    %iota3A = tpu.iota {dimensions = array<i32: 0>} : vector<512x1xi32>
    %add3A_61 = vector.broadcast %mul3A_60 : i32 to vector<512x1xi32>
    %add3A_62 = arith.addi %add3A_61, %iota3A : vector<512x1xi32>
    %lt3A = arith.constant 10000 : i32
    %lt3A_63 = vector.broadcast %lt3A : i32 to vector<512x1xi32>
    %lt3A_64 = arith.cmpi slt, %add3A_62, %lt3A_63 : vector<512x1xi32>
    %jit3A = arith.constant 0.000000e+00 : f32
    %broadcast_in_dim3A_65 = vector.broadcast %jit3A : f32 to vector<512x1xf32>
    %select_n3A = arith.select %lt3A_64, %rsqrt3A_58, %broadcast_in_dim3A_65 : vector<512x1xi1>, vector<512x1xf32>
    %mul3A_66 = vector.broadcast %select_n3A : vector<512x1xf32> to vector<512x128xf32>
    %mul3A_67 = arith.mulf %dot_general3A_42, %mul3A_66 : vector<512x128xf32>
    %slice3A_68 = vector.extract_strided_slice %mul3A_67 {offsets = [0, 0], sizes = [512, 64], strides = [1, 1]} : vector<512x128xf32> to vector<512x64xf32>
    %swap3A = arith.constant 0 : index
    %swap3A_69 = arith.constant 0 : index
    %swap3A_70 = arith.constant 0 : index
    %swap3A_71 = vector.load %arg7[%swap3A, %swap3A_69, %swap3A_70] : memref<2x512x64xf32, #tpu.memory_space<vmem>>, vector<1x512x64xf32>
    %swap3A_72 = vector.shape_cast %swap3A_71 : vector<1x512x64xf32> to vector<512x64xf32>
    %swap3A_73 = vector.shape_cast %slice3A_68 : vector<512x64xf32> to vector<1x512x64xf32>
    tpu.vector_store %arg7[%swap3A, %swap3A_69, %swap3A_70], %swap3A_73 {strides = array<i32>} : memref<2x512x64xf32, #tpu.memory_space<vmem>>, vector<1x512x64xf32>,
    %slice3A_74 = vector.extract_strided_slice %mul3A_67 {offsets = [0, 64], sizes = [512, 64], strides = [1, 1]} : vector<512x128xf32> to vector<512x64xf32>
    %swap3A_75 = arith.constant 1 : index
    %swap3A_76 = arith.constant 0 : index
    %swap3A_77 = arith.constant 0 : index
    %swap3A_78 = vector.load %arg7[%swap3A_75, %swap3A_76, %swap3A_77] : memref<2x512x64xf32, #tpu.memory_space<vmem>>, vector<1x512x64xf32>
    %swap3A_79 = vector.shape_cast %swap3A_78 : vector<1x512x64xf32> to vector<512x64xf32>
    %swap3A_80 = vector.shape_cast %slice3A_74 : vector<512x64xf32> to vector<1x512x64xf32>
    tpu.vector_store %arg7[%swap3A_75, %swap3A_76, %swap3A_77], %swap3A_80 {strides = array<i32>} : memref<2x512x64xf32, #tpu.memory_space<vmem>>, vector<1x512x64xf32>,
    return
  }
  func.func @transform_0(%arg0: i32) -> (i32, i32) {
    %c0_i32 = arith.constant 0 : i32
    %c0_i32_0 = arith.constant 0 : i32
    return %arg0, %c0_i32 : i32, i32
  }
  func.func @transform_1(%arg0: i32) -> (i32, i32, i32) {
    %c0_i32 = arith.constant 0 : i32
    %c0_i32_0 = arith.constant 0 : i32
    %c0_i32_1 = arith.constant 0 : i32
    %c0_i32_2 = arith.constant 0 : i32
    return %c0_i32, %c0_i32_0, %c0_i32_1 : i32, i32, i32
  }
  func.func @transform_2(%arg0: i32) -> (i32, i32) {
    %c0_i32 = arith.constant 0 : i32
    %c0_i32_0 = arith.constant 0 : i32
    %c0_i32_1 = arith.constant 0 : i32
    return %c0_i32, %c0_i32_0 : i32, i32
  }
  func.func @transform_3(%arg0: i32) -> (i32, i32) {
    %c0_i32 = arith.constant 0 : i32
    %c0_i32_0 = arith.constant 0 : i32
    %c0_i32_1 = arith.constant 0 : i32
    return %c0_i32, %c0_i32_0 : i32, i32
  }
  func.func @transform_4(%arg0: i32) -> (i32, i32) {
    %c0_i32 = arith.constant 0 : i32
    %c0_i32_0 = arith.constant 0 : i32
    %c0_i32_1 = arith.constant 0 : i32
    return %c0_i32, %c0_i32_0 : i32, i32
  }
  func.func @transform_5(%arg0: i32) -> (i32, i32, i32) {
    %c0_i32 = arith.constant 0 : i32
    %c0_i32_0 = arith.constant 0 : i32
    %c0_i32_1 = arith.constant 0 : i32
    return %c0_i32, %arg0, %c0_i32_0 : i32, i32, i32
  }
  func.func @transform_6(%arg0: i32) -> (i32, i32, i32) {
    %c0_i32 = arith.constant 0 : i32
    %c0_i32_0 = arith.constant 0 : i32
    %c0_i32_1 = arith.constant 0 : i32
    return %c0_i32, %arg0, %c0_i32_0 : i32, i32, i32
  }
}

module attributes {stable_mosaic.version = 14 : i64} {
  func.func @body(%arg0: i32, %arg1: memref<512x128xf32, #tpu.memory_space<vmem>>, %arg2: memref<2x8x128xf32, #tpu.memory_space<vmem>>, %arg3: memref<8x128xf32, #tpu.memory_space<vmem>>, %arg4: memref<8x128xf32, #tpu.memory_space<vmem>>, %arg5: memref<1x1x512xi32, #tpu.memory_space<vmem>>, %arg6: memref<2x8x128xf32, #tpu.memory_space<vmem>>) attributes {dimension_semantics = [#tpu.dimension_semantics<arbitrary>], iteration_bounds = array<i64: 20>, scalar_prefetch = 0 : i64, scratch_operands = 0 : i64, tpu.core_type = #tpu.core_type<tc>, window_params = [{transform_indices = @transform_0, window_bounds = array<i64: 512, 128>}, {pipeline_mode = #tpu.pipeline_mode<synchronous>, transform_indices = @transform_1, window_bounds = array<i64: 2, 8, 128>}, {pipeline_mode = #tpu.pipeline_mode<synchronous>, transform_indices = @transform_2, window_bounds = array<i64: 8, 128>}, {pipeline_mode = #tpu.pipeline_mode<synchronous>, transform_indices = @transform_3, window_bounds = array<i64: 8, 128>}, {transform_indices = @transform_4, window_bounds = array<i64: 1, 1, 512>}, {pipeline_mode = #tpu.pipeline_mode<synchronous>, transform_indices = @transform_5, window_bounds = array<i64: 2, 8, 128>}]} {
    %get3A = arith.constant 0 : index
    %get3A_0 = arith.constant 0 : index
    %get3A_1 = arith.constant 0 : index
    %get3A_2 = vector.load %arg2[%get3A, %get3A_0, %get3A_1] : memref<2x8x128xf32, #tpu.memory_space<vmem>>, vector<1x8x128xf32>
    %get3A_3 = vector.shape_cast %get3A_2 : vector<1x8x128xf32> to vector<8x128xf32>
    %reduce_sum3A = arith.constant dense<0.000000e+00> : vector<128xf32>
    %reduce_sum3A_4 = vector.multi_reduction <add>, %get3A_3, %reduce_sum3A [0] : vector<8x128xf32> to vector<128xf32>
    %broadcast_in_dim3A = vector.shape_cast %reduce_sum3A_4 : vector<128xf32> to vector<1x128xf32>
    %get3A_5 = arith.constant 1 : index
    %get3A_6 = arith.constant 0 : index
    %get3A_7 = arith.constant 0 : index
    %get3A_8 = vector.load %arg2[%get3A_5, %get3A_6, %get3A_7] : memref<2x8x128xf32, #tpu.memory_space<vmem>>, vector<1x8x128xf32>
    %get3A_9 = vector.shape_cast %get3A_8 : vector<1x8x128xf32> to vector<8x128xf32>
    %reduce_sum3A_10 = arith.constant dense<0.000000e+00> : vector<128xf32>
    %reduce_sum3A_11 = vector.multi_reduction <add>, %get3A_9, %reduce_sum3A_10 [0] : vector<8x128xf32> to vector<128xf32>
    %broadcast_in_dim3A_12 = vector.shape_cast %reduce_sum3A_11 : vector<128xf32> to vector<1x128xf32>
    %div3A = arith.constant 1.000000e+04 : f32
    %div3A_13 = vector.broadcast %div3A : f32 to vector<1x128xf32>
    %div3A_14 = arith.divf %broadcast_in_dim3A, %div3A_13 : vector<1x128xf32>
    %div3A_15 = arith.constant 1.000000e+04 : f32
    %div3A_16 = vector.broadcast %div3A_15 : f32 to vector<1x128xf32>
    %div3A_17 = arith.divf %broadcast_in_dim3A_12, %div3A_16 : vector<1x128xf32>
    %mul3A = arith.mulf %div3A_14, %div3A_14 : vector<1x128xf32>
    %sub3A = arith.subf %div3A_17, %mul3A : vector<1x128xf32>
    %add3A = arith.constant 9.99999974E-6 : f32
    %add3A_18 = vector.broadcast %add3A : f32 to vector<1x128xf32>
    %add3A_19 = arith.addf %sub3A, %add3A_18 : vector<1x128xf32>
    %rsqrt3A = math.rsqrt %add3A_19 : vector<1x128xf32>
    %get3A_20 = arith.constant 0 : index
    %get3A_21 = arith.constant 0 : index
    %get3A_22 = vector.load %arg1[%get3A_20, %get3A_21] : memref<512x128xf32, #tpu.memory_space<vmem>>, vector<512x128xf32>
    %sub3A_23 = vector.broadcast %div3A_14 : vector<1x128xf32> to vector<512x128xf32>
    %sub3A_24 = arith.subf %get3A_22, %sub3A_23 : vector<512x128xf32>
    %mul3A_25 = vector.broadcast %rsqrt3A : vector<1x128xf32> to vector<512x128xf32>
    %mul3A_26 = arith.mulf %sub3A_24, %mul3A_25 : vector<512x128xf32>
    %get3A_27 = arith.constant 0 : index
    %get3A_28 = arith.constant 0 : index
    %get3A_29 = vector.load %arg3[%get3A_27, %get3A_28] : memref<8x128xf32, #tpu.memory_space<vmem>>, vector<1x128xf32>
    %mul3A_30 = vector.broadcast %get3A_29 : vector<1x128xf32> to vector<512x128xf32>
    %mul3A_31 = arith.mulf %mul3A_26, %mul3A_30 : vector<512x128xf32>
    %get3A_32 = arith.constant 0 : index
    %get3A_33 = arith.constant 0 : index
    %get3A_34 = vector.load %arg4[%get3A_32, %get3A_33] : memref<8x128xf32, #tpu.memory_space<vmem>>, vector<1x128xf32>
    %add3A_35 = vector.broadcast %get3A_34 : vector<1x128xf32> to vector<512x128xf32>
    %add3A_36 = arith.addf %mul3A_31, %add3A_35 : vector<512x128xf32>
    %max3A = arith.constant 0.000000e+00 : f32
    %max3A_37 = vector.broadcast %max3A : f32 to vector<512x128xf32>
    %max3A_38 = arith.maximumf %add3A_36, %max3A_37 : vector<512x128xf32>
    %get3A_39 = arith.constant 0 : index
    %get3A_40 = arith.constant 0 : index
    %get3A_41 = arith.constant 0 : index
    %get3A_42 = vector.load %arg5[%get3A_39, %get3A_40, %get3A_41] : memref<1x1x512xi32, #tpu.memory_space<vmem>>, vector<1x1x512xi32>
    %get3A_43 = vector.shape_cast %get3A_42 : vector<1x1x512xi32> to vector<1x512xi32>
    %iota3A = tpu.iota {dimensions = array<i32: 0>} : vector<8x512xi32>
    %eq3A = vector.broadcast %get3A_43 : vector<1x512xi32> to vector<8x512xi32>
    %eq3A_44 = arith.cmpi eq, %iota3A, %eq3A : vector<8x512xi32>
    %convert_element_type3A = arith.extui %eq3A_44 : vector<8x512xi1> to vector<8x512xi32>
    %convert_element_type3A_45 = arith.sitofp %convert_element_type3A : vector<8x512xi32> to vector<8x512xf32>
    %dot_general3A = arith.constant dense<0.000000e+00> : vector<8x128xf32>
    %dot_general3A_46 = tpu.matmul %convert_element_type3A_45, %max3A_38, %dot_general3A {dimension_numbers = #tpu.dot_dimension_numbers<[1], [0], [0], [1], [0, 0, 1, 1], [], []>, transpose_lhs_hint = false} : vector<8x512xf32>, vector<512x128xf32>, vector<8x128xf32> -> vector<8x128xf32>
    %reduce_sum3A_47 = arith.constant dense<0.000000e+00> : vector<8xf32>
    %reduce_sum3A_48 = vector.multi_reduction <add>, %convert_element_type3A_45, %reduce_sum3A_47 [1] : vector<8x512xf32> to vector<8xf32>
    %broadcast_in_dim3A_49 = vector.shape_cast %reduce_sum3A_48 : vector<8xf32> to vector<8x1xf32>
    %broadcast_in_dim3A_50 = arith.constant 0.000000e+00 : f32
    %broadcast_in_dim3A_51 = vector.broadcast %broadcast_in_dim3A_50 : f32 to vector<8x128xf32>
    %add3A_52 = vector.broadcast %broadcast_in_dim3A_49 : vector<8x1xf32> to vector<8x128xf32>
    %add3A_53 = arith.addf %add3A_52, %broadcast_in_dim3A_51 : vector<8x128xf32>
    %eq3A_54 = arith.constant 0 : i32
    %eq3A_55 = arith.cmpi eq, %arg0, %eq3A_54 : i32
    %convert_element_type3A_56 = arith.extui %eq3A_55 : i1 to i32
    %cond3A = arith.constant 0 : i32
    %cond3A_57 = arith.cmpi ne, %convert_element_type3A_56, %cond3A : i32
    scf.if %cond3A_57 {
      %swap3A = arith.constant 0 : index
      %swap3A_62 = arith.constant 0 : index
      %swap3A_63 = arith.constant 0 : index
      %swap3A_64 = vector.load %arg6[%swap3A, %swap3A_62, %swap3A_63] : memref<2x8x128xf32, #tpu.memory_space<vmem>>, vector<1x8x128xf32>
      %swap3A_65 = vector.shape_cast %swap3A_64 : vector<1x8x128xf32> to vector<8x128xf32>
      %swap3A_66 = vector.shape_cast %dot_general3A_46 : vector<8x128xf32> to vector<1x8x128xf32>
      tpu.vector_store %arg6[%swap3A, %swap3A_62, %swap3A_63], %swap3A_66 {strides = array<i32>} : memref<2x8x128xf32, #tpu.memory_space<vmem>>, vector<1x8x128xf32>,
      %swap3A_67 = arith.constant 1 : index
      %swap3A_68 = arith.constant 0 : index
      %swap3A_69 = arith.constant 0 : index
      %swap3A_70 = vector.load %arg6[%swap3A_67, %swap3A_68, %swap3A_69] : memref<2x8x128xf32, #tpu.memory_space<vmem>>, vector<1x8x128xf32>
      %swap3A_71 = vector.shape_cast %swap3A_70 : vector<1x8x128xf32> to vector<8x128xf32>
      %swap3A_72 = vector.shape_cast %add3A_53 : vector<8x128xf32> to vector<1x8x128xf32>
      tpu.vector_store %arg6[%swap3A_67, %swap3A_68, %swap3A_69], %swap3A_72 {strides = array<i32>} : memref<2x8x128xf32, #tpu.memory_space<vmem>>, vector<1x8x128xf32>,
    } else {
    }
    %gt3A = arith.constant 0 : i32
    %gt3A_58 = arith.cmpi sgt, %arg0, %gt3A : i32
    %convert_element_type3A_59 = arith.extui %gt3A_58 : i1 to i32
    %cond3A_60 = arith.constant 0 : i32
    %cond3A_61 = arith.cmpi ne, %convert_element_type3A_59, %cond3A_60 : i32
    scf.if %cond3A_61 {
      %get3A_62 = arith.constant 0 : index
      %get3A_63 = arith.constant 0 : index
      %get3A_64 = arith.constant 0 : index
      %get3A_65 = vector.load %arg6[%get3A_62, %get3A_63, %get3A_64] : memref<2x8x128xf32, #tpu.memory_space<vmem>>, vector<1x8x128xf32>
      %get3A_66 = vector.shape_cast %get3A_65 : vector<1x8x128xf32> to vector<8x128xf32>
      %add3A_67 = arith.addf %get3A_66, %dot_general3A_46 : vector<8x128xf32>
      %swap3A = arith.constant 0 : index
      %swap3A_68 = arith.constant 0 : index
      %swap3A_69 = arith.constant 0 : index
      %swap3A_70 = vector.load %arg6[%swap3A, %swap3A_68, %swap3A_69] : memref<2x8x128xf32, #tpu.memory_space<vmem>>, vector<1x8x128xf32>
      %swap3A_71 = vector.shape_cast %swap3A_70 : vector<1x8x128xf32> to vector<8x128xf32>
      %swap3A_72 = vector.shape_cast %add3A_67 : vector<8x128xf32> to vector<1x8x128xf32>
      tpu.vector_store %arg6[%swap3A, %swap3A_68, %swap3A_69], %swap3A_72 {strides = array<i32>} : memref<2x8x128xf32, #tpu.memory_space<vmem>>, vector<1x8x128xf32>,
      %get3A_73 = arith.constant 1 : index
      %get3A_74 = arith.constant 0 : index
      %get3A_75 = arith.constant 0 : index
      %get3A_76 = vector.load %arg6[%get3A_73, %get3A_74, %get3A_75] : memref<2x8x128xf32, #tpu.memory_space<vmem>>, vector<1x8x128xf32>
      %get3A_77 = vector.shape_cast %get3A_76 : vector<1x8x128xf32> to vector<8x128xf32>
      %add3A_78 = arith.addf %get3A_77, %add3A_53 : vector<8x128xf32>
      %swap3A_79 = arith.constant 1 : index
      %swap3A_80 = arith.constant 0 : index
      %swap3A_81 = arith.constant 0 : index
      %swap3A_82 = vector.load %arg6[%swap3A_79, %swap3A_80, %swap3A_81] : memref<2x8x128xf32, #tpu.memory_space<vmem>>, vector<1x8x128xf32>
      %swap3A_83 = vector.shape_cast %swap3A_82 : vector<1x8x128xf32> to vector<8x128xf32>
      %swap3A_84 = vector.shape_cast %add3A_78 : vector<8x128xf32> to vector<1x8x128xf32>
      tpu.vector_store %arg6[%swap3A_79, %swap3A_80, %swap3A_81], %swap3A_84 {strides = array<i32>} : memref<2x8x128xf32, #tpu.memory_space<vmem>>, vector<1x8x128xf32>,
    } else {
    }
    return
  }
  func.func @transform_0(%arg0: i32) -> (i32, i32) {
    %c0_i32 = arith.constant 0 : i32
    %c0_i32_0 = arith.constant 0 : i32
    return %arg0, %c0_i32 : i32, i32
  }
  func.func @transform_1(%arg0: i32) -> (i32, i32, i32) {
    %c0_i32 = arith.constant 0 : i32
    %c0_i32_0 = arith.constant 0 : i32
    %c0_i32_1 = arith.constant 0 : i32
    %c0_i32_2 = arith.constant 0 : i32
    return %c0_i32, %c0_i32_0, %c0_i32_1 : i32, i32, i32
  }
  func.func @transform_2(%arg0: i32) -> (i32, i32) {
    %c0_i32 = arith.constant 0 : i32
    %c0_i32_0 = arith.constant 0 : i32
    %c0_i32_1 = arith.constant 0 : i32
    return %c0_i32, %c0_i32_0 : i32, i32
  }
  func.func @transform_3(%arg0: i32) -> (i32, i32) {
    %c0_i32 = arith.constant 0 : i32
    %c0_i32_0 = arith.constant 0 : i32
    %c0_i32_1 = arith.constant 0 : i32
    return %c0_i32, %c0_i32_0 : i32, i32
  }
  func.func @transform_4(%arg0: i32) -> (i32, i32, i32) {
    %c0_i32 = arith.constant 0 : i32
    %c0_i32_0 = arith.constant 0 : i32
    %c0_i32_1 = arith.constant 0 : i32
    return %arg0, %c0_i32, %c0_i32_0 : i32, i32, i32
  }
  func.func @transform_5(%arg0: i32) -> (i32, i32, i32) {
    %c0_i32 = arith.constant 0 : i32
    %c0_i32_0 = arith.constant 0 : i32
    %c0_i32_1 = arith.constant 0 : i32
    %c0_i32_2 = arith.constant 0 : i32
    return %c0_i32, %c0_i32_0, %c0_i32_1 : i32, i32, i32
  }
}

module attributes {stable_mosaic.version = 14 : i64} {
  func.func @body(%arg0: memref<2x8x128xf32, #tpu.memory_space<vmem>>, %arg1: memref<128x128xf32, #tpu.memory_space<vmem>>, %arg2: memref<8x128xf32, #tpu.memory_space<vmem>>, %arg3: memref<128x128xf32, #tpu.memory_space<vmem>>, %arg4: memref<8x128xf32, #tpu.memory_space<vmem>>, %arg5: memref<8x128xf32, #tpu.memory_space<vmem>>) attributes {dimension_semantics = [], scalar_prefetch = 0 : i64, scratch_operands = 0 : i64, tpu.core_type = #tpu.core_type<tc>} {
    %get3A = arith.constant 0 : index
    %get3A_0 = arith.constant 0 : index
    %get3A_1 = arith.constant 0 : index
    %get3A_2 = vector.load %arg0[%get3A, %get3A_0, %get3A_1] : memref<2x8x128xf32, #tpu.memory_space<vmem>>, vector<1x8x128xf32>
    %get3A_3 = vector.shape_cast %get3A_2 : vector<1x8x128xf32> to vector<8x128xf32>
    %get3A_4 = arith.constant 1 : index
    %get3A_5 = arith.constant 0 : index
    %get3A_6 = arith.constant 0 : index
    %get3A_7 = vector.load %arg0[%get3A_4, %get3A_5, %get3A_6] : memref<2x8x128xf32, #tpu.memory_space<vmem>>, vector<1x8x128xf32>
    %get3A_8 = vector.shape_cast %get3A_7 : vector<1x8x128xf32> to vector<8x128xf32>
    %max3A = arith.constant 1.000000e+00 : f32
    %max3A_9 = vector.broadcast %max3A : f32 to vector<8x128xf32>
    %max3A_10 = arith.maximumf %get3A_8, %max3A_9 : vector<8x128xf32>
    %div3A = arith.divf %get3A_3, %max3A_10 : vector<8x128xf32>
    %get3A_11 = arith.constant 0 : index
    %get3A_12 = arith.constant 0 : index
    %get3A_13 = vector.load %arg1[%get3A_11, %get3A_12] : memref<128x128xf32, #tpu.memory_space<vmem>>, vector<128x128xf32>
    %dot_general3A = arith.constant dense<0.000000e+00> : vector<8x128xf32>
    %dot_general3A_14 = tpu.matmul %div3A, %get3A_13, %dot_general3A {dimension_numbers = #tpu.dot_dimension_numbers<[1], [0], [0], [1], [0, 0, 1, 1], [], []>, transpose_lhs_hint = false} : vector<8x128xf32>, vector<128x128xf32>, vector<8x128xf32> -> vector<8x128xf32>
    %get3A_15 = arith.constant 0 : index
    %get3A_16 = arith.constant 0 : index
    %get3A_17 = vector.load %arg2[%get3A_15, %get3A_16] : memref<8x128xf32, #tpu.memory_space<vmem>>, vector<8x128xf32>
    %add3A = arith.addf %dot_general3A_14, %get3A_17 : vector<8x128xf32>
    %max3A_18 = arith.constant 0.000000e+00 : f32
    %max3A_19 = vector.broadcast %max3A_18 : f32 to vector<8x128xf32>
    %max3A_20 = arith.maximumf %add3A, %max3A_19 : vector<8x128xf32>
    %get3A_21 = arith.constant 0 : index
    %get3A_22 = arith.constant 0 : index
    %get3A_23 = vector.load %arg3[%get3A_21, %get3A_22] : memref<128x128xf32, #tpu.memory_space<vmem>>, vector<128x128xf32>
    %dot_general3A_24 = arith.constant dense<0.000000e+00> : vector<8x128xf32>
    %dot_general3A_25 = tpu.matmul %max3A_20, %get3A_23, %dot_general3A_24 {dimension_numbers = #tpu.dot_dimension_numbers<[1], [0], [0], [1], [0, 0, 1, 1], [], []>, transpose_lhs_hint = false} : vector<8x128xf32>, vector<128x128xf32>, vector<8x128xf32> -> vector<8x128xf32>
    %get3A_26 = arith.constant 0 : index
    %get3A_27 = arith.constant 0 : index
    %get3A_28 = vector.load %arg4[%get3A_26, %get3A_27] : memref<8x128xf32, #tpu.memory_space<vmem>>, vector<8x128xf32>
    %add3A_29 = arith.addf %dot_general3A_25, %get3A_28 : vector<8x128xf32>
    %logistic3A = arith.negf %add3A_29 : vector<8x128xf32>
    %logistic3A_30 = math.exp %logistic3A : vector<8x128xf32>
    %logistic3A_31 = arith.constant 1.000000e+00 : f32
    %logistic3A_32 = vector.broadcast %logistic3A_31 : f32 to vector<8x128xf32>
    %logistic3A_33 = arith.addf %logistic3A_32, %logistic3A_30 : vector<8x128xf32>
    %logistic3A_34 = arith.divf %logistic3A_32, %logistic3A_33 : vector<8x128xf32>
    %swap3A = arith.constant 0 : index
    %swap3A_35 = arith.constant 0 : index
    %swap3A_36 = vector.load %arg5[%swap3A, %swap3A_35] : memref<8x128xf32, #tpu.memory_space<vmem>>, vector<8x128xf32>
    tpu.vector_store %arg5[%swap3A, %swap3A_35], %logistic3A_34 {strides = array<i32>} : memref<8x128xf32, #tpu.memory_space<vmem>>, vector<8x128xf32>,
    return
  }
}

</mosaic_0001>

<sc_bundles>
// kernel: kernel.12.cloned.1.call-start
scs
__scs_entry_jumppad:
0x0: {  	(pc) =	sbr.rel $0x88, $3  }
0x1: {  	(tag) =	ssettag $0x0;
	lr =	simm.s32 $0x1  }
0x2: {  	[smem:$0x3F90] =	sst lr;
	_ =	strace $0xD0000000  }
0x3: {  	_ = 	snop  }
0x4: {  	_ = 	snop  }
0x5: {  	_ = 	snop  }
0x6: {  	_ = 	snop  }
0x7: {  	_ = 	snop  }
__scs_overlays_trampoline_lowered:
0x8: {  	[smem:$0x3F9F] =	sst s0  }
0x9: {  	[smem:$0x3FA0] =	sst s1  }
0xa: {  	[smem:$0x3FA1] =	sst s2  }
0xb: {  	[smem:$0x3FA2] =	sst s3  }
0xc: {  	[smem:$0x3FA3] =	sst s4  }
0xd: {  	[smem:$0x3FA4] =	sst s5  }
0xe: {  	[smem:$0x3FA5] =	sst s6  }
0xf: {  	[smem:$0x3FA6] =	sst s7  }
0x10: {  	[smem:$0x3FA7] =	sst s8  }
0x11: {  	[smem:$0x3FA8] =	sst s9;
	s0 =	simm.s32 @!p0 $0x0  }
0x12: {  	s1 =	sld [smem:$0x3F8E];
	s0 =	simm.s32 @p0 $0x1  }
0x13: {  	[smem:$0x3FA9] =	sst s0;
	s0 =	simm.s32 @!p1 $0x0  }
0x14: {  	s2 =	sld [smem:$0x3F8D];
	s0 =	simm.s32 @p1 $0x1  }
0x15: {  	[smem:$0x3FAA] =	sst s0;
	s0 =	simm.s32 @!p2 $0x0  }
0x16: {  	s3 =	sld [smem:$0x3FDB];
	s0 =	simm.s32 @p2 $0x1  }
0x17: {  	s4 =	simm.s32 $0x1BF5;
	[smem:$0x3FAC] =	sst s0  }
0x18: {  	s0 =	sld [smem:$0x3F8F];
	_ =	swait.ge [sflag:s4], $0x0  }
0x19: {  	s7 =	sld [smem:$0x3F90]  }
0x1a: {  	s8 =	sadd.s32 $0xFFFFE003, lr  }
0x1b: {  	s9 =	sadd.s32 $0xFFFFFEF7, lr;
	s5 =	simm.s32 $0xFFFFFFFF;
	p2 =	slt.u32 s8, $0xFFFFF086  }
0x1c: {  	p1 =	slt.u32 s9, $0xF7A;
	s5 =	simm.s32 @!p2 $0x0  }
0x1d: {  	s5 =	simm.s32 @p1 $0x1;
	p0 =	seq.s32 s7, s2  }
0x1e: {  	s7 =	smul.u32 @!p0 $0xF7A, s2;
	p2 =	seq.s32 @!p0 s5, $0x0  }
0x1f: {  	s9 =	smul.u32 $0xF7A, s1;
	s8 =	simm.s32 @!p0 $0x1BF5;
	p2 =	por !p2, p0  }
0x20: {  	[sflag:s8] =	ssyncset.s32 @!p0 $0xFFFFF086;
	s6 =	sadd.s32 @!p0 s3, s7;
	s7 =	simm.s32 @!p0 $0x108  }
0x21: {  	s3 =	sadd.s32 s3, s9;
	s6 =	sadd.s32 @!p0 $0x88, s6;
	s7 =	simm.s32 @p2 $0x1082  }
0x22: {  	[simem:s7], [sflag:s8] =	dma.local @!p0 [hbm:s6], $0xF7A  }
0x23: {  	s9 =	sor.u32 $0xD0000000, s2;
	s6 =	simm.s32 $0x108;
	_ =	swait.ge @!p0 [sflag:s8], $0x0  }
0x24: {  	s3 =	sadd.s32 $0x88, s3;
	s6 =	simm.s32 @!p1 $0x1082;
	[sflag:s4] =	ssyncset.s32 $0xFFFFF086  }
0x25: {  	[simem:s6], [sflag:s4] =	dma.local [hbm:s3], $0xF7A  }
0x26: {  	[smem:$0x3F90] =	sst s1;
	(tag) =	ssettag s2;
	_ =	strace s9  }
0x27: {  	s1 =	sld [smem:$0x3FA0]  }
0x28: {  	s2 =	sld [smem:$0x3FA1]  }
0x29: {  	s4 =	sld [smem:$0x3FA3]  }
0x2a: {  	p0 =	seq.s32 s5, $0x0;
	s5 =	sld [smem:$0x3FA4]  }
0x2b: {  	s6 =	sld [smem:$0x3FA5]  }
0x2c: {  	s7 =	sld [smem:$0x3FA6]  }
0x2d: {  	s3 =	simm.s32 $0x108;
	s8 =	sld [smem:$0x3FA7]  }
0x2e: {  	s3 =	simm.s32 @!p0 $0x1082;
	s9 =	sld [smem:$0x3FA8]  }
0x2f: {  	lr =	sadd.s32 s0, s3;
	s0 =	sld [smem:$0x3F9F]  }
0x30: {  	s3 =	sld [smem:$0x3FA2]  }
0x31: {  	[smem:$0x3FAB] =	sst s10  }
0x32: {  	s10 =	sld [smem:$0x3FA9];
	_ =	sdelay $0x3  }
0x33: {  	p0 =	seq.s32 s10, $0x1;
	s10 =	sld [smem:$0x3FAB];
	_ =	sdelay $0x3  }
0x34: {  	[smem:$0x3FAB] =	sst s10  }
0x35: {  	s10 =	sld [smem:$0x3FAA];
	_ =	sdelay $0x3  }
0x36: {  	p1 =	seq.s32 s10, $0x1;
	s10 =	sld [smem:$0x3FAB];
	_ =	sdelay $0x3  }
0x37: {  	[smem:$0x3FAB] =	sst s10  }
0x38: {  	s10 =	sld [smem:$0x3FAC]  }
0x39: {  	_ = 	snop;
	(pc) =	sbr.ind lr, $3  }
0x3a: {  	_ = 	snop  }
0x3b: {  	_ = 	snop  }
0x3c: {  	p2 =	seq.s32 s10, $0x1;
	s10 =	sld [smem:$0x3FAB]  }
0x3d: {  	_ =	shalt  }
0x3e: {  	_ =	shalt  }
0x3f: {  	_ =	shalt  }
0x40: {  	_ =	shalt  }
0x41: {  	_ =	shalt  }
0x42: {  	_ =	shalt  }
0x43: {  	_ =	shalt  }
0x44: {  	_ =	shalt  }
0x45: {  	_ =	shalt  }
0x46: {  	_ =	shalt  }
0x47: {  	_ =	shalt  }
0x48: {  	_ =	shalt  }
0x49: {  	_ =	shalt  }
0x4a: {  	_ =	shalt  }
0x4b: {  	_ =	shalt  }
0x4c: {  	_ =	shalt  }
0x4d: {  	_ =	shalt  }
0x4e: {  	_ =	shalt  }
0x4f: {  	_ =	shalt  }
0x50: {  	_ =	shalt  }
0x51: {  	_ =	shalt  }
0x52: {  	_ =	shalt  }
0x53: {  	_ =	shalt  }
0x54: {  	_ =	shalt  }
0x55: {  	_ =	shalt  }
0x56: {  	_ =	shalt  }
0x57: {  	_ =	shalt  }
0x58: {  	_ =	shalt  }
0x59: {  	_ =	shalt  }
0x5a: {  	_ =	shalt  }
0x5b: {  	_ =	shalt  }
0x5c: {  	_ =	shalt  }
0x5d: {  	_ =	shalt  }
0x5e: {  	_ =	shalt  }
0x5f: {  	_ =	shalt  }
0x60: {  	_ =	shalt  }
0x61: {  	_ =	shalt  }
0x62: {  	_ =	shalt  }
0x63: {  	_ =	shalt  }
0x64: {  	_ =	shalt  }
0x65: {  	_ =	shalt  }
0x66: {  	_ =	shalt  }
0x67: {  	_ =	shalt  }
0x68: {  	_ =	shalt  }
0x69: {  	_ =	shalt  }
0x6a: {  	_ =	shalt  }
0x6b: {  	_ =	shalt  }
0x6c: {  	_ =	shalt  }
0x6d: {  	_ =	shalt  }
0x6e: {  	_ =	shalt  }
0x6f: {  	_ =	shalt  }
0x70: {  	_ =	shalt  }
0x71: {  	_ =	shalt  }
0x72: {  	_ =	shalt  }
0x73: {  	_ =	shalt  }
0x74: {  	_ =	shalt  }
0x75: {  	_ =	shalt  }
0x76: {  	_ =	shalt  }
0x77: {  	_ =	shalt  }
0x78: {  	_ =	shalt  }
0x79: {  	_ =	shalt  }
0x7a: {  	_ =	shalt  }
0x7b: {  	_ =	shalt  }
0x7c: {  	_ =	shalt  }
0x7d: {  	_ =	shalt  }
0x7e: {  	_ =	shalt  }
0x7f: {  	_ =	shalt  }
0x80: {  	_ =	shalt  }
0x81: {  	_ =	shalt  }
0x82: {  	_ =	shalt  }
0x83: {  	_ =	shalt  }
0x84: {  	_ =	shalt  }
0x85: {  	_ =	shalt  }
0x86: {  	_ =	shalt  }
0x87: {  	_ =	shalt  }
.Lfunc_end0:
.L_simem_size_0:
called_computation_lowered:
.L_overlay_start_0:
0x88: {  	s2 =	sld [smem:$0x3FD9]  }
0x89: {  	s3 =	sld [smem:$0x3FFE];
	_ =	sdelay $0x1  }
0x8a: {  	s1 =	srdreg.scid  }
0x8b: {  	s0 =	sand.u32 $0x1, s1  }
0x8c: {  	s16 =	sshll.u32 s0, $0xA;
	s2 =	sadd.s32 s3, s2  }
0x8d: {  	s2 =	sadd.s32 s2, s16  }
0x8e: {  	[smem:$0x3FB7] =	sst s2  }
0x8f: {  	_ = 	snop  }
0x90: {  	(tm) =	ssettm $0x1  }
0x91: {  	s17 =	sld [smem:$0x3FFB];
	_ =	sdelay $0x3  }
0x92: {  	_ =	strace s17  }
0x93: {  	s2 =	sld [smem:$0x3FFC];
	_ =	sdelay $0x3  }
0x94: {  	_ =	strace s2  }
0x95: {  	s2 =	sld [smem:$0x3FFD];
	_ =	sdelay $0x3  }
0x96: {  	_ =	strace s2  }
0x97: {  	_ =	strace $0x8FFFFFFF  }
0x98: {  	s18 =	sld [smem:$0x3FDB];
	_ =	sdelay $0x1  }
0x99: {  	s19 =	simm.s32 $_scs_section_size  }
0x9a: {  	s4 =	simm.s32 $_size__tile_overlayer_lowered;
	s5 =	simm.s32 $_tile_overlayer_lowered  }
0x9b: {  	s22 =	simm.s32 $0x1BFF;
	s21 =	sshll.u32 s5, $0x1;
	s2 =	sadd.s32 s19, s18  }
0x9c: {  	s6 =	simm.s32 $0x0;
	s20 =	sshll.u32 s4, $0x1;
	s4 =	sadd.s32 s21, s2  }
0x9d: {  	[timem:s6], [sflag:s22] =	dma.local [hbm:s4], s20  }
0x9e: {  	_ =	swait.ge [sflag:s22], s20  }
0x9f: {  	s3 =	ssub.s32 $0x0, s20;
	[sflag:s22] =	ssyncset.done $0x0  }
0xa0: {  	[sflag:s22] =	ssyncadd.s32 s3;
	_ =	sdelay $0x1  }
0xa1: {  	s23 =	simm.s32 $0x1B8B  }
0xa2: {  	_ =	swait.ge [sflag:s23], $0x1  }
0xa3: {  	[sflag:s23] =	ssyncset.done $0x0  }
0xa4: {  	s25 =	simm.s32 $0x1B8E;
	s24 =	sld [smem:$0x3FFE];
	[sflag:s23] =	ssyncadd.s32 $0xFFFFFFFF  }
0xa5: {  	s26 =	simm.s32 $execute0_lowered;
	[smem:$0x3FD2] =	sst s25  }
0xa6: {  	s4 =	sshll.u32 s26, $0x1;
	_ =	strace $0x80000046;
	[dreg:$0x1] =	wrdreg $0xFFFFFFFF  }
0xa7: {  	s28 =	simm.s32 $_size_execute0_lowered;
	s2 =	sadd.s32 s2, s4;
	[dreg:$0x0] =	wrdreg $0x0  }
0xa8: {  	s4 =	sshll.u32 s28, $0x1;
	[dreg:$0x2] =	wrdreg s2  }
0xa9: {  	[dreg:$0x3] =	wrdreg s4  }
0xaa: {  	[dreg:$0x4] =	wrdreg $0xC0  }
0xab: {  	_ =	task [dreg:s6], $0x5FFFF  }
0xac: {  	[dreg:$0x1] =	wrdreg $0xFFFFFFFF  }
0xad: {  	[dreg:$0x0] =	wrdreg $0x60  }
0xae: {  	[dreg:$0x2] =	wrdreg s24  }
0xaf: {  	[dreg:$0x3] =	wrdreg $0x40000  }
0xb0: {  	[dreg:$0x4] =	wrdreg $0x9  }
0xb1: {  	_ =	task.clear_ibuf [dreg:s6], $0x5FFFF;
	_ =	strace $0x90000046  }
0xb2: {  	s29 =	simm.s32 $0x9;
	_ =	strace $0x80000048  }
0xb3: {  	_ =	swait.ge [sflag:s29], $0x1  }
0xb4: {  	[sflag:s29] =	ssyncadd.s32 $0xFFFFFFFF  }
0xb5: {  	_ =	strace $0x90000048  }
0xb6: {  	_ =	sfence  }
0xb7: {  	s30 =	sld [smem:$0x0];
	_ =	sdelay $0x2  }
0xb8: {  	s31 =	sshll.u32 s1, $0xD;
	s1 =	sshrl.u32 s1, $0x2  }
0xb9: {  	s3 =	sand.u32 $0x4000, s31;
	s1 =	sadd.s32 s1, s30  }
0xba: {  	s0 =	sor.u32 s3, s0;
	s1 =	sshll.u32 s1, $0x11  }
0xbb: {  	s0 =	sor.u32 s1, s0  }
0xbc: {  	s0 =	sadd.s32 $0x8F2B, s0  }
0xbd: {  	[sflag:s0] =	ssyncadd.remote.s32 $0x1  }
0xbe: {  	_ =	sfence.sel $0xFFFF  }
0xbf: {  	[dreg:$0x0] =	wrdreg $0xFFFFFFFF;
	(pc) =	sbr.abs _section_cstart, $3  }
0xc0: {  	[dreg:$0x1] =	wrdreg $0xFFFFFFFF  }
0xc1: {  	_ =	task.clear_ibuf [dreg:s6], $0x2FFFF;
	_ =	strace $0x9FFFFFFF  }
0xc2: {  	(tm) =	ssettm $0x7FFFFFFF  }
0xc3: {  	_ =	shalt  }
tec
execute0_lowered:
.L_overlay_start_1:
0x0: {  	(tag) =	ssettag $0x1  }
0x1: {  	s0 =	srdreg.scid;
	s6 =	rddreg [dreg:$0x0]  }
0x2: {  	s2 =	rddreg [dreg:$0x1];
	s3 =	simm.s32 $0x0;
	s12 =	simm.s32 $0x2C00  }
0x3: {  	s13 =	simm.s32 $0x80;
	s4 =	sand.u32 $0x1, s0;
	s0 =	stileid.u32  }
0x4: {  	s16 =	simm.s32 $0x0;
	[smem:$0x7FF] =	sst s3;
	s7 =	smul.u32 $0x1400, s0  }
0x5: {  	s1 =	sshll.u32 s4, $0x4;
	s8 =	smul.u32 $0x14000, s4;
	s31 =	ssub.s32 $0x2, s4  }
0x6: {  	s4 =	sadd.s32 $0xCA00, s6;
	s14 =	sshll.u32 s0, $0x6;
	s1 =	sor.u32 s0, s1  }
0x7: {  	s11 =	sshrl.u32 s31, $0x1;
	s14 =	sor.u32 $0x1C01, s14;
	s5 =	smul.u32 $0x500, s1  }
0x8: {  	s1 =	rddreg [dreg:$0x2];
	_ =	strace $0x80000047;
	s30 =	sadd.s32 s7, s8  }
0x9: {  	s11 =	ssub.s32 s31, s11;
	s7 =	sadd.s32 s7, s2;
	s10 =	sshrl.u32 s30, $0x3  }
0xa: {  	s15 =	sshrl.u32 s7, $0x3;
	s9 =	sadd.s32 s5, s6;
	s10 =	sadd.s32 s10, s6  }
0xb: {  	s5 =	sadd.s32 $0xC600, s6;
	s6 =	sadd.s32 $0x2600, s9;
	s8 =	sadd.s32 $0xCC00, s10  }
0xc: {  	s9 =	smax.u32 s11, $0x1;
	s10 =	simm.s32 $0x1;
	s11 =	simm.s32 $0x2800  }
.LBB2_1:
0xd: {  	[tilespmem:s3], [sflag:$0x1] =	stream.linear.gather [hbm4b:s6+s3], $0x2800, $0x38;
	[tilespmem:$0x5400] =	vst v63  }
0xe: {  	_ =	swait.ge [sflag:s10], $0x2800  }
0xf: {  	[sflag:s10] =	ssyncset.done $0x0  }
0x10: {  	[sflag:s10] =	ssyncadd.s32 $0xFFFFD800  }
0x11: {  	[tilespmem:s11], [sflag:$0x1] =	stream.linear.gather [hbm4b:s4+s3], $0x400, $0x38;
	[tilespmem:$0x5400] =	vst v63  }
0x12: {  	_ =	swait.ge [sflag:s10], $0x400  }
0x13: {  	[sflag:s10] =	ssyncset.done $0x0  }
0x14: {  	[sflag:s10] =	ssyncadd.s32 $0xFFFFFC00  }
0x15: {  	[tilespmem:s12], [sflag:$0x1] =	stream.linear.gather [hbm4b:s5+s3], $0x1400, $0x38;
	[tilespmem:$0x5400] =	vst v63  }
0x16: {  	_ =	swait.ge [sflag:s10], $0x1400  }
0x17: {  	[sflag:s10] =	ssyncset.done $0x0  }
0x18: {  	[sflag:s10] =	ssyncadd.s32 $0xFFFFEC00  }
0x19: {  	[spmem:s7] =	stream.linear.scatter [tilespmem:s12], [sflag:$0x1], $0x1400, $0x38;
	[tilespmem:$0x5400] =	vst v63  }
0x1a: {  	_ =	swait.ge [sflag:s10], $0x1400  }
0x1b: {  	[sflag:s10] =	ssyncset.done $0x0  }
0x1c: {  	[sflag:s10] =	ssyncadd.s32 $0xFFFFEC00  }
0x1d: {  	s17 =	simm.s32 $0x0;
	[bflag:$0x0] =	sbarrier.arrive $0xFFFF  }
0x1e: {  	[spmem:s2] =	stream.indirect.scatter.add.f32 [tilespmem:s11], [sflag:$0x1], $0x8, s17, s13, $0xb8;
	[tilespmem:$0x5400] =	vst v63  }
0x1f: {  	_ =	swait.ge [sflag:s10], $0x400  }
0x20: {  	s17 =	simm.s32 $0x200;
	[sflag:s10] =	ssyncset.done $0x0  }
.LBB2_2:
0x21: {  	s18 =	sshra.s32 s17, $0x2;
	[sflag:s10] =	ssyncadd.s32 $0xFFFFFC00;
	p0 =	sne.s32 s17, $0x9E00  }
0x22: {  	[spmem:s2] =	stream.indirect.scatter.add.f32 [tilespmem:s11], [sflag:$0x1], $0x8, s18, s13, $0xb8;
	[tilespmem:$0x5400] =	vst v63  }
.Ltmp0:
0x23: {  	_ = 	snop;
	(pc) =	sbr.rel @p0 .LBB2_2-.Ltmp0, $4  }
0x24: {  	_ = 	snop  }
0x25: {  	s17 =	sadd.s32 $0x200, s17  }
0x26: {  	_ =	swait.ge [sflag:s10], $0x400  }
0x27: {  	[sflag:s10] =	ssyncset.done $0x0  }
0x28: {  	s16 =	sadd.s32 $0x1, s16  }
0x29: {  	[sflag:s10] =	ssyncadd.s32 $0xFFFFFC00;
	p0 =	sne.s32 s16, s9  }
.Ltmp1:
0x2a: {  	[bflag:$0x0] =	sbarrier.arrive $0xFFFF;
	(pc) =	sbr.rel @p0 .LBB2_1-.Ltmp1, $4  }
0x2b: {  	[hbm:s8], [sflag:s14] =	dma.local [spmem:s15], $0x280  }
0x2c: {  	_ =	swait.ge [sflag:s10], $0x280  }
0x2d: {  	[sflag:s10] =	ssyncset.done $0x0  }
0x2e: {  	[sflag:s10] =	ssyncadd.s32 $0xFFFFFD80  }
0x2f: {  	_ =	sfence.sel $0x180000  }
0x30: {  	[bflag:$0x0] =	sbarrier.arrive $0xFFFF  }
0x31: {  	p0 =	sne.s32 s0, $0x0;
	_ =	strace $0x90000047  }
0x32: {  	s0 =	sadd.s32 @!p0 $0x100000, s1;
	[bflag:$0x2] =	sbarrier.arrive $0xFFFF  }
0x33: {  	[sflag:s0] =	ssyncadd.tile.s32 @!p0 $0x1;
	_ =	shalt  }
.Lfunc_end2:
_tile_overlayer_lowered:
.L_overlay_start_2:
0x34: {  	(tag) =	ssettag $0x2  }
0x35: {  	s0 =	rddreg [dreg:$0x0];
	s2 =	stileid.u32  }
0x36: {  	s1 =	rddreg [dreg:$0x1];
	p0 =	sne.s32 s2, $0x0  }
0x37: {  	s3 =	rddreg [dreg:$0x2];
	[bflag:$0x3] =	sbarrier.arrive $0xFFFF;
	s2 =	simm.s32 @!p0 $0x1C01  }
0x38: {  	[timem:s3], [sflag:s2] =	dma.local @!p0 [hbm:s0], s1  }
0x39: {  	s0 =	simm.s32 @!p0 $0x1  }
0x3a: {  	_ =	swait.ge @!p0 [sflag:s0], s1  }
0x3b: {  	s1 =	ssub.s32 @!p0 $0x0, s1;
	[sflag:s0] =	ssyncset.done @!p0 $0x0  }
0x3c: {  	[sflag:s0] =	ssyncadd.s32 @!p0 s1  }
0x3d: {  	[bflag:$0x3] =	sbarrier.arrive $0xFFFF  }
0x3e: {  	_ =	shalt  }

// kernel: kernel.15.cloned.1.call-start
scs
__scs_entry_jumppad:
0x0: {  	(pc) =	sbr.rel $0x88, $3  }
0x1: {  	(tag) =	ssettag $0x0;
	lr =	simm.s32 $0x1  }
0x2: {  	[smem:$0x3F90] =	sst lr;
	_ =	strace $0xD0000000  }
0x3: {  	_ = 	snop  }
0x4: {  	_ = 	snop  }
0x5: {  	_ = 	snop  }
0x6: {  	_ = 	snop  }
0x7: {  	_ = 	snop  }
__scs_overlays_trampoline_lowered:
0x8: {  	[smem:$0x3F9F] =	sst s0  }
0x9: {  	[smem:$0x3FA0] =	sst s1  }
0xa: {  	[smem:$0x3FA1] =	sst s2  }
0xb: {  	[smem:$0x3FA2] =	sst s3  }
0xc: {  	[smem:$0x3FA3] =	sst s4  }
0xd: {  	[smem:$0x3FA4] =	sst s5  }
0xe: {  	[smem:$0x3FA5] =	sst s6  }
0xf: {  	[smem:$0x3FA6] =	sst s7  }
0x10: {  	[smem:$0x3FA7] =	sst s8  }
0x11: {  	[smem:$0x3FA8] =	sst s9;
	s0 =	simm.s32 @!p0 $0x0  }
0x12: {  	s1 =	sld [smem:$0x3F8E];
	s0 =	simm.s32 @p0 $0x1  }
0x13: {  	[smem:$0x3FA9] =	sst s0;
	s0 =	simm.s32 @!p1 $0x0  }
0x14: {  	s2 =	sld [smem:$0x3F8D];
	s0 =	simm.s32 @p1 $0x1  }
0x15: {  	[smem:$0x3FAA] =	sst s0;
	s0 =	simm.s32 @!p2 $0x0  }
0x16: {  	s3 =	sld [smem:$0x3FDB];
	s0 =	simm.s32 @p2 $0x1  }
0x17: {  	s4 =	simm.s32 $0x1BF5;
	[smem:$0x3FAC] =	sst s0  }
0x18: {  	s0 =	sld [smem:$0x3F8F];
	_ =	swait.ge [sflag:s4], $0x0  }
0x19: {  	s7 =	sld [smem:$0x3F90]  }
0x1a: {  	s8 =	sadd.s32 $0xFFFFE003, lr  }
0x1b: {  	s9 =	sadd.s32 $0xFFFFFEF7, lr;
	s5 =	simm.s32 $0xFFFFFFFF;
	p2 =	slt.u32 s8, $0xFFFFF086  }
0x1c: {  	p1 =	slt.u32 s9, $0xF7A;
	s5 =	simm.s32 @!p2 $0x0  }
0x1d: {  	s5 =	simm.s32 @p1 $0x1;
	p0 =	seq.s32 s7, s2  }
0x1e: {  	s7 =	smul.u32 @!p0 $0xF7A, s2;
	p2 =	seq.s32 @!p0 s5, $0x0  }
0x1f: {  	s9 =	smul.u32 $0xF7A, s1;
	s8 =	simm.s32 @!p0 $0x1BF5;
	p2 =	por !p2, p0  }
0x20: {  	[sflag:s8] =	ssyncset.s32 @!p0 $0xFFFFF086;
	s6 =	sadd.s32 @!p0 s3, s7;
	s7 =	simm.s32 @!p0 $0x108  }
0x21: {  	s3 =	sadd.s32 s3, s9;
	s6 =	sadd.s32 @!p0 $0x88, s6;
	s7 =	simm.s32 @p2 $0x1082  }
0x22: {  	[simem:s7], [sflag:s8] =	dma.local @!p0 [hbm:s6], $0xF7A  }
0x23: {  	s9 =	sor.u32 $0xD0000000, s2;
	s6 =	simm.s32 $0x108;
	_ =	swait.ge @!p0 [sflag:s8], $0x0  }
0x24: {  	s3 =	sadd.s32 $0x88, s3;
	s6 =	simm.s32 @!p1 $0x1082;
	[sflag:s4] =	ssyncset.s32 $0xFFFFF086  }
0x25: {  	[simem:s6], [sflag:s4] =	dma.local [hbm:s3], $0xF7A  }
0x26: {  	[smem:$0x3F90] =	sst s1;
	(tag) =	ssettag s2;
	_ =	strace s9  }
0x27: {  	s1 =	sld [smem:$0x3FA0]  }
0x28: {  	s2 =	sld [smem:$0x3FA1]  }
0x29: {  	s4 =	sld [smem:$0x3FA3]  }
0x2a: {  	p0 =	seq.s32 s5, $0x0;
	s5 =	sld [smem:$0x3FA4]  }
0x2b: {  	s6 =	sld [smem:$0x3FA5]  }
0x2c: {  	s7 =	sld [smem:$0x3FA6]  }
0x2d: {  	s3 =	simm.s32 $0x108;
	s8 =	sld [smem:$0x3FA7]  }
0x2e: {  	s3 =	simm.s32 @!p0 $0x1082;
	s9 =	sld [smem:$0x3FA8]  }
0x2f: {  	lr =	sadd.s32 s0, s3;
	s0 =	sld [smem:$0x3F9F]  }
0x30: {  	s3 =	sld [smem:$0x3FA2]  }
0x31: {  	[smem:$0x3FAB] =	sst s10  }
0x32: {  	s10 =	sld [smem:$0x3FA9];
	_ =	sdelay $0x3  }
0x33: {  	p0 =	seq.s32 s10, $0x1;
	s10 =	sld [smem:$0x3FAB];
	_ =	sdelay $0x3  }
0x34: {  	[smem:$0x3FAB] =	sst s10  }
0x35: {  	s10 =	sld [smem:$0x3FAA];
	_ =	sdelay $0x3  }
0x36: {  	p1 =	seq.s32 s10, $0x1;
	s10 =	sld [smem:$0x3FAB];
	_ =	sdelay $0x3  }
0x37: {  	[smem:$0x3FAB] =	sst s10  }
0x38: {  	s10 =	sld [smem:$0x3FAC]  }
0x39: {  	_ = 	snop;
	(pc) =	sbr.ind lr, $3  }
0x3a: {  	_ = 	snop  }
0x3b: {  	_ = 	snop  }
0x3c: {  	p2 =	seq.s32 s10, $0x1;
	s10 =	sld [smem:$0x3FAB]  }
0x3d: {  	_ =	shalt  }
0x3e: {  	_ =	shalt  }
0x3f: {  	_ =	shalt  }
0x40: {  	_ =	shalt  }
0x41: {  	_ =	shalt  }
0x42: {  	_ =	shalt  }
0x43: {  	_ =	shalt  }
0x44: {  	_ =	shalt  }
0x45: {  	_ =	shalt  }
0x46: {  	_ =	shalt  }
0x47: {  	_ =	shalt  }
0x48: {  	_ =	shalt  }
0x49: {  	_ =	shalt  }
0x4a: {  	_ =	shalt  }
0x4b: {  	_ =	shalt  }
0x4c: {  	_ =	shalt  }
0x4d: {  	_ =	shalt  }
0x4e: {  	_ =	shalt  }
0x4f: {  	_ =	shalt  }
0x50: {  	_ =	shalt  }
0x51: {  	_ =	shalt  }
0x52: {  	_ =	shalt  }
0x53: {  	_ =	shalt  }
0x54: {  	_ =	shalt  }
0x55: {  	_ =	shalt  }
0x56: {  	_ =	shalt  }
0x57: {  	_ =	shalt  }
0x58: {  	_ =	shalt  }
0x59: {  	_ =	shalt  }
0x5a: {  	_ =	shalt  }
0x5b: {  	_ =	shalt  }
0x5c: {  	_ =	shalt  }
0x5d: {  	_ =	shalt  }
0x5e: {  	_ =	shalt  }
0x5f: {  	_ =	shalt  }
0x60: {  	_ =	shalt  }
0x61: {  	_ =	shalt  }
0x62: {  	_ =	shalt  }
0x63: {  	_ =	shalt  }
0x64: {  	_ =	shalt  }
0x65: {  	_ =	shalt  }
0x66: {  	_ =	shalt  }
0x67: {  	_ =	shalt  }
0x68: {  	_ =	shalt  }
0x69: {  	_ =	shalt  }
0x6a: {  	_ =	shalt  }
0x6b: {  	_ =	shalt  }
0x6c: {  	_ =	shalt  }
0x6d: {  	_ =	shalt  }
0x6e: {  	_ =	shalt  }
0x6f: {  	_ =	shalt  }
0x70: {  	_ =	shalt  }
0x71: {  	_ =	shalt  }
0x72: {  	_ =	shalt  }
0x73: {  	_ =	shalt  }
0x74: {  	_ =	shalt  }
0x75: {  	_ =	shalt  }
0x76: {  	_ =	shalt  }
0x77: {  	_ =	shalt  }
0x78: {  	_ =	shalt  }
0x79: {  	_ =	shalt  }
0x7a: {  	_ =	shalt  }
0x7b: {  	_ =	shalt  }
0x7c: {  	_ =	shalt  }
0x7d: {  	_ =	shalt  }
0x7e: {  	_ =	shalt  }
0x7f: {  	_ =	shalt  }
0x80: {  	_ =	shalt  }
0x81: {  	_ =	shalt  }
0x82: {  	_ =	shalt  }
0x83: {  	_ =	shalt  }
0x84: {  	_ =	shalt  }
0x85: {  	_ =	shalt  }
0x86: {  	_ =	shalt  }
0x87: {  	_ =	shalt  }
.Lfunc_end0:
.L_simem_size_0:
called_computation.1_lowered:
.L_overlay_start_0:
0x88: {  	s2 =	sld [smem:$0x3FD9]  }
0x89: {  	s3 =	sld [smem:$0x3FFE];
	_ =	sdelay $0x1  }
0x8a: {  	s1 =	srdreg.scid  }
0x8b: {  	s0 =	sand.u32 $0x1, s1  }
0x8c: {  	s16 =	sshll.u32 s0, $0xA;
	s2 =	sadd.s32 s3, s2  }
0x8d: {  	s2 =	sadd.s32 s2, s16  }
0x8e: {  	[smem:$0x3FB7] =	sst s2  }
0x8f: {  	_ = 	snop  }
0x90: {  	(tm) =	ssettm $0x1  }
0x91: {  	s17 =	sld [smem:$0x3FFB];
	_ =	sdelay $0x3  }
0x92: {  	_ =	strace s17  }
0x93: {  	s2 =	sld [smem:$0x3FFC];
	_ =	sdelay $0x3  }
0x94: {  	_ =	strace s2  }
0x95: {  	s2 =	sld [smem:$0x3FFD];
	_ =	sdelay $0x3  }
0x96: {  	_ =	strace s2  }
0x97: {  	_ =	strace $0x8FFFFFFF  }
0x98: {  	s18 =	sld [smem:$0x3FDB];
	_ =	sdelay $0x1  }
0x99: {  	s19 =	simm.s32 $_scs_section_size  }
0x9a: {  	s4 =	simm.s32 $_size__tile_overlayer_lowered;
	s5 =	simm.s32 $_tile_overlayer_lowered  }
0x9b: {  	s22 =	simm.s32 $0x1BFF;
	s21 =	sshll.u32 s5, $0x1;
	s2 =	sadd.s32 s19, s18  }
0x9c: {  	s6 =	simm.s32 $0x0;
	s20 =	sshll.u32 s4, $0x1;
	s4 =	sadd.s32 s21, s2  }
0x9d: {  	[timem:s6], [sflag:s22] =	dma.local [hbm:s4], s20  }
0x9e: {  	_ =	swait.ge [sflag:s22], s20  }
0x9f: {  	s3 =	ssub.s32 $0x0, s20;
	[sflag:s22] =	ssyncset.done $0x0  }
0xa0: {  	[sflag:s22] =	ssyncadd.s32 s3;
	_ =	sdelay $0x1  }
0xa1: {  	s23 =	simm.s32 $0x1B8B  }
0xa2: {  	_ =	swait.ge [sflag:s23], $0x1  }
0xa3: {  	[sflag:s23] =	ssyncset.done $0x0  }
0xa4: {  	s25 =	simm.s32 $0x1B8E;
	s24 =	sld [smem:$0x3FFE];
	[sflag:s23] =	ssyncadd.s32 $0xFFFFFFFF  }
0xa5: {  	s26 =	simm.s32 $execute0_lowered;
	[smem:$0x3FD2] =	sst s25  }
0xa6: {  	s4 =	sshll.u32 s26, $0x1;
	_ =	strace $0x80000049;
	[dreg:$0x1] =	wrdreg $0xFFFFFFFF  }
0xa7: {  	s28 =	simm.s32 $_size_execute0_lowered;
	s2 =	sadd.s32 s2, s4;
	[dreg:$0x0] =	wrdreg $0x0  }
0xa8: {  	s4 =	sshll.u32 s28, $0x1;
	[dreg:$0x2] =	wrdreg s2  }
0xa9: {  	[dreg:$0x3] =	wrdreg s4  }
0xaa: {  	[dreg:$0x4] =	wrdreg $0xC0  }
0xab: {  	_ =	task [dreg:s6], $0x5FFFF  }
0xac: {  	[dreg:$0x1] =	wrdreg $0xFFFFFFFF  }
0xad: {  	[dreg:$0x0] =	wrdreg $0x60  }
0xae: {  	[dreg:$0x2] =	wrdreg s24  }
0xaf: {  	[dreg:$0x3] =	wrdreg $0x150000  }
0xb0: {  	[dreg:$0x4] =	wrdreg $0x9  }
0xb1: {  	_ =	task.clear_ibuf [dreg:s6], $0x5FFFF;
	_ =	strace $0x90000049  }
0xb2: {  	s29 =	simm.s32 $0x9;
	_ =	strace $0x8000004B  }
0xb3: {  	_ =	swait.ge [sflag:s29], $0x1  }
0xb4: {  	[sflag:s29] =	ssyncadd.s32 $0xFFFFFFFF  }
0xb5: {  	_ =	strace $0x9000004B  }
0xb6: {  	_ =	sfence  }
0xb7: {  	s30 =	sld [smem:$0x0];
	_ =	sdelay $0x2  }
0xb8: {  	s31 =	sshll.u32 s1, $0xD;
	s1 =	sshrl.u32 s1, $0x2  }
0xb9: {  	s3 =	sand.u32 $0x4000, s31;
	s1 =	sadd.s32 s1, s30  }
0xba: {  	s0 =	sor.u32 s3, s0;
	s1 =	sshll.u32 s1, $0x11  }
0xbb: {  	s0 =	sor.u32 s1, s0  }
0xbc: {  	s0 =	sadd.s32 $0x8F2B, s0  }
0xbd: {  	[sflag:s0] =	ssyncadd.remote.s32 $0x1  }
0xbe: {  	_ =	sfence.sel $0xFFFF  }
0xbf: {  	[dreg:$0x0] =	wrdreg $0xFFFFFFFF;
	(pc) =	sbr.abs _section_cstart, $3  }
0xc0: {  	[dreg:$0x1] =	wrdreg $0xFFFFFFFF  }
0xc1: {  	_ =	task.clear_ibuf [dreg:s6], $0x2FFFF;
	_ =	strace $0x9FFFFFFF  }
0xc2: {  	(tm) =	ssettm $0x7FFFFFFF  }
0xc3: {  	_ =	shalt  }
tec
execute0_lowered:
.L_overlay_start_1:
0x0: {  	(tag) =	ssettag $0x1  }
0x1: {  	s0 =	rddreg [dreg:$0x0]  }
0x2: {  	s2 =	rddreg [dreg:$0x1]  }
0x3: {  	s1 =	srdreg.scid;
	s11 =	stileid.u32  }
0x4: {  	s3 =	simm.s32 $0x0;
	s14 =	simm.s32 $0x1;
	s15 =	simm.s32 $0x80  }
0x5: {  	s16 =	simm.s32 $0x5000;
	s17 =	simm.s32 $0x7000;
	s19 =	simm.s32 $0x9000  }
0x6: {  	s21 =	simm.s32 $0xB000;
	s23 =	simm.s32 $0xD000;
	s25 =	simm.s32 $0xF000  }
0x7: {  	s28 =	simm.s32 $0x11000;
	s30 =	simm.s32 $0x13000;
	s31 =	simm.s32 $0x3  }
0x8: {  	s20 =	simm.s32 $0x4F80;
	s22 =	simm.s32 $0x6;
	s24 =	simm.s32 $0x0  }
0x9: {  	s1 =	sand.u32 $0x1, s1;
	s6 =	smul.u32 $0xA000, s11;
	[smem:$0x7FF] =	sst s3  }
0xa: {  	s9 =	sadd.s32 $0x6BC00, s0;
	s4 =	sshll.u32 s1, $0x4;
	s8 =	smul.u32 $0xA0000, s1  }
0xb: {  	_ =	strace $0x8000004A;
	s1 =	ssub.s32 $0x2, s1;
	s4 =	sor.u32 s11, s4  }
0xc: {  	s26 =	sshrl.u32 s1, $0x1;
	s12 =	sadd.s32 s6, s2;
	s4 =	smul.u32 $0x500, s4  }
0xd: {  	s5 =	sadd.s32 s6, s8;
	s1 =	ssub.s32 s1, s26;
	s29 =	sshrl.u32 s8, $0x3  }
0xe: {  	s13 =	sshrl.u32 s12, $0x3;
	s12 =	simm.s32 $0x5;
	s7 =	sshrl.u32 s5, $0x3  }
0xf: {  	s10 =	sadd.s32 s4, s0;
	s0 =	sadd.s32 s7, s0;
	s6 =	sadd.s32 s9, s7  }
0x10: {  	s7 =	sshll.u32 s11, $0x6;
	s9 =	sadd.s32 s9, s29;
	s11 =	smax.u32 s1, $0x1  }
0x11: {  	s1 =	simm.s32 $0x4;
	s4 =	sadd.s32 $0x11C00, s10;
	s5 =	sadd.s32 $0x2600, s10  }
0x12: {  	s8 =	sor.u32 $0x1C03, s7;
	s10 =	sadd.s32 $0x93C00, s0;
	s0 =	simm.s32 $0x2  }
.LBB2_1:
0x13: {  	[tilespmem:s3], [sflag:$0x1] =	stream.linear.gather [hbm4b:s4+s3], $0x2800, $0x38;
	[tilespmem:$0x1F000] =	vst v63  }
0x14: {  	s18 =	simm.s32 $0x2800  }
0x15: {  	[tilespmem:s18], [sflag:$0x3] =	stream.linear.gather [hbm4b:s5+s3], $0x2800, $0x38;
	[tilespmem:$0x1F000] =	vst v63  }
0x16: {  	[spmem:s13], [sflag:s8] =	dma.local [hbm:s6], $0x1400  }
0x17: {  	_ =	swait.ge [sflag:s14], $0x2800  }
0x18: {  	[sflag:s14] =	ssyncset.done $0x0  }
0x19: {  	[sflag:s14] =	ssyncadd.s32 $0xFFFFD800  }
0x1a: {  	[tilespmem:s16], [sflag:$0x1] =	stream.indirect.gather [hbm4b:s9+s15], $0x40, s3, s15, $0xb8;
	[tilespmem:$0x1F000] =	vst v63  }
0x1b: {  	_ = 	snop  }
0x1c: {  	[tilespmem:s17], [sflag:$0x1] =	stream.indirect.gather [hbm4b:s9+s15], $0x40, s15, s15, $0xb8;
	[tilespmem:$0x1F000] =	vst v63  }
0x1d: {  	s26 =	simm.s32 $0x100  }
0x1e: {  	[tilespmem:s19], [sflag:$0x1] =	stream.indirect.gather [hbm4b:s9+s15], $0x40, s26, s15, $0xb8;
	[tilespmem:$0x1F000] =	vst v63  }
0x1f: {  	s26 =	simm.s32 $0x180  }
0x20: {  	[tilespmem:s21], [sflag:$0x1] =	stream.indirect.gather [hbm4b:s9+s15], $0x40, s26, s15, $0xb8;
	[tilespmem:$0x1F000] =	vst v63  }
0x21: {  	s26 =	simm.s32 $0x200  }
0x22: {  	[tilespmem:s23], [sflag:$0x2] =	stream.indirect.gather [hbm4b:s9+s15], $0x40, s26, s15, $0xb8;
	[tilespmem:$0x1F000] =	vst v63  }
0x23: {  	s26 =	simm.s32 $0x280  }
0x24: {  	[tilespmem:s25], [sflag:$0x2] =	stream.indirect.gather [hbm4b:s9+s15], $0x40, s26, s15, $0xb8;
	[tilespmem:$0x1F000] =	vst v63  }
0x25: {  	s26 =	simm.s32 $0x300  }
0x26: {  	[tilespmem:s28], [sflag:$0x2] =	stream.indirect.gather [hbm4b:s9+s15], $0x40, s26, s15, $0xb8;
	[tilespmem:$0x1F000] =	vst v63  }
0x27: {  	s26 =	simm.s32 $0x380  }
0x28: {  	[tilespmem:s30], [sflag:$0x2] =	stream.indirect.gather [hbm4b:s9+s15], $0x40, s26, s15, $0xb8;
	[tilespmem:$0x1F000] =	vst v63  }
0x29: {  	_ =	swait.ge [sflag:s31], $0x2800  }
0x2a: {  	[sflag:s31] =	ssyncset.done $0x0  }
0x2b: {  	[sflag:s31] =	ssyncadd.s32 $0xFFFFD800  }
0x2c: {  	_ =	swait.ge [sflag:s31], $0x1400  }
0x2d: {  	[sflag:s31] =	ssyncset.done $0x0  }
0x2e: {  	[sflag:s31] =	ssyncadd.s32 $0xFFFFEC00  }
0x2f: {  	[bflag:$0x0] =	sbarrier.arrive $0xFFFF  }
0x30: {  	_ =	swait.ge [sflag:s14], $0x2000  }
0x31: {  	[sflag:s14] =	ssyncset.done $0x0  }
0x32: {  	[sflag:s14] =	ssyncadd.s32 $0xFFFFE000  }
0x33: {  	_ =	swait.ge [sflag:s14], $0x2000  }
0x34: {  	[sflag:s14] =	ssyncset.done $0x0  }
0x35: {  	[sflag:s14] =	ssyncadd.s32 $0xFFFFE000  }
0x36: {  	_ =	swait.ge [sflag:s14], $0x2000  }
0x37: {  	[sflag:s14] =	ssyncset.done $0x0  }
0x38: {  	[sflag:s14] =	ssyncadd.s32 $0xFFFFE000  }
0x39: {  	_ =	swait.ge [sflag:s14], $0x2000  }
0x3a: {  	[sflag:s14] =	ssyncset.done $0x0  }
0x3b: {  	s26 =	simm.s32 $0x2800;
	[sflag:s14] =	ssyncadd.s32 $0xFFFFE000  }
0x3c: {  	[spmem:s2] =	stream.indirect.scatter.add.f32 [tilespmem:s16], [sflag:$0x4], $0x40, s26, s15, $0xb8;
	[tilespmem:$0x1F000] =	vst v63  }
0x3d: {  	s18 =	simm.s32 $0x2880  }
0x3e: {  	[spmem:s2] =	stream.indirect.scatter.add.f32 [tilespmem:s17], [sflag:$0x4], $0x40, s18, s15, $0xb8;
	[tilespmem:$0x1F000] =	vst v63  }
0x3f: {  	s18 =	simm.s32 $0x2900  }
0x40: {  	[spmem:s2] =	stream.indirect.scatter.add.f32 [tilespmem:s19], [sflag:$0x4], $0x40, s18, s15, $0xb8;
	[tilespmem:$0x1F000] =	vst v63  }
0x41: {  	s18 =	simm.s32 $0x2980  }
0x42: {  	[spmem:s2] =	stream.indirect.scatter.add.f32 [tilespmem:s21], [sflag:$0x4], $0x40, s18, s15, $0xb8;
	[tilespmem:$0x1F000] =	vst v63  }
0x43: {  	_ =	swait.ge [sflag:s0], $0x2000  }
0x44: {  	[sflag:s0] =	ssyncset.done $0x0  }
0x45: {  	[sflag:s0] =	ssyncadd.s32 $0xFFFFE000  }
0x46: {  	_ =	swait.ge [sflag:s0], $0x2000  }
0x47: {  	[sflag:s0] =	ssyncset.done $0x0  }
0x48: {  	[sflag:s0] =	ssyncadd.s32 $0xFFFFE000  }
0x49: {  	_ =	swait.ge [sflag:s0], $0x2000  }
0x4a: {  	[sflag:s0] =	ssyncset.done $0x0  }
0x4b: {  	[sflag:s0] =	ssyncadd.s32 $0xFFFFE000  }
0x4c: {  	_ =	swait.ge [sflag:s0], $0x2000  }
0x4d: {  	[sflag:s0] =	ssyncset.done $0x0  }
0x4e: {  	s18 =	simm.s32 $0x2A00;
	[sflag:s0] =	ssyncadd.s32 $0xFFFFE000  }
0x4f: {  	[spmem:s2] =	stream.indirect.scatter.add.f32 [tilespmem:s23], [sflag:$0x5], $0x40, s18, s15, $0xb8;
	[tilespmem:$0x1F000] =	vst v63  }
0x50: {  	s18 =	simm.s32 $0x2A80  }
0x51: {  	[spmem:s2] =	stream.indirect.scatter.add.f32 [tilespmem:s25], [sflag:$0x5], $0x40, s18, s15, $0xb8;
	[tilespmem:$0x1F000] =	vst v63  }
0x52: {  	s18 =	simm.s32 $0x2B00  }
0x53: {  	[spmem:s2] =	stream.indirect.scatter.add.f32 [tilespmem:s28], [sflag:$0x5], $0x40, s18, s15, $0xb8;
	[tilespmem:$0x1F000] =	vst v63  }
0x54: {  	s18 =	simm.s32 $0x2B80  }
0x55: {  	[spmem:s2] =	stream.indirect.scatter.add.f32 [tilespmem:s30], [sflag:$0x5], $0x40, s18, s15, $0xb8;
	[tilespmem:$0x1F000] =	vst v63  }
0x56: {  	_ =	swait.ge [sflag:s1], $0x2000  }
0x57: {  	[sflag:s1] =	ssyncset.done $0x0  }
0x58: {  	[sflag:s1] =	ssyncadd.s32 $0xFFFFE000  }
0x59: {  	_ =	swait.ge [sflag:s1], $0x2000  }
0x5a: {  	[sflag:s1] =	ssyncset.done $0x0  }
0x5b: {  	[sflag:s1] =	ssyncadd.s32 $0xFFFFE000  }
0x5c: {  	_ =	swait.ge [sflag:s1], $0x2000  }
0x5d: {  	[sflag:s1] =	ssyncset.done $0x0  }
0x5e: {  	[sflag:s1] =	ssyncadd.s32 $0xFFFFE000  }
0x5f: {  	_ =	swait.ge [sflag:s1], $0x2000  }
0x60: {  	[sflag:s1] =	ssyncset.done $0x0  }
0x61: {  	s18 =	simm.s32 $0x400;
	[sflag:s1] =	ssyncadd.s32 $0xFFFFE000  }
0x62: {  	[tilespmem:s16], [sflag:$0x1] =	stream.indirect.gather [hbm4b:s9+s15], $0x40, s18, s15, $0xb8;
	[tilespmem:$0x1F000] =	vst v63  }
0x63: {  	s18 =	simm.s32 $0x480  }
0x64: {  	[tilespmem:s17], [sflag:$0x1] =	stream.indirect.gather [hbm4b:s9+s15], $0x40, s18, s15, $0xb8;
	[tilespmem:$0x1F000] =	vst v63  }
0x65: {  	s18 =	simm.s32 $0x500  }
0x66: {  	[tilespmem:s19], [sflag:$0x1] =	stream.indirect.gather [hbm4b:s9+s15], $0x40, s18, s15, $0xb8;
	[tilespmem:$0x1F000] =	vst v63  }
0x67: {  	s18 =	simm.s32 $0x580  }
0x68: {  	[tilespmem:s21], [sflag:$0x1] =	stream.indirect.gather [hbm4b:s9+s15], $0x40, s18, s15, $0xb8;
	[tilespmem:$0x1F000] =	vst v63  }
0x69: {  	_ =	swait.ge [sflag:s12], $0x2000  }
0x6a: {  	[sflag:s12] =	ssyncset.done $0x0  }
0x6b: {  	[sflag:s12] =	ssyncadd.s32 $0xFFFFE000  }
0x6c: {  	_ =	swait.ge [sflag:s12], $0x2000  }
0x6d: {  	[sflag:s12] =	ssyncset.done $0x0  }
0x6e: {  	[sflag:s12] =	ssyncadd.s32 $0xFFFFE000  }
0x6f: {  	_ =	swait.ge [sflag:s12], $0x2000  }
0x70: {  	[sflag:s12] =	ssyncset.done $0x0  }
0x71: {  	[sflag:s12] =	ssyncadd.s32 $0xFFFFE000  }
0x72: {  	_ =	swait.ge [sflag:s12], $0x2000  }
0x73: {  	[sflag:s12] =	ssyncset.done $0x0  }
0x74: {  	s18 =	simm.s32 $0x600;
	[sflag:s12] =	ssyncadd.s32 $0xFFFFE000  }
0x75: {  	[tilespmem:s23], [sflag:$0x2] =	stream.indirect.gather [hbm4b:s9+s15], $0x40, s18, s15, $0xb8;
	[tilespmem:$0x1F000] =	vst v63  }
0x76: {  	s18 =	simm.s32 $0x680  }
0x77: {  	[tilespmem:s25], [sflag:$0x2] =	stream.indirect.gather [hbm4b:s9+s15], $0x40, s18, s15, $0xb8;
	[tilespmem:$0x1F000] =	vst v63  }
0x78: {  	s29 =	simm.s32 $0x780;
	s26 =	simm.s32 $0x1000;
	s18 =	simm.s32 $0x700  }
0x79: {  	[tilespmem:s28], [sflag:$0x2] =	stream.indirect.gather [hbm4b:s9+s15], $0x40, s18, s15, $0xb8;
	[tilespmem:$0x1F000] =	vst v63  }
.LBB2_2:
0x7a: {  	[tilespmem:s30], [sflag:$0x2] =	stream.indirect.gather [hbm4b:s9+s15], $0x40, s29, s15, $0xb8;
	[tilespmem:$0x1F000] =	vst v63  }
0x7b: {  	s29 =	smov.u32 s26  }
0x7c: {  	p0 =	sne.s32 s26, $0x8000;
	s26 =	sadd.s32 $0x1000, s26;
	_ =	swait.ge [sflag:s14], $0x2000  }
0x7d: {  	[sflag:s14] =	ssyncset.done $0x0  }
0x7e: {  	[sflag:s14] =	ssyncadd.s32 $0xFFFFE000  }
0x7f: {  	_ =	swait.ge [sflag:s14], $0x2000  }
0x80: {  	[sflag:s14] =	ssyncset.done $0x0  }
0x81: {  	[sflag:s14] =	ssyncadd.s32 $0xFFFFE000  }
0x82: {  	_ =	swait.ge [sflag:s14], $0x2000  }
0x83: {  	[sflag:s14] =	ssyncset.done $0x0  }
0x84: {  	[sflag:s14] =	ssyncadd.s32 $0xFFFFE000  }
0x85: {  	_ =	swait.ge [sflag:s14], $0x2000  }
0x86: {  	s29 =	sshra.s32 s29, $0x2;
	[sflag:s14] =	ssyncset.done $0x0  }
0x87: {  	s18 =	sadd.s32 $0x2800, s29;
	[sflag:s14] =	ssyncadd.s32 $0xFFFFE000  }
0x88: {  	[spmem:s2] =	stream.indirect.scatter.add.f32 [tilespmem:s16], [sflag:$0x4], $0x40, s18, s15, $0xb8;
	[tilespmem:$0x1F000] =	vst v63  }
0x89: {  	s18 =	sadd.s32 $0x2880, s29  }
0x8a: {  	[spmem:s2] =	stream.indirect.scatter.add.f32 [tilespmem:s17], [sflag:$0x4], $0x40, s18, s15, $0xb8;
	[tilespmem:$0x1F000] =	vst v63  }
0x8b: {  	s18 =	sadd.s32 $0x2900, s29  }
0x8c: {  	[spmem:s2] =	stream.indirect.scatter.add.f32 [tilespmem:s19], [sflag:$0x4], $0x40, s18, s15, $0xb8;
	[tilespmem:$0x1F000] =	vst v63  }
0x8d: {  	s18 =	sadd.s32 $0x2980, s29  }
0x8e: {  	[spmem:s2] =	stream.indirect.scatter.add.f32 [tilespmem:s21], [sflag:$0x4], $0x40, s18, s15, $0xb8;
	[tilespmem:$0x1F000] =	vst v63  }
0x8f: {  	_ =	swait.ge [sflag:s0], $0x2000  }
0x90: {  	[sflag:s0] =	ssyncset.done $0x0  }
0x91: {  	[sflag:s0] =	ssyncadd.s32 $0xFFFFE000  }
0x92: {  	_ =	swait.ge [sflag:s0], $0x2000  }
0x93: {  	[sflag:s0] =	ssyncset.done $0x0  }
0x94: {  	[sflag:s0] =	ssyncadd.s32 $0xFFFFE000  }
0x95: {  	_ =	swait.ge [sflag:s0], $0x2000  }
0x96: {  	[sflag:s0] =	ssyncset.done $0x0  }
0x97: {  	[sflag:s0] =	ssyncadd.s32 $0xFFFFE000  }
0x98: {  	_ =	swait.ge [sflag:s0], $0x2000  }
0x99: {  	[sflag:s0] =	ssyncset.done $0x0  }
0x9a: {  	s18 =	sadd.s32 $0x2A00, s29;
	[sflag:s0] =	ssyncadd.s32 $0xFFFFE000  }
0x9b: {  	[spmem:s2] =	stream.indirect.scatter.add.f32 [tilespmem:s23], [sflag:$0x5], $0x40, s18, s15, $0xb8;
	[tilespmem:$0x1F000] =	vst v63  }
0x9c: {  	s18 =	sadd.s32 $0x2A80, s29  }
0x9d: {  	[spmem:s2] =	stream.indirect.scatter.add.f32 [tilespmem:s25], [sflag:$0x5], $0x40, s18, s15, $0xb8;
	[tilespmem:$0x1F000] =	vst v63  }
0x9e: {  	s18 =	sadd.s32 $0x2B00, s29  }
0x9f: {  	[spmem:s2] =	stream.indirect.scatter.add.f32 [tilespmem:s28], [sflag:$0x5], $0x40, s18, s15, $0xb8;
	[tilespmem:$0x1F000] =	vst v63  }
0xa0: {  	s18 =	sadd.s32 $0x2B80, s29  }
0xa1: {  	[spmem:s2] =	stream.indirect.scatter.add.f32 [tilespmem:s30], [sflag:$0x5], $0x40, s18, s15, $0xb8;
	[tilespmem:$0x1F000] =	vst v63  }
0xa2: {  	_ =	swait.ge [sflag:s1], $0x2000  }
0xa3: {  	[sflag:s1] =	ssyncset.done $0x0  }
0xa4: {  	[sflag:s1] =	ssyncadd.s32 $0xFFFFE000  }
0xa5: {  	_ =	swait.ge [sflag:s1], $0x2000  }
0xa6: {  	[sflag:s1] =	ssyncset.done $0x0  }
0xa7: {  	[sflag:s1] =	ssyncadd.s32 $0xFFFFE000  }
0xa8: {  	_ =	swait.ge [sflag:s1], $0x2000  }
0xa9: {  	[sflag:s1] =	ssyncset.done $0x0  }
0xaa: {  	[sflag:s1] =	ssyncadd.s32 $0xFFFFE000  }
0xab: {  	_ =	swait.ge [sflag:s1], $0x2000  }
0xac: {  	[sflag:s1] =	ssyncset.done $0x0  }
0xad: {  	s18 =	sadd.s32 $0x400, s29;
	[sflag:s1] =	ssyncadd.s32 $0xFFFFE000  }
0xae: {  	[tilespmem:s16], [sflag:$0x1] =	stream.indirect.gather [hbm4b:s9+s15], $0x40, s18, s15, $0xb8;
	[tilespmem:$0x1F000] =	vst v63  }
0xaf: {  	s18 =	sadd.s32 $0x480, s29  }
0xb0: {  	[tilespmem:s17], [sflag:$0x1] =	stream.indirect.gather [hbm4b:s9+s15], $0x40, s18, s15, $0xb8;
	[tilespmem:$0x1F000] =	vst v63  }
0xb1: {  	s18 =	sadd.s32 $0x500, s29  }
0xb2: {  	[tilespmem:s19], [sflag:$0x1] =	stream.indirect.gather [hbm4b:s9+s15], $0x40, s18, s15, $0xb8;
	[tilespmem:$0x1F000] =	vst v63  }
0xb3: {  	s18 =	sadd.s32 $0x580, s29  }
0xb4: {  	[tilespmem:s21], [sflag:$0x1] =	stream.indirect.gather [hbm4b:s9+s15], $0x40, s18, s15, $0xb8;
	[tilespmem:$0x1F000] =	vst v63  }
0xb5: {  	_ =	swait.ge [sflag:s12], $0x2000  }
0xb6: {  	[sflag:s12] =	ssyncset.done $0x0  }
0xb7: {  	[sflag:s12] =	ssyncadd.s32 $0xFFFFE000  }
0xb8: {  	_ =	swait.ge [sflag:s12], $0x2000  }
0xb9: {  	[sflag:s12] =	ssyncset.done $0x0  }
0xba: {  	[sflag:s12] =	ssyncadd.s32 $0xFFFFE000  }
0xbb: {  	_ =	swait.ge [sflag:s12], $0x2000  }
0xbc: {  	[sflag:s12] =	ssyncset.done $0x0  }
0xbd: {  	[sflag:s12] =	ssyncadd.s32 $0xFFFFE000  }
0xbe: {  	_ =	swait.ge [sflag:s12], $0x2000  }
0xbf: {  	[sflag:s12] =	ssyncset.done $0x0  }
0xc0: {  	s18 =	sadd.s32 $0x600, s29;
	[sflag:s12] =	ssyncadd.s32 $0xFFFFE000  }
0xc1: {  	[tilespmem:s23], [sflag:$0x2] =	stream.indirect.gather [hbm4b:s9+s15], $0x40, s18, s15, $0xb8;
	[tilespmem:$0x1F000] =	vst v63  }
.Ltmp0:
0xc2: {  	s18 =	sadd.s32 $0x680, s29;
	(pc) =	sbr.rel @p0 .LBB2_2-.Ltmp0, $4  }
0xc3: {  	[tilespmem:s25], [sflag:$0x2] =	stream.indirect.gather [hbm4b:s9+s15], $0x40, s18, s15, $0xb8;
	[tilespmem:$0x1F000] =	vst v63  }
0xc4: {  	s18 =	sadd.s32 $0x700, s29  }
0xc5: {  	[tilespmem:s28], [sflag:$0x2] =	stream.indirect.gather [hbm4b:s9+s15], $0x40, s18, s15, $0xb8;
	[tilespmem:$0x1F000] =	vst v63  }
0xc6: {  	s29 =	sadd.s32 $0x780, s29  }
0xc7: {  	[tilespmem:s30], [sflag:$0x2] =	stream.indirect.gather [hbm4b:s9+s15], $0x40, s29, s15, $0xb8;
	[tilespmem:$0x1F000] =	vst v63  }
0xc8: {  	_ =	swait.ge [sflag:s14], $0x2000  }
0xc9: {  	[sflag:s14] =	ssyncset.done $0x0  }
0xca: {  	[sflag:s14] =	ssyncadd.s32 $0xFFFFE000  }
0xcb: {  	_ =	swait.ge [sflag:s14], $0x2000  }
0xcc: {  	[sflag:s14] =	ssyncset.done $0x0  }
0xcd: {  	[sflag:s14] =	ssyncadd.s32 $0xFFFFE000  }
0xce: {  	_ =	swait.ge [sflag:s14], $0x2000  }
0xcf: {  	[sflag:s14] =	ssyncset.done $0x0  }
0xd0: {  	[sflag:s14] =	ssyncadd.s32 $0xFFFFE000  }
0xd1: {  	_ =	swait.ge [sflag:s14], $0x2000  }
0xd2: {  	[sflag:s14] =	ssyncset.done $0x0  }
0xd3: {  	s18 =	simm.s32 $0x4C00;
	[sflag:s14] =	ssyncadd.s32 $0xFFFFE000  }
0xd4: {  	[spmem:s2] =	stream.indirect.scatter.add.f32 [tilespmem:s16], [sflag:$0x4], $0x40, s18, s15, $0xb8;
	[tilespmem:$0x1F000] =	vst v63  }
0xd5: {  	s29 =	simm.s32 $0x4C80  }
0xd6: {  	[spmem:s2] =	stream.indirect.scatter.add.f32 [tilespmem:s17], [sflag:$0x4], $0x40, s29, s15, $0xb8;
	[tilespmem:$0x1F000] =	vst v63  }
0xd7: {  	s26 =	simm.s32 $0x4D00  }
0xd8: {  	[spmem:s2] =	stream.indirect.scatter.add.f32 [tilespmem:s19], [sflag:$0x4], $0x40, s26, s15, $0xb8;
	[tilespmem:$0x1F000] =	vst v63  }
0xd9: {  	s29 =	simm.s32 $0x4D80  }
0xda: {  	[spmem:s2] =	stream.indirect.scatter.add.f32 [tilespmem:s21], [sflag:$0x4], $0x40, s29, s15, $0xb8;
	[tilespmem:$0x1F000] =	vst v63  }
0xdb: {  	_ =	swait.ge [sflag:s0], $0x2000  }
0xdc: {  	[sflag:s0] =	ssyncset.done $0x0  }
0xdd: {  	[sflag:s0] =	ssyncadd.s32 $0xFFFFE000  }
0xde: {  	_ =	swait.ge [sflag:s0], $0x2000  }
0xdf: {  	[sflag:s0] =	ssyncset.done $0x0  }
0xe0: {  	[sflag:s0] =	ssyncadd.s32 $0xFFFFE000  }
0xe1: {  	_ =	swait.ge [sflag:s0], $0x2000  }
0xe2: {  	[sflag:s0] =	ssyncset.done $0x0  }
0xe3: {  	[sflag:s0] =	ssyncadd.s32 $0xFFFFE000  }
0xe4: {  	_ =	swait.ge [sflag:s0], $0x2000  }
0xe5: {  	[sflag:s0] =	ssyncset.done $0x0  }
0xe6: {  	s26 =	simm.s32 $0x4E00;
	[sflag:s0] =	ssyncadd.s32 $0xFFFFE000  }
0xe7: {  	[spmem:s2] =	stream.indirect.scatter.add.f32 [tilespmem:s23], [sflag:$0x5], $0x40, s26, s15, $0xb8;
	[tilespmem:$0x1F000] =	vst v63  }
0xe8: {  	s29 =	simm.s32 $0x4E80  }
0xe9: {  	[spmem:s2] =	stream.indirect.scatter.add.f32 [tilespmem:s25], [sflag:$0x5], $0x40, s29, s15, $0xb8;
	[tilespmem:$0x1F000] =	vst v63  }
0xea: {  	s26 =	simm.s32 $0x4F00  }
0xeb: {  	[spmem:s2] =	stream.indirect.scatter.add.f32 [tilespmem:s28], [sflag:$0x5], $0x40, s26, s15, $0xb8;
	[tilespmem:$0x1F000] =	vst v63  }
0xec: {  	_ = 	snop  }
0xed: {  	[spmem:s2] =	stream.indirect.scatter.add.f32 [tilespmem:s30], [sflag:$0x5], $0x40, s20, s15, $0xb8;
	[tilespmem:$0x1F000] =	vst v63  }
0xee: {  	_ =	swait.ge [sflag:s1], $0x2000  }
0xef: {  	[sflag:s1] =	ssyncset.done $0x0  }
0xf0: {  	[sflag:s1] =	ssyncadd.s32 $0xFFFFE000  }
0xf1: {  	_ =	swait.ge [sflag:s1], $0x2000  }
0xf2: {  	[sflag:s1] =	ssyncset.done $0x0  }
0xf3: {  	[sflag:s1] =	ssyncadd.s32 $0xFFFFE000  }
0xf4: {  	_ =	swait.ge [sflag:s1], $0x2000  }
0xf5: {  	[sflag:s1] =	ssyncset.done $0x0  }
0xf6: {  	[sflag:s1] =	ssyncadd.s32 $0xFFFFE000  }
0xf7: {  	_ =	swait.ge [sflag:s1], $0x2000  }
0xf8: {  	[sflag:s1] =	ssyncset.done $0x0  }
0xf9: {  	[sflag:s1] =	ssyncadd.s32 $0xFFFFE000  }
0xfa: {  	_ =	swait.ge [sflag:s12], $0x2000  }
0xfb: {  	[sflag:s12] =	ssyncset.done $0x0  }
0xfc: {  	[sflag:s12] =	ssyncadd.s32 $0xFFFFE000  }
0xfd: {  	_ =	swait.ge [sflag:s12], $0x2000  }
0xfe: {  	[sflag:s12] =	ssyncset.done $0x0  }
0xff: {  	[sflag:s12] =	ssyncadd.s32 $0xFFFFE000  }
0x100: {  	_ =	swait.ge [sflag:s12], $0x2000  }
0x101: {  	[sflag:s12] =	ssyncset.done $0x0  }
0x102: {  	[sflag:s12] =	ssyncadd.s32 $0xFFFFE000  }
0x103: {  	_ =	swait.ge [sflag:s12], $0x2000  }
0x104: {  	s24 =	sadd.s32 $0x1, s24;
	[sflag:s12] =	ssyncset.done $0x0  }
0x105: {  	p0 =	sne.s32 s24, s11;
	[sflag:s12] =	ssyncadd.s32 $0xFFFFE000  }
.Ltmp1:
0x106: {  	s29 =	sor.u32 $0x1C06, s7;
	[bflag:$0x0] =	sbarrier.arrive $0xFFFF;
	(pc) =	sbr.rel @p0 .LBB2_1-.Ltmp1, $4  }
0x107: {  	[hbm:s10], [sflag:s29] =	dma.local [spmem:s13], $0x1400  }
0x108: {  	_ =	swait.ge [sflag:s22], $0x1400  }
0x109: {  	[sflag:s22] =	ssyncset.done $0x0  }
0x10a: {  	[sflag:s22] =	ssyncadd.s32 $0xFFFFEC00  }
0x10b: {  	_ =	sfence.sel $0x180000  }
0x10c: {  	[bflag:$0x0] =	sbarrier.arrive $0xFFFF  }
0x10d: {  	_ =	strace $0x9000004A  }
0x10e: {  	s0 =	stileid.u32;
	[bflag:$0x2] =	sbarrier.arrive $0xFFFF  }
0x10f: {  	p0 =	sne.s32 s0, $0x0;
	s0 =	rddreg [dreg:$0x2]  }
0x110: {  	s0 =	sadd.s32 @!p0 $0x100000, s0  }
0x111: {  	[sflag:s0] =	ssyncadd.tile.s32 @!p0 $0x1;
	_ =	shalt  }
.Lfunc_end2:
_tile_overlayer_lowered:
.L_overlay_start_2:
0x112: {  	(tag) =	ssettag $0x2  }
0x113: {  	s0 =	rddreg [dreg:$0x0];
	s2 =	stileid.u32  }
0x114: {  	s1 =	rddreg [dreg:$0x1];
	p0 =	sne.s32 s2, $0x0  }
0x115: {  	s3 =	rddreg [dreg:$0x2];
	[bflag:$0x3] =	sbarrier.arrive $0xFFFF;
	s2 =	simm.s32 @!p0 $0x1C06  }
0x116: {  	[timem:s3], [sflag:s2] =	dma.local @!p0 [hbm:s0], s1  }
0x117: {  	s0 =	simm.s32 @!p0 $0x6  }
0x118: {  	_ =	swait.ge @!p0 [sflag:s0], s1  }
0x119: {  	s1 =	ssub.s32 @!p0 $0x0, s1;
	[sflag:s0] =	ssyncset.done @!p0 $0x0  }
0x11a: {  	[sflag:s0] =	ssyncadd.s32 @!p0 s1  }
0x11b: {  	[bflag:$0x3] =	sbarrier.arrive $0xFFFF  }
0x11c: {  	_ =	shalt  }

// kernel: kernel.18.cloned.1.call-start
scs
__scs_entry_jumppad:
0x0: {  	(pc) =	sbr.rel $0x88, $3  }
0x1: {  	(tag) =	ssettag $0x0;
	lr =	simm.s32 $0x1  }
0x2: {  	[smem:$0x3F90] =	sst lr;
	_ =	strace $0xD0000000  }
0x3: {  	_ = 	snop  }
0x4: {  	_ = 	snop  }
0x5: {  	_ = 	snop  }
0x6: {  	_ = 	snop  }
0x7: {  	_ = 	snop  }
__scs_overlays_trampoline_lowered:
0x8: {  	[smem:$0x3F9F] =	sst s0  }
0x9: {  	[smem:$0x3FA0] =	sst s1  }
0xa: {  	[smem:$0x3FA1] =	sst s2  }
0xb: {  	[smem:$0x3FA2] =	sst s3  }
0xc: {  	[smem:$0x3FA3] =	sst s4  }
0xd: {  	[smem:$0x3FA4] =	sst s5  }
0xe: {  	[smem:$0x3FA5] =	sst s6  }
0xf: {  	[smem:$0x3FA6] =	sst s7  }
0x10: {  	[smem:$0x3FA7] =	sst s8  }
0x11: {  	[smem:$0x3FA8] =	sst s9;
	s0 =	simm.s32 @!p0 $0x0  }
0x12: {  	s1 =	sld [smem:$0x3F8E];
	s0 =	simm.s32 @p0 $0x1  }
0x13: {  	[smem:$0x3FA9] =	sst s0;
	s0 =	simm.s32 @!p1 $0x0  }
0x14: {  	s2 =	sld [smem:$0x3F8D];
	s0 =	simm.s32 @p1 $0x1  }
0x15: {  	[smem:$0x3FAA] =	sst s0;
	s0 =	simm.s32 @!p2 $0x0  }
0x16: {  	s3 =	sld [smem:$0x3FDB];
	s0 =	simm.s32 @p2 $0x1  }
0x17: {  	s4 =	simm.s32 $0x1BF5;
	[smem:$0x3FAC] =	sst s0  }
0x18: {  	s0 =	sld [smem:$0x3F8F];
	_ =	swait.ge [sflag:s4], $0x0  }
0x19: {  	s7 =	sld [smem:$0x3F90]  }
0x1a: {  	s8 =	sadd.s32 $0xFFFFE003, lr  }
0x1b: {  	s9 =	sadd.s32 $0xFFFFFEF7, lr;
	s5 =	simm.s32 $0xFFFFFFFF;
	p2 =	slt.u32 s8, $0xFFFFF086  }
0x1c: {  	p1 =	slt.u32 s9, $0xF7A;
	s5 =	simm.s32 @!p2 $0x0  }
0x1d: {  	s5 =	simm.s32 @p1 $0x1;
	p0 =	seq.s32 s7, s2  }
0x1e: {  	s7 =	smul.u32 @!p0 $0xF7A, s2;
	p2 =	seq.s32 @!p0 s5, $0x0  }
0x1f: {  	s9 =	smul.u32 $0xF7A, s1;
	s8 =	simm.s32 @!p0 $0x1BF5;
	p2 =	por !p2, p0  }
0x20: {  	[sflag:s8] =	ssyncset.s32 @!p0 $0xFFFFF086;
	s6 =	sadd.s32 @!p0 s3, s7;
	s7 =	simm.s32 @!p0 $0x108  }
0x21: {  	s3 =	sadd.s32 s3, s9;
	s6 =	sadd.s32 @!p0 $0x88, s6;
	s7 =	simm.s32 @p2 $0x1082  }
0x22: {  	[simem:s7], [sflag:s8] =	dma.local @!p0 [hbm:s6], $0xF7A  }
0x23: {  	s9 =	sor.u32 $0xD0000000, s2;
	s6 =	simm.s32 $0x108;
	_ =	swait.ge @!p0 [sflag:s8], $0x0  }
0x24: {  	s3 =	sadd.s32 $0x88, s3;
	s6 =	simm.s32 @!p1 $0x1082;
	[sflag:s4] =	ssyncset.s32 $0xFFFFF086  }
0x25: {  	[simem:s6], [sflag:s4] =	dma.local [hbm:s3], $0xF7A  }
0x26: {  	[smem:$0x3F90] =	sst s1;
	(tag) =	ssettag s2;
	_ =	strace s9  }
0x27: {  	s1 =	sld [smem:$0x3FA0]  }
0x28: {  	s2 =	sld [smem:$0x3FA1]  }
0x29: {  	s4 =	sld [smem:$0x3FA3]  }
0x2a: {  	p0 =	seq.s32 s5, $0x0;
	s5 =	sld [smem:$0x3FA4]  }
0x2b: {  	s6 =	sld [smem:$0x3FA5]  }
0x2c: {  	s7 =	sld [smem:$0x3FA6]  }
0x2d: {  	s3 =	simm.s32 $0x108;
	s8 =	sld [smem:$0x3FA7]  }
0x2e: {  	s3 =	simm.s32 @!p0 $0x1082;
	s9 =	sld [smem:$0x3FA8]  }
0x2f: {  	lr =	sadd.s32 s0, s3;
	s0 =	sld [smem:$0x3F9F]  }
0x30: {  	s3 =	sld [smem:$0x3FA2]  }
0x31: {  	[smem:$0x3FAB] =	sst s10  }
0x32: {  	s10 =	sld [smem:$0x3FA9];
	_ =	sdelay $0x3  }
0x33: {  	p0 =	seq.s32 s10, $0x1;
	s10 =	sld [smem:$0x3FAB];
	_ =	sdelay $0x3  }
0x34: {  	[smem:$0x3FAB] =	sst s10  }
0x35: {  	s10 =	sld [smem:$0x3FAA];
	_ =	sdelay $0x3  }
0x36: {  	p1 =	seq.s32 s10, $0x1;
	s10 =	sld [smem:$0x3FAB];
	_ =	sdelay $0x3  }
0x37: {  	[smem:$0x3FAB] =	sst s10  }
0x38: {  	s10 =	sld [smem:$0x3FAC]  }
0x39: {  	_ = 	snop;
	(pc) =	sbr.ind lr, $3  }
0x3a: {  	_ = 	snop  }
0x3b: {  	_ = 	snop  }
0x3c: {  	p2 =	seq.s32 s10, $0x1;
	s10 =	sld [smem:$0x3FAB]  }
0x3d: {  	_ =	shalt  }
0x3e: {  	_ =	shalt  }
0x3f: {  	_ =	shalt  }
0x40: {  	_ =	shalt  }
0x41: {  	_ =	shalt  }
0x42: {  	_ =	shalt  }
0x43: {  	_ =	shalt  }
0x44: {  	_ =	shalt  }
0x45: {  	_ =	shalt  }
0x46: {  	_ =	shalt  }
0x47: {  	_ =	shalt  }
0x48: {  	_ =	shalt  }
0x49: {  	_ =	shalt  }
0x4a: {  	_ =	shalt  }
0x4b: {  	_ =	shalt  }
0x4c: {  	_ =	shalt  }
0x4d: {  	_ =	shalt  }
0x4e: {  	_ =	shalt  }
0x4f: {  	_ =	shalt  }
0x50: {  	_ =	shalt  }
0x51: {  	_ =	shalt  }
0x52: {  	_ =	shalt  }
0x53: {  	_ =	shalt  }
0x54: {  	_ =	shalt  }
0x55: {  	_ =	shalt  }
0x56: {  	_ =	shalt  }
0x57: {  	_ =	shalt  }
0x58: {  	_ =	shalt  }
0x59: {  	_ =	shalt  }
0x5a: {  	_ =	shalt  }
0x5b: {  	_ =	shalt  }
0x5c: {  	_ =	shalt  }
0x5d: {  	_ =	shalt  }
0x5e: {  	_ =	shalt  }
0x5f: {  	_ =	shalt  }
0x60: {  	_ =	shalt  }
0x61: {  	_ =	shalt  }
0x62: {  	_ =	shalt  }
0x63: {  	_ =	shalt  }
0x64: {  	_ =	shalt  }
0x65: {  	_ =	shalt  }
0x66: {  	_ =	shalt  }
0x67: {  	_ =	shalt  }
0x68: {  	_ =	shalt  }
0x69: {  	_ =	shalt  }
0x6a: {  	_ =	shalt  }
0x6b: {  	_ =	shalt  }
0x6c: {  	_ =	shalt  }
0x6d: {  	_ =	shalt  }
0x6e: {  	_ =	shalt  }
0x6f: {  	_ =	shalt  }
0x70: {  	_ =	shalt  }
0x71: {  	_ =	shalt  }
0x72: {  	_ =	shalt  }
0x73: {  	_ =	shalt  }
0x74: {  	_ =	shalt  }
0x75: {  	_ =	shalt  }
0x76: {  	_ =	shalt  }
0x77: {  	_ =	shalt  }
0x78: {  	_ =	shalt  }
0x79: {  	_ =	shalt  }
0x7a: {  	_ =	shalt  }
0x7b: {  	_ =	shalt  }
0x7c: {  	_ =	shalt  }
0x7d: {  	_ =	shalt  }
0x7e: {  	_ =	shalt  }
0x7f: {  	_ =	shalt  }
0x80: {  	_ =	shalt  }
0x81: {  	_ =	shalt  }
0x82: {  	_ =	shalt  }
0x83: {  	_ =	shalt  }
0x84: {  	_ =	shalt  }
0x85: {  	_ =	shalt  }
0x86: {  	_ =	shalt  }
0x87: {  	_ =	shalt  }
.Lfunc_end0:
.L_simem_size_0:
called_computation.2_lowered:
.L_overlay_start_0:
0x88: {  	s2 =	sld [smem:$0x3FD9]  }
0x89: {  	s3 =	sld [smem:$0x3FFE];
	_ =	sdelay $0x1  }
0x8a: {  	s1 =	srdreg.scid  }
0x8b: {  	s0 =	sand.u32 $0x1, s1  }
0x8c: {  	s16 =	sshll.u32 s0, $0xA;
	s2 =	sadd.s32 s3, s2  }
0x8d: {  	s2 =	sadd.s32 s2, s16  }
0x8e: {  	[smem:$0x3FB7] =	sst s2  }
0x8f: {  	_ = 	snop  }
0x90: {  	(tm) =	ssettm $0x1  }
0x91: {  	s17 =	sld [smem:$0x3FFB];
	_ =	sdelay $0x3  }
0x92: {  	_ =	strace s17  }
0x93: {  	s2 =	sld [smem:$0x3FFC];
	_ =	sdelay $0x3  }
0x94: {  	_ =	strace s2  }
0x95: {  	s2 =	sld [smem:$0x3FFD];
	_ =	sdelay $0x3  }
0x96: {  	_ =	strace s2  }
0x97: {  	_ =	strace $0x8FFFFFFF  }
0x98: {  	s18 =	sld [smem:$0x3FDB];
	_ =	sdelay $0x1  }
0x99: {  	s19 =	simm.s32 $_scs_section_size  }
0x9a: {  	s4 =	simm.s32 $_size__tile_overlayer_lowered;
	s5 =	simm.s32 $_tile_overlayer_lowered  }
0x9b: {  	s22 =	simm.s32 $0x1BFF;
	s21 =	sshll.u32 s5, $0x1;
	s2 =	sadd.s32 s19, s18  }
0x9c: {  	s6 =	simm.s32 $0x0;
	s20 =	sshll.u32 s4, $0x1;
	s4 =	sadd.s32 s21, s2  }
0x9d: {  	[timem:s6], [sflag:s22] =	dma.local [hbm:s4], s20  }
0x9e: {  	_ =	swait.ge [sflag:s22], s20  }
0x9f: {  	s3 =	ssub.s32 $0x0, s20;
	[sflag:s22] =	ssyncset.done $0x0  }
0xa0: {  	[sflag:s22] =	ssyncadd.s32 s3;
	_ =	sdelay $0x1  }
0xa1: {  	s23 =	simm.s32 $0x1B8B  }
0xa2: {  	_ =	swait.ge [sflag:s23], $0x1  }
0xa3: {  	[sflag:s23] =	ssyncset.done $0x0  }
0xa4: {  	s25 =	simm.s32 $0x1B8E;
	s24 =	sld [smem:$0x3FFE];
	[sflag:s23] =	ssyncadd.s32 $0xFFFFFFFF  }
0xa5: {  	s26 =	simm.s32 $execute0_lowered;
	[smem:$0x3FD2] =	sst s25  }
0xa6: {  	s4 =	sshll.u32 s26, $0x1;
	_ =	strace $0x8000004C;
	[dreg:$0x1] =	wrdreg $0xFFFFFFFF  }
0xa7: {  	s28 =	simm.s32 $_size_execute0_lowered;
	s2 =	sadd.s32 s2, s4;
	[dreg:$0x0] =	wrdreg $0x0  }
0xa8: {  	s4 =	sshll.u32 s28, $0x1;
	[dreg:$0x2] =	wrdreg s2  }
0xa9: {  	[dreg:$0x3] =	wrdreg s4  }
0xaa: {  	[dreg:$0x4] =	wrdreg $0xC0  }
0xab: {  	_ =	task [dreg:s6], $0x5FFFF  }
0xac: {  	[dreg:$0x1] =	wrdreg $0xFFFFFFFF  }
0xad: {  	[dreg:$0x0] =	wrdreg $0x60  }
0xae: {  	[dreg:$0x2] =	wrdreg s24  }
0xaf: {  	[dreg:$0x3] =	wrdreg $0x150000  }
0xb0: {  	[dreg:$0x4] =	wrdreg $0x9  }
0xb1: {  	_ =	task.clear_ibuf [dreg:s6], $0x5FFFF;
	_ =	strace $0x9000004C  }
0xb2: {  	s29 =	simm.s32 $0x9;
	_ =	strace $0x8000004E  }
0xb3: {  	_ =	swait.ge [sflag:s29], $0x1  }
0xb4: {  	[sflag:s29] =	ssyncadd.s32 $0xFFFFFFFF  }
0xb5: {  	_ =	strace $0x9000004E  }
0xb6: {  	_ =	sfence  }
0xb7: {  	s30 =	sld [smem:$0x0];
	_ =	sdelay $0x2  }
0xb8: {  	s31 =	sshll.u32 s1, $0xD;
	s1 =	sshrl.u32 s1, $0x2  }
0xb9: {  	s3 =	sand.u32 $0x4000, s31;
	s1 =	sadd.s32 s1, s30  }
0xba: {  	s0 =	sor.u32 s3, s0;
	s1 =	sshll.u32 s1, $0x11  }
0xbb: {  	s0 =	sor.u32 s1, s0  }
0xbc: {  	s0 =	sadd.s32 $0x8F2B, s0  }
0xbd: {  	[sflag:s0] =	ssyncadd.remote.s32 $0x1  }
0xbe: {  	_ =	sfence.sel $0xFFFF  }
0xbf: {  	[dreg:$0x0] =	wrdreg $0xFFFFFFFF;
	(pc) =	sbr.abs _section_cstart, $3  }
0xc0: {  	[dreg:$0x1] =	wrdreg $0xFFFFFFFF  }
0xc1: {  	_ =	task.clear_ibuf [dreg:s6], $0x2FFFF;
	_ =	strace $0x9FFFFFFF  }
0xc2: {  	(tm) =	ssettm $0x7FFFFFFF  }
0xc3: {  	_ =	shalt  }
tec
execute0_lowered:
.L_overlay_start_1:
0x0: {  	(tag) =	ssettag $0x1  }
0x1: {  	s0 =	rddreg [dreg:$0x0]  }
0x2: {  	s2 =	rddreg [dreg:$0x1]  }
0x3: {  	s1 =	srdreg.scid;
	s11 =	stileid.u32  }
0x4: {  	s3 =	simm.s32 $0x0;
	s14 =	simm.s32 $0x1;
	s15 =	simm.s32 $0x80  }
0x5: {  	s16 =	simm.s32 $0x5000;
	s17 =	simm.s32 $0x7000;
	s19 =	simm.s32 $0x9000  }
0x6: {  	s21 =	simm.s32 $0xB000;
	s23 =	simm.s32 $0xD000;
	s25 =	simm.s32 $0xF000  }
0x7: {  	s28 =	simm.s32 $0x11000;
	s30 =	simm.s32 $0x13000;
	s31 =	simm.s32 $0x3  }
0x8: {  	s20 =	simm.s32 $0x4F80;
	s22 =	simm.s32 $0x6;
	s24 =	simm.s32 $0x0  }
0x9: {  	s1 =	sand.u32 $0x1, s1;
	s6 =	smul.u32 $0xA000, s11;
	[smem:$0x7FF] =	sst s3  }
0xa: {  	s9 =	sadd.s32 $0x6BC00, s0;
	s4 =	sshll.u32 s1, $0x4;
	s8 =	smul.u32 $0xA0000, s1  }
0xb: {  	_ =	strace $0x8000004D;
	s1 =	ssub.s32 $0x2, s1;
	s4 =	sor.u32 s11, s4  }
0xc: {  	s26 =	sshrl.u32 s1, $0x1;
	s12 =	sadd.s32 s6, s2;
	s4 =	smul.u32 $0x500, s4  }
0xd: {  	s5 =	sadd.s32 s6, s8;
	s1 =	ssub.s32 s1, s26;
	s29 =	sshrl.u32 s8, $0x3  }
0xe: {  	s13 =	sshrl.u32 s12, $0x3;
	s12 =	simm.s32 $0x5;
	s7 =	sshrl.u32 s5, $0x3  }
0xf: {  	s10 =	sadd.s32 s4, s0;
	s0 =	sadd.s32 s7, s0;
	s6 =	sadd.s32 s9, s7  }
0x10: {  	s7 =	sshll.u32 s11, $0x6;
	s9 =	sadd.s32 s9, s29;
	s11 =	smax.u32 s1, $0x1  }
0x11: {  	s1 =	simm.s32 $0x4;
	s4 =	sadd.s32 $0x11C00, s10;
	s5 =	sadd.s32 $0x2600, s10  }
0x12: {  	s8 =	sor.u32 $0x1C03, s7;
	s10 =	sadd.s32 $0x93C00, s0;
	s0 =	simm.s32 $0x2  }
.LBB2_1:
0x13: {  	[tilespmem:s3], [sflag:$0x1] =	stream.linear.gather [hbm4b:s4+s3], $0x2800, $0x38;
	[tilespmem:$0x1F000] =	vst v63  }
0x14: {  	s18 =	simm.s32 $0x2800  }
0x15: {  	[tilespmem:s18], [sflag:$0x3] =	stream.linear.gather [hbm4b:s5+s3], $0x2800, $0x38;
	[tilespmem:$0x1F000] =	vst v63  }
0x16: {  	[spmem:s13], [sflag:s8] =	dma.local [hbm:s6], $0x1400  }
0x17: {  	_ =	swait.ge [sflag:s14], $0x2800  }
0x18: {  	[sflag:s14] =	ssyncset.done $0x0  }
0x19: {  	[sflag:s14] =	ssyncadd.s32 $0xFFFFD800  }
0x1a: {  	[tilespmem:s16], [sflag:$0x1] =	stream.indirect.gather [hbm4b:s9+s15], $0x40, s3, s15, $0xb8;
	[tilespmem:$0x1F000] =	vst v63  }
0x1b: {  	_ = 	snop  }
0x1c: {  	[tilespmem:s17], [sflag:$0x1] =	stream.indirect.gather [hbm4b:s9+s15], $0x40, s15, s15, $0xb8;
	[tilespmem:$0x1F000] =	vst v63  }
0x1d: {  	s26 =	simm.s32 $0x100  }
0x1e: {  	[tilespmem:s19], [sflag:$0x1] =	stream.indirect.gather [hbm4b:s9+s15], $0x40, s26, s15, $0xb8;
	[tilespmem:$0x1F000] =	vst v63  }
0x1f: {  	s26 =	simm.s32 $0x180  }
0x20: {  	[tilespmem:s21], [sflag:$0x1] =	stream.indirect.gather [hbm4b:s9+s15], $0x40, s26, s15, $0xb8;
	[tilespmem:$0x1F000] =	vst v63  }
0x21: {  	s26 =	simm.s32 $0x200  }
0x22: {  	[tilespmem:s23], [sflag:$0x2] =	stream.indirect.gather [hbm4b:s9+s15], $0x40, s26, s15, $0xb8;
	[tilespmem:$0x1F000] =	vst v63  }
0x23: {  	s26 =	simm.s32 $0x280  }
0x24: {  	[tilespmem:s25], [sflag:$0x2] =	stream.indirect.gather [hbm4b:s9+s15], $0x40, s26, s15, $0xb8;
	[tilespmem:$0x1F000] =	vst v63  }
0x25: {  	s26 =	simm.s32 $0x300  }
0x26: {  	[tilespmem:s28], [sflag:$0x2] =	stream.indirect.gather [hbm4b:s9+s15], $0x40, s26, s15, $0xb8;
	[tilespmem:$0x1F000] =	vst v63  }
0x27: {  	s26 =	simm.s32 $0x380  }
0x28: {  	[tilespmem:s30], [sflag:$0x2] =	stream.indirect.gather [hbm4b:s9+s15], $0x40, s26, s15, $0xb8;
	[tilespmem:$0x1F000] =	vst v63  }
0x29: {  	_ =	swait.ge [sflag:s31], $0x2800  }
0x2a: {  	[sflag:s31] =	ssyncset.done $0x0  }
0x2b: {  	[sflag:s31] =	ssyncadd.s32 $0xFFFFD800  }
0x2c: {  	_ =	swait.ge [sflag:s31], $0x1400  }
0x2d: {  	[sflag:s31] =	ssyncset.done $0x0  }
0x2e: {  	[sflag:s31] =	ssyncadd.s32 $0xFFFFEC00  }
0x2f: {  	[bflag:$0x0] =	sbarrier.arrive $0xFFFF  }
0x30: {  	_ =	swait.ge [sflag:s14], $0x2000  }
0x31: {  	[sflag:s14] =	ssyncset.done $0x0  }
0x32: {  	[sflag:s14] =	ssyncadd.s32 $0xFFFFE000  }
0x33: {  	_ =	swait.ge [sflag:s14], $0x2000  }
0x34: {  	[sflag:s14] =	ssyncset.done $0x0  }
0x35: {  	[sflag:s14] =	ssyncadd.s32 $0xFFFFE000  }
0x36: {  	_ =	swait.ge [sflag:s14], $0x2000  }
0x37: {  	[sflag:s14] =	ssyncset.done $0x0  }
0x38: {  	[sflag:s14] =	ssyncadd.s32 $0xFFFFE000  }
0x39: {  	_ =	swait.ge [sflag:s14], $0x2000  }
0x3a: {  	[sflag:s14] =	ssyncset.done $0x0  }
0x3b: {  	s26 =	simm.s32 $0x2800;
	[sflag:s14] =	ssyncadd.s32 $0xFFFFE000  }
0x3c: {  	[spmem:s2] =	stream.indirect.scatter.add.f32 [tilespmem:s16], [sflag:$0x4], $0x40, s26, s15, $0xb8;
	[tilespmem:$0x1F000] =	vst v63  }
0x3d: {  	s18 =	simm.s32 $0x2880  }
0x3e: {  	[spmem:s2] =	stream.indirect.scatter.add.f32 [tilespmem:s17], [sflag:$0x4], $0x40, s18, s15, $0xb8;
	[tilespmem:$0x1F000] =	vst v63  }
0x3f: {  	s18 =	simm.s32 $0x2900  }
0x40: {  	[spmem:s2] =	stream.indirect.scatter.add.f32 [tilespmem:s19], [sflag:$0x4], $0x40, s18, s15, $0xb8;
	[tilespmem:$0x1F000] =	vst v63  }
0x41: {  	s18 =	simm.s32 $0x2980  }
0x42: {  	[spmem:s2] =	stream.indirect.scatter.add.f32 [tilespmem:s21], [sflag:$0x4], $0x40, s18, s15, $0xb8;
	[tilespmem:$0x1F000] =	vst v63  }
0x43: {  	_ =	swait.ge [sflag:s0], $0x2000  }
0x44: {  	[sflag:s0] =	ssyncset.done $0x0  }
0x45: {  	[sflag:s0] =	ssyncadd.s32 $0xFFFFE000  }
0x46: {  	_ =	swait.ge [sflag:s0], $0x2000  }
0x47: {  	[sflag:s0] =	ssyncset.done $0x0  }
0x48: {  	[sflag:s0] =	ssyncadd.s32 $0xFFFFE000  }
0x49: {  	_ =	swait.ge [sflag:s0], $0x2000  }
0x4a: {  	[sflag:s0] =	ssyncset.done $0x0  }
0x4b: {  	[sflag:s0] =	ssyncadd.s32 $0xFFFFE000  }
0x4c: {  	_ =	swait.ge [sflag:s0], $0x2000  }
0x4d: {  	[sflag:s0] =	ssyncset.done $0x0  }
0x4e: {  	s18 =	simm.s32 $0x2A00;
	[sflag:s0] =	ssyncadd.s32 $0xFFFFE000  }
0x4f: {  	[spmem:s2] =	stream.indirect.scatter.add.f32 [tilespmem:s23], [sflag:$0x5], $0x40, s18, s15, $0xb8;
	[tilespmem:$0x1F000] =	vst v63  }
0x50: {  	s18 =	simm.s32 $0x2A80  }
0x51: {  	[spmem:s2] =	stream.indirect.scatter.add.f32 [tilespmem:s25], [sflag:$0x5], $0x40, s18, s15, $0xb8;
	[tilespmem:$0x1F000] =	vst v63  }
0x52: {  	s18 =	simm.s32 $0x2B00  }
0x53: {  	[spmem:s2] =	stream.indirect.scatter.add.f32 [tilespmem:s28], [sflag:$0x5], $0x40, s18, s15, $0xb8;
	[tilespmem:$0x1F000] =	vst v63  }
0x54: {  	s18 =	simm.s32 $0x2B80  }
0x55: {  	[spmem:s2] =	stream.indirect.scatter.add.f32 [tilespmem:s30], [sflag:$0x5], $0x40, s18, s15, $0xb8;
	[tilespmem:$0x1F000] =	vst v63  }
0x56: {  	_ =	swait.ge [sflag:s1], $0x2000  }
0x57: {  	[sflag:s1] =	ssyncset.done $0x0  }
0x58: {  	[sflag:s1] =	ssyncadd.s32 $0xFFFFE000  }
0x59: {  	_ =	swait.ge [sflag:s1], $0x2000  }
0x5a: {  	[sflag:s1] =	ssyncset.done $0x0  }
0x5b: {  	[sflag:s1] =	ssyncadd.s32 $0xFFFFE000  }
0x5c: {  	_ =	swait.ge [sflag:s1], $0x2000  }
0x5d: {  	[sflag:s1] =	ssyncset.done $0x0  }
0x5e: {  	[sflag:s1] =	ssyncadd.s32 $0xFFFFE000  }
0x5f: {  	_ =	swait.ge [sflag:s1], $0x2000  }
0x60: {  	[sflag:s1] =	ssyncset.done $0x0  }
0x61: {  	s18 =	simm.s32 $0x400;
	[sflag:s1] =	ssyncadd.s32 $0xFFFFE000  }
0x62: {  	[tilespmem:s16], [sflag:$0x1] =	stream.indirect.gather [hbm4b:s9+s15], $0x40, s18, s15, $0xb8;
	[tilespmem:$0x1F000] =	vst v63  }
0x63: {  	s18 =	simm.s32 $0x480  }
0x64: {  	[tilespmem:s17], [sflag:$0x1] =	stream.indirect.gather [hbm4b:s9+s15], $0x40, s18, s15, $0xb8;
	[tilespmem:$0x1F000] =	vst v63  }
0x65: {  	s18 =	simm.s32 $0x500  }
0x66: {  	[tilespmem:s19], [sflag:$0x1] =	stream.indirect.gather [hbm4b:s9+s15], $0x40, s18, s15, $0xb8;
	[tilespmem:$0x1F000] =	vst v63  }
0x67: {  	s18 =	simm.s32 $0x580  }
0x68: {  	[tilespmem:s21], [sflag:$0x1] =	stream.indirect.gather [hbm4b:s9+s15], $0x40, s18, s15, $0xb8;
	[tilespmem:$0x1F000] =	vst v63  }
0x69: {  	_ =	swait.ge [sflag:s12], $0x2000  }
0x6a: {  	[sflag:s12] =	ssyncset.done $0x0  }
0x6b: {  	[sflag:s12] =	ssyncadd.s32 $0xFFFFE000  }
0x6c: {  	_ =	swait.ge [sflag:s12], $0x2000  }
0x6d: {  	[sflag:s12] =	ssyncset.done $0x0  }
0x6e: {  	[sflag:s12] =	ssyncadd.s32 $0xFFFFE000  }
0x6f: {  	_ =	swait.ge [sflag:s12], $0x2000  }
0x70: {  	[sflag:s12] =	ssyncset.done $0x0  }
0x71: {  	[sflag:s12] =	ssyncadd.s32 $0xFFFFE000  }
0x72: {  	_ =	swait.ge [sflag:s12], $0x2000  }
0x73: {  	[sflag:s12] =	ssyncset.done $0x0  }
0x74: {  	s18 =	simm.s32 $0x600;
	[sflag:s12] =	ssyncadd.s32 $0xFFFFE000  }
0x75: {  	[tilespmem:s23], [sflag:$0x2] =	stream.indirect.gather [hbm4b:s9+s15], $0x40, s18, s15, $0xb8;
	[tilespmem:$0x1F000] =	vst v63  }
0x76: {  	s18 =	simm.s32 $0x680  }
0x77: {  	[tilespmem:s25], [sflag:$0x2] =	stream.indirect.gather [hbm4b:s9+s15], $0x40, s18, s15, $0xb8;
	[tilespmem:$0x1F000] =	vst v63  }
0x78: {  	s29 =	simm.s32 $0x780;
	s26 =	simm.s32 $0x1000;
	s18 =	simm.s32 $0x700  }
0x79: {  	[tilespmem:s28], [sflag:$0x2] =	stream.indirect.gather [hbm4b:s9+s15], $0x40, s18, s15, $0xb8;
	[tilespmem:$0x1F000] =	vst v63  }
.LBB2_2:
0x7a: {  	[tilespmem:s30], [sflag:$0x2] =	stream.indirect.gather [hbm4b:s9+s15], $0x40, s29, s15, $0xb8;
	[tilespmem:$0x1F000] =	vst v63  }
0x7b: {  	s29 =	smov.u32 s26  }
0x7c: {  	p0 =	sne.s32 s26, $0x8000;
	s26 =	sadd.s32 $0x1000, s26;
	_ =	swait.ge [sflag:s14], $0x2000  }
0x7d: {  	[sflag:s14] =	ssyncset.done $0x0  }
0x7e: {  	[sflag:s14] =	ssyncadd.s32 $0xFFFFE000  }
0x7f: {  	_ =	swait.ge [sflag:s14], $0x2000  }
0x80: {  	[sflag:s14] =	ssyncset.done $0x0  }
0x81: {  	[sflag:s14] =	ssyncadd.s32 $0xFFFFE000  }
0x82: {  	_ =	swait.ge [sflag:s14], $0x2000  }
0x83: {  	[sflag:s14] =	ssyncset.done $0x0  }
0x84: {  	[sflag:s14] =	ssyncadd.s32 $0xFFFFE000  }
0x85: {  	_ =	swait.ge [sflag:s14], $0x2000  }
0x86: {  	s29 =	sshra.s32 s29, $0x2;
	[sflag:s14] =	ssyncset.done $0x0  }
0x87: {  	s18 =	sadd.s32 $0x2800, s29;
	[sflag:s14] =	ssyncadd.s32 $0xFFFFE000  }
0x88: {  	[spmem:s2] =	stream.indirect.scatter.add.f32 [tilespmem:s16], [sflag:$0x4], $0x40, s18, s15, $0xb8;
	[tilespmem:$0x1F000] =	vst v63  }
0x89: {  	s18 =	sadd.s32 $0x2880, s29  }
0x8a: {  	[spmem:s2] =	stream.indirect.scatter.add.f32 [tilespmem:s17], [sflag:$0x4], $0x40, s18, s15, $0xb8;
	[tilespmem:$0x1F000] =	vst v63  }
0x8b: {  	s18 =	sadd.s32 $0x2900, s29  }
0x8c: {  	[spmem:s2] =	stream.indirect.scatter.add.f32 [tilespmem:s19], [sflag:$0x4], $0x40, s18, s15, $0xb8;
	[tilespmem:$0x1F000] =	vst v63  }
0x8d: {  	s18 =	sadd.s32 $0x2980, s29  }
0x8e: {  	[spmem:s2] =	stream.indirect.scatter.add.f32 [tilespmem:s21], [sflag:$0x4], $0x40, s18, s15, $0xb8;
	[tilespmem:$0x1F000] =	vst v63  }
0x8f: {  	_ =	swait.ge [sflag:s0], $0x2000  }
0x90: {  	[sflag:s0] =	ssyncset.done $0x0  }
0x91: {  	[sflag:s0] =	ssyncadd.s32 $0xFFFFE000  }
0x92: {  	_ =	swait.ge [sflag:s0], $0x2000  }
0x93: {  	[sflag:s0] =	ssyncset.done $0x0  }
0x94: {  	[sflag:s0] =	ssyncadd.s32 $0xFFFFE000  }
0x95: {  	_ =	swait.ge [sflag:s0], $0x2000  }
0x96: {  	[sflag:s0] =	ssyncset.done $0x0  }
0x97: {  	[sflag:s0] =	ssyncadd.s32 $0xFFFFE000  }
0x98: {  	_ =	swait.ge [sflag:s0], $0x2000  }
0x99: {  	[sflag:s0] =	ssyncset.done $0x0  }
0x9a: {  	s18 =	sadd.s32 $0x2A00, s29;
	[sflag:s0] =	ssyncadd.s32 $0xFFFFE000  }
0x9b: {  	[spmem:s2] =	stream.indirect.scatter.add.f32 [tilespmem:s23], [sflag:$0x5], $0x40, s18, s15, $0xb8;
	[tilespmem:$0x1F000] =	vst v63  }
0x9c: {  	s18 =	sadd.s32 $0x2A80, s29  }
0x9d: {  	[spmem:s2] =	stream.indirect.scatter.add.f32 [tilespmem:s25], [sflag:$0x5], $0x40, s18, s15, $0xb8;
	[tilespmem:$0x1F000] =	vst v63  }
0x9e: {  	s18 =	sadd.s32 $0x2B00, s29  }
0x9f: {  	[spmem:s2] =	stream.indirect.scatter.add.f32 [tilespmem:s28], [sflag:$0x5], $0x40, s18, s15, $0xb8;
	[tilespmem:$0x1F000] =	vst v63  }
0xa0: {  	s18 =	sadd.s32 $0x2B80, s29  }
0xa1: {  	[spmem:s2] =	stream.indirect.scatter.add.f32 [tilespmem:s30], [sflag:$0x5], $0x40, s18, s15, $0xb8;
	[tilespmem:$0x1F000] =	vst v63  }
0xa2: {  	_ =	swait.ge [sflag:s1], $0x2000  }
0xa3: {  	[sflag:s1] =	ssyncset.done $0x0  }
0xa4: {  	[sflag:s1] =	ssyncadd.s32 $0xFFFFE000  }
0xa5: {  	_ =	swait.ge [sflag:s1], $0x2000  }
0xa6: {  	[sflag:s1] =	ssyncset.done $0x0  }
0xa7: {  	[sflag:s1] =	ssyncadd.s32 $0xFFFFE000  }
0xa8: {  	_ =	swait.ge [sflag:s1], $0x2000  }
0xa9: {  	[sflag:s1] =	ssyncset.done $0x0  }
0xaa: {  	[sflag:s1] =	ssyncadd.s32 $0xFFFFE000  }
0xab: {  	_ =	swait.ge [sflag:s1], $0x2000  }
0xac: {  	[sflag:s1] =	ssyncset.done $0x0  }
0xad: {  	s18 =	sadd.s32 $0x400, s29;
	[sflag:s1] =	ssyncadd.s32 $0xFFFFE000  }
0xae: {  	[tilespmem:s16], [sflag:$0x1] =	stream.indirect.gather [hbm4b:s9+s15], $0x40, s18, s15, $0xb8;
	[tilespmem:$0x1F000] =	vst v63  }
0xaf: {  	s18 =	sadd.s32 $0x480, s29  }
0xb0: {  	[tilespmem:s17], [sflag:$0x1] =	stream.indirect.gather [hbm4b:s9+s15], $0x40, s18, s15, $0xb8;
	[tilespmem:$0x1F000] =	vst v63  }
0xb1: {  	s18 =	sadd.s32 $0x500, s29  }
0xb2: {  	[tilespmem:s19], [sflag:$0x1] =	stream.indirect.gather [hbm4b:s9+s15], $0x40, s18, s15, $0xb8;
	[tilespmem:$0x1F000] =	vst v63  }
0xb3: {  	s18 =	sadd.s32 $0x580, s29  }
0xb4: {  	[tilespmem:s21], [sflag:$0x1] =	stream.indirect.gather [hbm4b:s9+s15], $0x40, s18, s15, $0xb8;
	[tilespmem:$0x1F000] =	vst v63  }
0xb5: {  	_ =	swait.ge [sflag:s12], $0x2000  }
0xb6: {  	[sflag:s12] =	ssyncset.done $0x0  }
0xb7: {  	[sflag:s12] =	ssyncadd.s32 $0xFFFFE000  }
0xb8: {  	_ =	swait.ge [sflag:s12], $0x2000  }
0xb9: {  	[sflag:s12] =	ssyncset.done $0x0  }
0xba: {  	[sflag:s12] =	ssyncadd.s32 $0xFFFFE000  }
0xbb: {  	_ =	swait.ge [sflag:s12], $0x2000  }
0xbc: {  	[sflag:s12] =	ssyncset.done $0x0  }
0xbd: {  	[sflag:s12] =	ssyncadd.s32 $0xFFFFE000  }
0xbe: {  	_ =	swait.ge [sflag:s12], $0x2000  }
0xbf: {  	[sflag:s12] =	ssyncset.done $0x0  }
0xc0: {  	s18 =	sadd.s32 $0x600, s29;
	[sflag:s12] =	ssyncadd.s32 $0xFFFFE000  }
0xc1: {  	[tilespmem:s23], [sflag:$0x2] =	stream.indirect.gather [hbm4b:s9+s15], $0x40, s18, s15, $0xb8;
	[tilespmem:$0x1F000] =	vst v63  }
.Ltmp0:
0xc2: {  	s18 =	sadd.s32 $0x680, s29;
	(pc) =	sbr.rel @p0 .LBB2_2-.Ltmp0, $4  }
0xc3: {  	[tilespmem:s25], [sflag:$0x2] =	stream.indirect.gather [hbm4b:s9+s15], $0x40, s18, s15, $0xb8;
	[tilespmem:$0x1F000] =	vst v63  }
0xc4: {  	s18 =	sadd.s32 $0x700, s29  }
0xc5: {  	[tilespmem:s28], [sflag:$0x2] =	stream.indirect.gather [hbm4b:s9+s15], $0x40, s18, s15, $0xb8;
	[tilespmem:$0x1F000] =	vst v63  }
0xc6: {  	s29 =	sadd.s32 $0x780, s29  }
0xc7: {  	[tilespmem:s30], [sflag:$0x2] =	stream.indirect.gather [hbm4b:s9+s15], $0x40, s29, s15, $0xb8;
	[tilespmem:$0x1F000] =	vst v63  }
0xc8: {  	_ =	swait.ge [sflag:s14], $0x2000  }
0xc9: {  	[sflag:s14] =	ssyncset.done $0x0  }
0xca: {  	[sflag:s14] =	ssyncadd.s32 $0xFFFFE000  }
0xcb: {  	_ =	swait.ge [sflag:s14], $0x2000  }
0xcc: {  	[sflag:s14] =	ssyncset.done $0x0  }
0xcd: {  	[sflag:s14] =	ssyncadd.s32 $0xFFFFE000  }
0xce: {  	_ =	swait.ge [sflag:s14], $0x2000  }
0xcf: {  	[sflag:s14] =	ssyncset.done $0x0  }
0xd0: {  	[sflag:s14] =	ssyncadd.s32 $0xFFFFE000  }
0xd1: {  	_ =	swait.ge [sflag:s14], $0x2000  }
0xd2: {  	[sflag:s14] =	ssyncset.done $0x0  }
0xd3: {  	s18 =	simm.s32 $0x4C00;
	[sflag:s14] =	ssyncadd.s32 $0xFFFFE000  }
0xd4: {  	[spmem:s2] =	stream.indirect.scatter.add.f32 [tilespmem:s16], [sflag:$0x4], $0x40, s18, s15, $0xb8;
	[tilespmem:$0x1F000] =	vst v63  }
0xd5: {  	s29 =	simm.s32 $0x4C80  }
0xd6: {  	[spmem:s2] =	stream.indirect.scatter.add.f32 [tilespmem:s17], [sflag:$0x4], $0x40, s29, s15, $0xb8;
	[tilespmem:$0x1F000] =	vst v63  }
0xd7: {  	s26 =	simm.s32 $0x4D00  }
0xd8: {  	[spmem:s2] =	stream.indirect.scatter.add.f32 [tilespmem:s19], [sflag:$0x4], $0x40, s26, s15, $0xb8;
	[tilespmem:$0x1F000] =	vst v63  }
0xd9: {  	s29 =	simm.s32 $0x4D80  }
0xda: {  	[spmem:s2] =	stream.indirect.scatter.add.f32 [tilespmem:s21], [sflag:$0x4], $0x40, s29, s15, $0xb8;
	[tilespmem:$0x1F000] =	vst v63  }
0xdb: {  	_ =	swait.ge [sflag:s0], $0x2000  }
0xdc: {  	[sflag:s0] =	ssyncset.done $0x0  }
0xdd: {  	[sflag:s0] =	ssyncadd.s32 $0xFFFFE000  }
0xde: {  	_ =	swait.ge [sflag:s0], $0x2000  }
0xdf: {  	[sflag:s0] =	ssyncset.done $0x0  }
0xe0: {  	[sflag:s0] =	ssyncadd.s32 $0xFFFFE000  }
0xe1: {  	_ =	swait.ge [sflag:s0], $0x2000  }
0xe2: {  	[sflag:s0] =	ssyncset.done $0x0  }
0xe3: {  	[sflag:s0] =	ssyncadd.s32 $0xFFFFE000  }
0xe4: {  	_ =	swait.ge [sflag:s0], $0x2000  }
0xe5: {  	[sflag:s0] =	ssyncset.done $0x0  }
0xe6: {  	s26 =	simm.s32 $0x4E00;
	[sflag:s0] =	ssyncadd.s32 $0xFFFFE000  }
0xe7: {  	[spmem:s2] =	stream.indirect.scatter.add.f32 [tilespmem:s23], [sflag:$0x5], $0x40, s26, s15, $0xb8;
	[tilespmem:$0x1F000] =	vst v63  }
0xe8: {  	s29 =	simm.s32 $0x4E80  }
0xe9: {  	[spmem:s2] =	stream.indirect.scatter.add.f32 [tilespmem:s25], [sflag:$0x5], $0x40, s29, s15, $0xb8;
	[tilespmem:$0x1F000] =	vst v63  }
0xea: {  	s26 =	simm.s32 $0x4F00  }
0xeb: {  	[spmem:s2] =	stream.indirect.scatter.add.f32 [tilespmem:s28], [sflag:$0x5], $0x40, s26, s15, $0xb8;
	[tilespmem:$0x1F000] =	vst v63  }
0xec: {  	_ = 	snop  }
0xed: {  	[spmem:s2] =	stream.indirect.scatter.add.f32 [tilespmem:s30], [sflag:$0x5], $0x40, s20, s15, $0xb8;
	[tilespmem:$0x1F000] =	vst v63  }
0xee: {  	_ =	swait.ge [sflag:s1], $0x2000  }
0xef: {  	[sflag:s1] =	ssyncset.done $0x0  }
0xf0: {  	[sflag:s1] =	ssyncadd.s32 $0xFFFFE000  }
0xf1: {  	_ =	swait.ge [sflag:s1], $0x2000  }
0xf2: {  	[sflag:s1] =	ssyncset.done $0x0  }
0xf3: {  	[sflag:s1] =	ssyncadd.s32 $0xFFFFE000  }
0xf4: {  	_ =	swait.ge [sflag:s1], $0x2000  }
0xf5: {  	[sflag:s1] =	ssyncset.done $0x0  }
0xf6: {  	[sflag:s1] =	ssyncadd.s32 $0xFFFFE000  }
0xf7: {  	_ =	swait.ge [sflag:s1], $0x2000  }
0xf8: {  	[sflag:s1] =	ssyncset.done $0x0  }
0xf9: {  	[sflag:s1] =	ssyncadd.s32 $0xFFFFE000  }
0xfa: {  	_ =	swait.ge [sflag:s12], $0x2000  }
0xfb: {  	[sflag:s12] =	ssyncset.done $0x0  }
0xfc: {  	[sflag:s12] =	ssyncadd.s32 $0xFFFFE000  }
0xfd: {  	_ =	swait.ge [sflag:s12], $0x2000  }
0xfe: {  	[sflag:s12] =	ssyncset.done $0x0  }
0xff: {  	[sflag:s12] =	ssyncadd.s32 $0xFFFFE000  }
0x100: {  	_ =	swait.ge [sflag:s12], $0x2000  }
0x101: {  	[sflag:s12] =	ssyncset.done $0x0  }
0x102: {  	[sflag:s12] =	ssyncadd.s32 $0xFFFFE000  }
0x103: {  	_ =	swait.ge [sflag:s12], $0x2000  }
0x104: {  	s24 =	sadd.s32 $0x1, s24;
	[sflag:s12] =	ssyncset.done $0x0  }
0x105: {  	p0 =	sne.s32 s24, s11;
	[sflag:s12] =	ssyncadd.s32 $0xFFFFE000  }
.Ltmp1:
0x106: {  	s29 =	sor.u32 $0x1C06, s7;
	[bflag:$0x0] =	sbarrier.arrive $0xFFFF;
	(pc) =	sbr.rel @p0 .LBB2_1-.Ltmp1, $4  }
0x107: {  	[hbm:s10], [sflag:s29] =	dma.local [spmem:s13], $0x1400  }
0x108: {  	_ =	swait.ge [sflag:s22], $0x1400  }
0x109: {  	[sflag:s22] =	ssyncset.done $0x0  }
0x10a: {  	[sflag:s22] =	ssyncadd.s32 $0xFFFFEC00  }
0x10b: {  	_ =	sfence.sel $0x180000  }
0x10c: {  	[bflag:$0x0] =	sbarrier.arrive $0xFFFF  }
0x10d: {  	_ =	strace $0x9000004D  }
0x10e: {  	s0 =	stileid.u32;
	[bflag:$0x2] =	sbarrier.arrive $0xFFFF  }
0x10f: {  	p0 =	sne.s32 s0, $0x0;
	s0 =	rddreg [dreg:$0x2]  }
0x110: {  	s0 =	sadd.s32 @!p0 $0x100000, s0  }
0x111: {  	[sflag:s0] =	ssyncadd.tile.s32 @!p0 $0x1;
	_ =	shalt  }
.Lfunc_end2:
_tile_overlayer_lowered:
.L_overlay_start_2:
0x112: {  	(tag) =	ssettag $0x2  }
0x113: {  	s0 =	rddreg [dreg:$0x0];
	s2 =	stileid.u32  }
0x114: {  	s1 =	rddreg [dreg:$0x1];
	p0 =	sne.s32 s2, $0x0  }
0x115: {  	s3 =	rddreg [dreg:$0x2];
	[bflag:$0x3] =	sbarrier.arrive $0xFFFF;
	s2 =	simm.s32 @!p0 $0x1C06  }
0x116: {  	[timem:s3], [sflag:s2] =	dma.local @!p0 [hbm:s0], s1  }
0x117: {  	s0 =	simm.s32 @!p0 $0x6  }
0x118: {  	_ =	swait.ge @!p0 [sflag:s0], s1  }
0x119: {  	s1 =	ssub.s32 @!p0 $0x0, s1;
	[sflag:s0] =	ssyncset.done @!p0 $0x0  }
0x11a: {  	[sflag:s0] =	ssyncadd.s32 @!p0 s1  }
0x11b: {  	[bflag:$0x3] =	sbarrier.arrive $0xFFFF  }
0x11c: {  	_ =	shalt  }

</sc_bundles>
